<compile_context>
chip_gen: v7x
topology: tpu7x:2x2x1
jax: 0.10.2.dev20260603
libtpu: 0.0.44.dev20260713+nightly
codegen_flags: <defaults>
</compile_context>

<pallas_src>
import functools

import jax
import jax.numpy as jnp
from jax import lax
from jax.experimental import pallas as pl
from jax.experimental.pallas import tpu as pltpu
from jax.experimental.pallas import tpu_sc as plsc

N = 10000
E = 320000
D = 64
NC, NS, L = 2, 16, 16
NW = NC * NS
K = 128
EPT = E // NW
C = -(-EPT // K)
EPT_PAD = C * K
N_PAD = 10240
RPT = N_PAD // NS
BN = 512
EPS = 1e-5

_mesh = plsc.VectorSubcoreMesh(core_axis_name="c", subcore_axis_name="s")
_sc_params = pltpu.CompilerParams(use_tc_tiling_on_sc=False)


def _sc_body(with_deg, *refs):
    if with_deg:
        (z_hbm, srcs_hbm, dsts_hbm, zrow_hbm, ones_hbm, zrow16_hbm,
         out_hbm, deg_hbm, src_v, dst_v, rows_v, ones_v, acc_sh, deg_sh,
         sem) = refs
    else:
        (z_hbm, srcs_hbm, dsts_hbm, zrow_hbm,
         out_hbm, src_v, dst_v, rows_v, acc_sh, sem) = refs

    cid = lax.axis_index("c")
    sid = lax.axis_index("s")
    wid = cid * NS + sid

    pltpu.sync_copy(srcs_hbm.at[wid], src_v)
    pltpu.sync_copy(dsts_hbm.at[wid], dst_v)

    pltpu.sync_copy(zrow_hbm, rows_v)
    for j in range(RPT // K):
        pltpu.sync_copy(rows_v, acc_sh.at[pl.ds(sid * RPT + j * K, K)])
    if with_deg:
        pltpu.sync_copy(zrow16_hbm, ones_v)
        for j in range(RPT // K):
            pltpu.sync_copy(ones_v, deg_sh.at[pl.ds(sid * RPT + j * K, K)])
        pltpu.sync_copy(ones_hbm, ones_v)
    plsc.subcore_barrier()

    def body(c, carry):
        pltpu.async_copy(z_hbm.at[src_v.at[c]], rows_v, sem).wait()
        pltpu.sync_copy(rows_v, acc_sh.at[dst_v.at[c]], add=True)
        if with_deg:
            pltpu.sync_copy(ones_v, deg_sh.at[dst_v.at[c]], add=True)
        return carry

    lax.fori_loop(0, C, body, 0)
    plsc.subcore_barrier()

    sl = pl.ds(sid * RPT, RPT)
    pltpu.sync_copy(acc_sh.at[sl], out_hbm.at[cid, sl])
    if with_deg:
        pltpu.sync_copy(deg_sh.at[sl], deg_hbm.at[cid, sl])


_sc_agg = functools.partial(
    pl.kernel,
    functools.partial(_sc_body, False),
    out_type=jax.ShapeDtypeStruct((NC, N_PAD, D), jnp.float32),
    mesh=_mesh,
    scratch_types=[
        pltpu.VMEM((C, K), jnp.int32),
        pltpu.VMEM((C, K), jnp.int32),
        pltpu.VMEM((K, D), jnp.float32),
        pltpu.VMEM_SHARED((N_PAD, D), jnp.float32),
        pltpu.SemaphoreType.DMA,
    ],
    compiler_params=_sc_params,
)()

_sc_agg_deg = functools.partial(
    pl.kernel,
    functools.partial(_sc_body, True),
    out_type=(jax.ShapeDtypeStruct((NC, N_PAD, D), jnp.float32),
              jax.ShapeDtypeStruct((NC, N_PAD, L), jnp.float32)),
    mesh=_mesh,
    scratch_types=[
        pltpu.VMEM((C, K), jnp.int32),
        pltpu.VMEM((C, K), jnp.int32),
        pltpu.VMEM((K, D), jnp.float32),
        pltpu.VMEM((K, L), jnp.float32),
        pltpu.VMEM_SHARED((N_PAD, D), jnp.float32),
        pltpu.VMEM_SHARED((N_PAD, L), jnp.float32),
        pltpu.SemaphoreType.DMA,
    ],
    compiler_params=_sc_params,
)()



def _mm(a, b):
    return jnp.dot(a, b, preferred_element_type=jnp.float32)


def _tc_pre_body(x_ref, w_ref, o_ref):
    o_ref[...] = _mm(x_ref[...], w_ref[...])


def _layer_tail(pre, g, beta):
    mu = jnp.mean(pre, axis=-1, keepdims=True)
    var = jnp.mean((pre - mu) ** 2, axis=-1, keepdims=True)
    h = (pre - mu) / jnp.sqrt(var + EPS) * g + beta
    return jnp.maximum(h, 0.0)


def _tc_stage_body(has_next, p_ref, dp_ref, h_ref, wr_ref, b_ref, g_ref,
                   beta_ref, *rest):
    if has_next:
        wl_ref, ho_ref, zo_ref = rest
    else:
        (ho_ref,) = rest
    dp = dp_ref[...]
    deg = dp[0, :, 0] + dp[1, :, 0]
    agg = (p_ref[0] + p_ref[1]) / jnp.maximum(deg, 1.0)[:, None]
    pre = agg + b_ref[...] + _mm(h_ref[...], wr_ref[...])
    h = _layer_tail(pre, g_ref[...], beta_ref[...])
    ho_ref[...] = h
    if has_next:
        zo_ref[...] = _mm(h, wl_ref[...])


def _tc_final_body(p_ref, dp_ref, h_ref, wl_ref, b_ref, wr_ref, g_ref,
                   beta_ref, o_ref):
    dp = dp_ref[...]
    deg = dp[0, :, 0] + dp[1, :, 0]
    agg = (p_ref[0] + p_ref[1]) / jnp.maximum(deg, 1.0)[:, None]
    pre = _mm(agg, wl_ref[...]) + b_ref[...] + _mm(h_ref[...], wr_ref[...])
    o_ref[...] = _layer_tail(pre, g_ref[...], beta_ref[...])


def _row_spec(d):
    return pl.BlockSpec((BN, d), lambda i: (i, 0))


def _full_spec(*shape):
    return pl.BlockSpec(shape, lambda i: (0,) * len(shape))


_GRID = (N_PAD // BN,)

_P_SPEC = pl.BlockSpec((NC, BN, D), lambda i: (0, i, 0))
_DP_SPEC = pl.BlockSpec((NC, BN, L), lambda i: (0, i, 0))


def _tc_pre():
    return pl.pallas_call(
        _tc_pre_body,
        grid=_GRID,
        in_specs=[_row_spec(128), _full_spec(128, D)],
        out_specs=_row_spec(D),
        out_shape=jax.ShapeDtypeStruct((N_PAD, D), jnp.float32),
    )


def _tc_stage(has_next):
    in_specs = [_P_SPEC, _DP_SPEC, _row_spec(D), _full_spec(D, D),
                _full_spec(1, D), _full_spec(1, D), _full_spec(1, D)]
    if has_next:
        in_specs.append(_full_spec(D, D))
        out_specs = [_row_spec(D), _row_spec(D)]
        out_shape = [jax.ShapeDtypeStruct((N_PAD, D), jnp.float32)] * 2
    else:
        out_specs = _row_spec(D)
        out_shape = jax.ShapeDtypeStruct((N_PAD, D), jnp.float32)
    return pl.pallas_call(
        functools.partial(_tc_stage_body, has_next),
        grid=_GRID,
        in_specs=in_specs,
        out_specs=out_specs,
        out_shape=out_shape,
    )


def _tc_stage0():
    in_specs = [_P_SPEC, _DP_SPEC, _row_spec(128), _full_spec(128, D),
                _full_spec(1, D), _full_spec(1, D), _full_spec(1, D),
                _full_spec(D, D)]
    return pl.pallas_call(
        functools.partial(_tc_stage_body, True),
        grid=_GRID,
        in_specs=in_specs,
        out_specs=[_row_spec(D), _row_spec(D)],
        out_shape=[jax.ShapeDtypeStruct((N_PAD, D), jnp.float32)] * 2,
    )


def _tc_final():
    in_specs = [_P_SPEC, _DP_SPEC, _row_spec(D), _full_spec(D, 128),
                _full_spec(1, 128), _full_spec(D, 128), _full_spec(1, 128),
                _full_spec(1, 128)]
    return pl.pallas_call(
        _tc_final_body,
        grid=_GRID,
        in_specs=in_specs,
        out_specs=_row_spec(128),
        out_shape=jax.ShapeDtypeStruct((N_PAD, 128), jnp.float32),
    )


def kernel(x, edge_index, Wl0, bl0, Wr0, g0, beta0, Wl1, bl1, Wr1, g1, beta1,
           Wl2, bl2, Wr2, g2, beta2, Wl3, bl3, Wr3, g3, beta3):
    f32 = jnp.float32
    src = edge_index[0].astype(jnp.int32)
    dst = edge_index[1].astype(jnp.int32)
    pad_e = NW * EPT_PAD - E
    srcs = jnp.concatenate([src, jnp.zeros((pad_e,), jnp.int32)]).reshape(NW, C, K)
    dsts = jnp.concatenate([dst, jnp.full((pad_e,), N, jnp.int32)]).reshape(NW, C, K)
    x_pad = jnp.zeros((N_PAD, 128), f32).at[:N].set(x)
    zrow = jnp.zeros((K, D), f32)
    zrow16 = jnp.zeros((K, L), f32)
    ones16 = jnp.ones((K, L), f32)

    r1 = lambda v: v.reshape(1, -1).astype(f32)

    z0 = _tc_pre()(x_pad, Wl0)
    p0, dp = _sc_agg_deg(z0, srcs, dsts, zrow, ones16, zrow16)
    h1, z1 = _tc_stage0()(p0, dp, x_pad, Wr0, r1(bl0), r1(g0), r1(beta0), Wl1)
    p1 = _sc_agg(z1, srcs, dsts, zrow)
    h2, z2 = _tc_stage(True)(p1, dp, h1, Wr1, r1(bl1), r1(g1), r1(beta1), Wl2)
    p2 = _sc_agg(z2, srcs, dsts, zrow)
    h3 = _tc_stage(False)(p2, dp, h2, Wr2, r1(bl2), r1(g2), r1(beta2))
    p3 = _sc_agg(h3, srcs, dsts, zrow)
    out = _tc_final()(p3, dp, h3, Wl3, r1(bl3), Wr3, r1(g3), r1(beta3))
    return out[:N]

# --- scband reference (transcript-rebuilt; emitter-appended) ---
"""Pipeline reference for scband-graph-sagev2-12704513261865 (READ-ONLY COPY).

The authoritative reference and input builder live on the scoring server;
editing this copy changes nothing except your own understanding.
"""

import jax, jax.numpy as jnp
import numpy as np

DIMS = [(128, 64), (64, 64), (64, 64), (64, 128)]


def setup_inputs(seed: int = 0) -> dict:
    key = jax.random.key(seed)
    ks = jax.random.split(key, 16)
    N, E = 10000, 320000
    inp = {}
    inp["x"] = jax.random.normal(ks[0], (N, 128), dtype=jnp.float32)
    inp["edge_index"] = jax.random.randint(ks[1], (2, E), 0, N)
    ki = 2
    for i, (din, dout) in enumerate(DIMS):
        inp[f"Wl{i}"] = jax.random.normal(ks[ki], (din, dout), dtype=jnp.float32) * (1.0 / np.sqrt(din)); ki += 1
        inp[f"bl{i}"] = jnp.zeros((dout,), dtype=jnp.float32)
        inp[f"Wr{i}"] = jax.random.normal(ks[ki], (din, dout), dtype=jnp.float32) * (1.0 / np.sqrt(din)); ki += 1
        inp[f"g{i}"] = jnp.ones((dout,), dtype=jnp.float32)
        inp[f"beta{i}"] = jnp.zeros((dout,), dtype=jnp.float32)
    return inp


def _sage_block(x, edge_index, Wl, bl, Wr, g, b):
    # SAGEConv with mean aggregation: lin_l(mean_{j in N(i)} x_j) + lin_r(x_i)
    src = edge_index[0]
    dst = edge_index[1]
    N = x.shape[0]
    msg = jnp.take(x, src, axis=0)                      # gather neighbor features
    agg = jax.ops.segment_sum(msg, dst, num_segments=N)  # scatter-add to dst nodes
    deg = jax.ops.segment_sum(jnp.ones((edge_index.shape[1],), x.dtype), dst, num_segments=N)
    agg = agg / jnp.maximum(deg, 1.0)[:, None]
    h = agg @ Wl + bl + x @ Wr
    # LayerNorm over feature dim (affine)
    mu = jnp.mean(h, axis=-1, keepdims=True)
    var = jnp.var(h, axis=-1, keepdims=True)
    h = (h - mu) / jnp.sqrt(var + 1e-5) * g + b
    # ReLU; dropout_rate=0.0 -> identity
    return jax.nn.relu(h)


def reference(x, edge_index, Wl0, bl0, Wr0, g0, beta0, Wl1, bl1, Wr1, g1, beta1, Wl2, bl2, Wr2, g2, beta2, Wl3, bl3, Wr3, g3, beta3):
    params = [
        (Wl0, bl0, Wr0, g0, beta0),
        (Wl1, bl1, Wr1, g1, beta1),
        (Wl2, bl2, Wr2, g2, beta2),
        (Wl3, bl3, Wr3, g3, beta3),
    ]
    h = x
    for (Wl, bl, Wr, g, b) in params:
        h = _sage_block(h, edge_index, Wl, bl, Wr, g, b)
    return h

if __name__ == "__main__":
    import jax
    _d = setup_inputs()
    print(jax.jit(kernel)(*tuple(_d.values())))

</pallas_src>

<mosaic_0001>
#map = affine_map<(d0, d1) -> (0, 0)>
#map1 = affine_map<(d0, d1) -> (0, 0, 0)>
module attributes {stable_mosaic.version = 14 : i64} {
  func.func @_sc_body(%arg0: i32, %arg1: i32, %arg2: memref<10240x64xf32, #tpu.memory_space<hbm>>, %arg3: memref<32x79x128xi32, #tpu.memory_space<hbm>>, %arg4: memref<32x79x128xi32, #tpu.memory_space<hbm>>, %arg5: memref<128x64xf32, #tpu.memory_space<hbm>>, %arg6: memref<128x16xf32, #tpu.memory_space<hbm>>, %arg7: memref<128x16xf32, #tpu.memory_space<hbm>>, %arg8: memref<2x10240x64xf32, #tpu.memory_space<hbm>>, %arg9: memref<2x10240x16xf32, #tpu.memory_space<hbm>>, %arg10: memref<79x128xi32, #tpu.memory_space<vmem>>, %arg11: memref<79x128xi32, #tpu.memory_space<vmem>>, %arg12: memref<128x64xf32, #tpu.memory_space<vmem>>, %arg13: memref<128x16xf32, #tpu.memory_space<vmem>>, %arg14: memref<10240x64xf32, #tpu.memory_space<vmem_shared>>, %arg15: memref<10240x16xf32, #tpu.memory_space<vmem_shared>>, %arg16: memref<!tpu.dma_semaphore, #tpu.memory_space<semaphore_mem>>) attributes {dimension_semantics = [#tpu.dimension_semantics<core_parallel>, #tpu.dimension_semantics<subcore_parallel>], iteration_bounds = array<i64: 2, 16>, scalar_prefetch = 0 : i64, scratch_operands = 7 : i64, tpu.core_type = #tpu.core_type<sc_vector_subcore>, window_params = [{transform_indices = #map}, {transform_indices = #map1}, {transform_indices = #map1}, {transform_indices = #map}, {transform_indices = #map}, {transform_indices = #map}, {transform_indices = #map1}, {transform_indices = #map1}]} {
    %mul3A = arith.constant 16 : i32
    %mul3A_0 = arith.muli %arg0, %mul3A : i32
    %add3A = arith.addi %mul3A_0, %arg1 : i32
    "tpu.region"() ({
      %run_scoped3A = tpu.sem_alloc : memref<!tpu.dma_semaphore, #tpu.memory_space<semaphore_mem>>
      %dma_start3A = arith.constant 0 : i32
      %dma_start3A_49 = arith.constant 0 : i32
      %dma_start3A_50 = tpu.memref_slice %arg3[%add3A, %dma_start3A, %dma_start3A_49] : memref<32x79x128xi32, #tpu.memory_space<hbm>> -> memref<1x79x128xi32, #tpu.memory_space<hbm>>
      %dma_start3A_51 = tpu.memref_squeeze %dma_start3A_50 : memref<1x79x128xi32, #tpu.memory_space<hbm>> -> memref<79x128xi32, #tpu.memory_space<hbm>>
      %dma_start3A_52 = arith.constant 0 : i32
      %dma_start3A_53 = arith.constant 0 : i32
      %dma_start3A_54 = tpu.memref_slice %arg3[%add3A, %dma_start3A_52, %dma_start3A_53] : memref<32x79x128xi32, #tpu.memory_space<hbm>> -> memref<1x79x128xi32, #tpu.memory_space<hbm>>
      %dma_start3A_55 = tpu.memref_squeeze %dma_start3A_54 : memref<1x79x128xi32, #tpu.memory_space<hbm>> -> memref<79x128xi32, #tpu.memory_space<hbm>>
      tpu.enqueue_dma source(%dma_start3A_55 : memref<79x128xi32, #tpu.memory_space<hbm>>) target(%arg10 : memref<79x128xi32, #tpu.memory_space<vmem>>) target_semaphore(%run_scoped3A : memref<!tpu.dma_semaphore, #tpu.memory_space<semaphore_mem>>)
      %dma_wait3A = arith.constant 0 : i32
      %dma_wait3A_56 = arith.constant 0 : i32
      %dma_wait3A_57 = tpu.memref_slice %arg3[%add3A, %dma_wait3A, %dma_wait3A_56] : memref<32x79x128xi32, #tpu.memory_space<hbm>> -> memref<1x79x128xi32, #tpu.memory_space<hbm>>
      %dma_wait3A_58 = tpu.memref_squeeze %dma_wait3A_57 : memref<1x79x128xi32, #tpu.memory_space<hbm>> -> memref<79x128xi32, #tpu.memory_space<hbm>>
      %dma_wait3A_59 = arith.constant 0 : i32
      %dma_wait3A_60 = arith.constant 0 : i32
      %dma_wait3A_61 = tpu.memref_slice %arg3[%add3A, %dma_wait3A_59, %dma_wait3A_60] : memref<32x79x128xi32, #tpu.memory_space<hbm>> -> memref<1x79x128xi32, #tpu.memory_space<hbm>>
      %dma_wait3A_62 = tpu.memref_squeeze %dma_wait3A_61 : memref<1x79x128xi32, #tpu.memory_space<hbm>> -> memref<79x128xi32, #tpu.memory_space<hbm>>
      tpu.wait_dma2 semaphore(%run_scoped3A : memref<!tpu.dma_semaphore, #tpu.memory_space<semaphore_mem>>) src(%dma_wait3A_62 : memref<79x128xi32, #tpu.memory_space<hbm>>) dst(%arg10 : memref<79x128xi32, #tpu.memory_space<vmem>>)
      tpu.yield
    }) : () -> ()
    "tpu.region"() ({
      %run_scoped3A = tpu.sem_alloc : memref<!tpu.dma_semaphore, #tpu.memory_space<semaphore_mem>>
      %dma_start3A = arith.constant 0 : i32
      %dma_start3A_49 = arith.constant 0 : i32
      %dma_start3A_50 = tpu.memref_slice %arg4[%add3A, %dma_start3A, %dma_start3A_49] : memref<32x79x128xi32, #tpu.memory_space<hbm>> -> memref<1x79x128xi32, #tpu.memory_space<hbm>>
      %dma_start3A_51 = tpu.memref_squeeze %dma_start3A_50 : memref<1x79x128xi32, #tpu.memory_space<hbm>> -> memref<79x128xi32, #tpu.memory_space<hbm>>
      %dma_start3A_52 = arith.constant 0 : i32
      %dma_start3A_53 = arith.constant 0 : i32
      %dma_start3A_54 = tpu.memref_slice %arg4[%add3A, %dma_start3A_52, %dma_start3A_53] : memref<32x79x128xi32, #tpu.memory_space<hbm>> -> memref<1x79x128xi32, #tpu.memory_space<hbm>>
      %dma_start3A_55 = tpu.memref_squeeze %dma_start3A_54 : memref<1x79x128xi32, #tpu.memory_space<hbm>> -> memref<79x128xi32, #tpu.memory_space<hbm>>
      tpu.enqueue_dma source(%dma_start3A_55 : memref<79x128xi32, #tpu.memory_space<hbm>>) target(%arg11 : memref<79x128xi32, #tpu.memory_space<vmem>>) target_semaphore(%run_scoped3A : memref<!tpu.dma_semaphore, #tpu.memory_space<semaphore_mem>>)
      %dma_wait3A = arith.constant 0 : i32
      %dma_wait3A_56 = arith.constant 0 : i32
      %dma_wait3A_57 = tpu.memref_slice %arg4[%add3A, %dma_wait3A, %dma_wait3A_56] : memref<32x79x128xi32, #tpu.memory_space<hbm>> -> memref<1x79x128xi32, #tpu.memory_space<hbm>>
      %dma_wait3A_58 = tpu.memref_squeeze %dma_wait3A_57 : memref<1x79x128xi32, #tpu.memory_space<hbm>> -> memref<79x128xi32, #tpu.memory_space<hbm>>
      %dma_wait3A_59 = arith.constant 0 : i32
      %dma_wait3A_60 = arith.constant 0 : i32
      %dma_wait3A_61 = tpu.memref_slice %arg4[%add3A, %dma_wait3A_59, %dma_wait3A_60] : memref<32x79x128xi32, #tpu.memory_space<hbm>> -> memref<1x79x128xi32, #tpu.memory_space<hbm>>
      %dma_wait3A_62 = tpu.memref_squeeze %dma_wait3A_61 : memref<1x79x128xi32, #tpu.memory_space<hbm>> -> memref<79x128xi32, #tpu.memory_space<hbm>>
      tpu.wait_dma2 semaphore(%run_scoped3A : memref<!tpu.dma_semaphore, #tpu.memory_space<semaphore_mem>>) src(%dma_wait3A_62 : memref<79x128xi32, #tpu.memory_space<hbm>>) dst(%arg11 : memref<79x128xi32, #tpu.memory_space<vmem>>)
      tpu.yield
    }) : () -> ()
    "tpu.region"() ({
      %run_scoped3A = tpu.sem_alloc : memref<!tpu.dma_semaphore, #tpu.memory_space<semaphore_mem>>
      tpu.enqueue_dma source(%arg5 : memref<128x64xf32, #tpu.memory_space<hbm>>) target(%arg12 : memref<128x64xf32, #tpu.memory_space<vmem>>) target_semaphore(%run_scoped3A : memref<!tpu.dma_semaphore, #tpu.memory_space<semaphore_mem>>)
      tpu.wait_dma2 semaphore(%run_scoped3A : memref<!tpu.dma_semaphore, #tpu.memory_space<semaphore_mem>>) src(%arg5 : memref<128x64xf32, #tpu.memory_space<hbm>>) dst(%arg12 : memref<128x64xf32, #tpu.memory_space<vmem>>)
      tpu.yield
    }) : () -> ()
    %mul3A_1 = arith.constant 640 : i32
    %mul3A_2 = arith.muli %arg1, %mul3A_1 : i32
    %add3A_3 = arith.constant 0 : i32
    %add3A_4 = arith.addi %mul3A_2, %add3A_3 : i32
    "tpu.region"() ({
      %run_scoped3A = tpu.sem_alloc : memref<!tpu.dma_semaphore, #tpu.memory_space<semaphore_mem>>
      %dma_start3A = arith.constant 0 : i32
      %dma_start3A_49 = tpu.memref_slice %arg14[%add3A_4, %dma_start3A] : memref<10240x64xf32, #tpu.memory_space<vmem_shared>> -> memref<128x64xf32, #tpu.memory_space<vmem_shared>>
      %dma_start3A_50 = arith.constant 0 : i32
      %dma_start3A_51 = tpu.memref_slice %arg14[%add3A_4, %dma_start3A_50] : memref<10240x64xf32, #tpu.memory_space<vmem_shared>> -> memref<128x64xf32, #tpu.memory_space<vmem_shared>>
      tpu.enqueue_dma source(%arg12 : memref<128x64xf32, #tpu.memory_space<vmem>>) target(%dma_start3A_51 : memref<128x64xf32, #tpu.memory_space<vmem_shared>>) target_semaphore(%run_scoped3A : memref<!tpu.dma_semaphore, #tpu.memory_space<semaphore_mem>>)
      %dma_wait3A = arith.constant 0 : i32
      %dma_wait3A_52 = tpu.memref_slice %arg14[%add3A_4, %dma_wait3A] : memref<10240x64xf32, #tpu.memory_space<vmem_shared>> -> memref<128x64xf32, #tpu.memory_space<vmem_shared>>
      %dma_wait3A_53 = arith.constant 0 : i32
      %dma_wait3A_54 = tpu.memref_slice %arg14[%add3A_4, %dma_wait3A_53] : memref<10240x64xf32, #tpu.memory_space<vmem_shared>> -> memref<128x64xf32, #tpu.memory_space<vmem_shared>>
      tpu.wait_dma2 semaphore(%run_scoped3A : memref<!tpu.dma_semaphore, #tpu.memory_space<semaphore_mem>>) src(%arg12 : memref<128x64xf32, #tpu.memory_space<vmem>>) dst(%dma_wait3A_54 : memref<128x64xf32, #tpu.memory_space<vmem_shared>>)
      tpu.yield
    }) : () -> ()
    %mul3A_5 = arith.constant 640 : i32
    %mul3A_6 = arith.muli %arg1, %mul3A_5 : i32
    %add3A_7 = arith.constant 128 : i32
    %add3A_8 = arith.addi %mul3A_6, %add3A_7 : i32
    "tpu.region"() ({
      %run_scoped3A = tpu.sem_alloc : memref<!tpu.dma_semaphore, #tpu.memory_space<semaphore_mem>>
      %dma_start3A = arith.constant 0 : i32
      %dma_start3A_49 = tpu.memref_slice %arg14[%add3A_8, %dma_start3A] : memref<10240x64xf32, #tpu.memory_space<vmem_shared>> -> memref<128x64xf32, #tpu.memory_space<vmem_shared>>
      %dma_start3A_50 = arith.constant 0 : i32
      %dma_start3A_51 = tpu.memref_slice %arg14[%add3A_8, %dma_start3A_50] : memref<10240x64xf32, #tpu.memory_space<vmem_shared>> -> memref<128x64xf32, #tpu.memory_space<vmem_shared>>
      tpu.enqueue_dma source(%arg12 : memref<128x64xf32, #tpu.memory_space<vmem>>) target(%dma_start3A_51 : memref<128x64xf32, #tpu.memory_space<vmem_shared>>) target_semaphore(%run_scoped3A : memref<!tpu.dma_semaphore, #tpu.memory_space<semaphore_mem>>)
      %dma_wait3A = arith.constant 0 : i32
      %dma_wait3A_52 = tpu.memref_slice %arg14[%add3A_8, %dma_wait3A] : memref<10240x64xf32, #tpu.memory_space<vmem_shared>> -> memref<128x64xf32, #tpu.memory_space<vmem_shared>>
      %dma_wait3A_53 = arith.constant 0 : i32
      %dma_wait3A_54 = tpu.memref_slice %arg14[%add3A_8, %dma_wait3A_53] : memref<10240x64xf32, #tpu.memory_space<vmem_shared>> -> memref<128x64xf32, #tpu.memory_space<vmem_shared>>
      tpu.wait_dma2 semaphore(%run_scoped3A : memref<!tpu.dma_semaphore, #tpu.memory_space<semaphore_mem>>) src(%arg12 : memref<128x64xf32, #tpu.memory_space<vmem>>) dst(%dma_wait3A_54 : memref<128x64xf32, #tpu.memory_space<vmem_shared>>)
      tpu.yield
    }) : () -> ()
    %mul3A_9 = arith.constant 640 : i32
    %mul3A_10 = arith.muli %arg1, %mul3A_9 : i32
    %add3A_11 = arith.constant 256 : i32
    %add3A_12 = arith.addi %mul3A_10, %add3A_11 : i32
    "tpu.region"() ({
      %run_scoped3A = tpu.sem_alloc : memref<!tpu.dma_semaphore, #tpu.memory_space<semaphore_mem>>
      %dma_start3A = arith.constant 0 : i32
      %dma_start3A_49 = tpu.memref_slice %arg14[%add3A_12, %dma_start3A] : memref<10240x64xf32, #tpu.memory_space<vmem_shared>> -> memref<128x64xf32, #tpu.memory_space<vmem_shared>>
      %dma_start3A_50 = arith.constant 0 : i32
      %dma_start3A_51 = tpu.memref_slice %arg14[%add3A_12, %dma_start3A_50] : memref<10240x64xf32, #tpu.memory_space<vmem_shared>> -> memref<128x64xf32, #tpu.memory_space<vmem_shared>>
      tpu.enqueue_dma source(%arg12 : memref<128x64xf32, #tpu.memory_space<vmem>>) target(%dma_start3A_51 : memref<128x64xf32, #tpu.memory_space<vmem_shared>>) target_semaphore(%run_scoped3A : memref<!tpu.dma_semaphore, #tpu.memory_space<semaphore_mem>>)
      %dma_wait3A = arith.constant 0 : i32
      %dma_wait3A_52 = tpu.memref_slice %arg14[%add3A_12, %dma_wait3A] : memref<10240x64xf32, #tpu.memory_space<vmem_shared>> -> memref<128x64xf32, #tpu.memory_space<vmem_shared>>
      %dma_wait3A_53 = arith.constant 0 : i32
      %dma_wait3A_54 = tpu.memref_slice %arg14[%add3A_12, %dma_wait3A_53] : memref<10240x64xf32, #tpu.memory_space<vmem_shared>> -> memref<128x64xf32, #tpu.memory_space<vmem_shared>>
      tpu.wait_dma2 semaphore(%run_scoped3A : memref<!tpu.dma_semaphore, #tpu.memory_space<semaphore_mem>>) src(%arg12 : memref<128x64xf32, #tpu.memory_space<vmem>>) dst(%dma_wait3A_54 : memref<128x64xf32, #tpu.memory_space<vmem_shared>>)
      tpu.yield
    }) : () -> ()
    %mul3A_13 = arith.constant 640 : i32
    %mul3A_14 = arith.muli %arg1, %mul3A_13 : i32
    %add3A_15 = arith.constant 384 : i32
    %add3A_16 = arith.addi %mul3A_14, %add3A_15 : i32
    "tpu.region"() ({
      %run_scoped3A = tpu.sem_alloc : memref<!tpu.dma_semaphore, #tpu.memory_space<semaphore_mem>>
      %dma_start3A = arith.constant 0 : i32
      %dma_start3A_49 = tpu.memref_slice %arg14[%add3A_16, %dma_start3A] : memref<10240x64xf32, #tpu.memory_space<vmem_shared>> -> memref<128x64xf32, #tpu.memory_space<vmem_shared>>
      %dma_start3A_50 = arith.constant 0 : i32
      %dma_start3A_51 = tpu.memref_slice %arg14[%add3A_16, %dma_start3A_50] : memref<10240x64xf32, #tpu.memory_space<vmem_shared>> -> memref<128x64xf32, #tpu.memory_space<vmem_shared>>
      tpu.enqueue_dma source(%arg12 : memref<128x64xf32, #tpu.memory_space<vmem>>) target(%dma_start3A_51 : memref<128x64xf32, #tpu.memory_space<vmem_shared>>) target_semaphore(%run_scoped3A : memref<!tpu.dma_semaphore, #tpu.memory_space<semaphore_mem>>)
      %dma_wait3A = arith.constant 0 : i32
      %dma_wait3A_52 = tpu.memref_slice %arg14[%add3A_16, %dma_wait3A] : memref<10240x64xf32, #tpu.memory_space<vmem_shared>> -> memref<128x64xf32, #tpu.memory_space<vmem_shared>>
      %dma_wait3A_53 = arith.constant 0 : i32
      %dma_wait3A_54 = tpu.memref_slice %arg14[%add3A_16, %dma_wait3A_53] : memref<10240x64xf32, #tpu.memory_space<vmem_shared>> -> memref<128x64xf32, #tpu.memory_space<vmem_shared>>
      tpu.wait_dma2 semaphore(%run_scoped3A : memref<!tpu.dma_semaphore, #tpu.memory_space<semaphore_mem>>) src(%arg12 : memref<128x64xf32, #tpu.memory_space<vmem>>) dst(%dma_wait3A_54 : memref<128x64xf32, #tpu.memory_space<vmem_shared>>)
      tpu.yield
    }) : () -> ()
    %mul3A_17 = arith.constant 640 : i32
    %mul3A_18 = arith.muli %arg1, %mul3A_17 : i32
    %add3A_19 = arith.constant 512 : i32
    %add3A_20 = arith.addi %mul3A_18, %add3A_19 : i32
    "tpu.region"() ({
      %run_scoped3A = tpu.sem_alloc : memref<!tpu.dma_semaphore, #tpu.memory_space<semaphore_mem>>
      %dma_start3A = arith.constant 0 : i32
      %dma_start3A_49 = tpu.memref_slice %arg14[%add3A_20, %dma_start3A] : memref<10240x64xf32, #tpu.memory_space<vmem_shared>> -> memref<128x64xf32, #tpu.memory_space<vmem_shared>>
      %dma_start3A_50 = arith.constant 0 : i32
      %dma_start3A_51 = tpu.memref_slice %arg14[%add3A_20, %dma_start3A_50] : memref<10240x64xf32, #tpu.memory_space<vmem_shared>> -> memref<128x64xf32, #tpu.memory_space<vmem_shared>>
      tpu.enqueue_dma source(%arg12 : memref<128x64xf32, #tpu.memory_space<vmem>>) target(%dma_start3A_51 : memref<128x64xf32, #tpu.memory_space<vmem_shared>>) target_semaphore(%run_scoped3A : memref<!tpu.dma_semaphore, #tpu.memory_space<semaphore_mem>>)
      %dma_wait3A = arith.constant 0 : i32
      %dma_wait3A_52 = tpu.memref_slice %arg14[%add3A_20, %dma_wait3A] : memref<10240x64xf32, #tpu.memory_space<vmem_shared>> -> memref<128x64xf32, #tpu.memory_space<vmem_shared>>
      %dma_wait3A_53 = arith.constant 0 : i32
      %dma_wait3A_54 = tpu.memref_slice %arg14[%add3A_20, %dma_wait3A_53] : memref<10240x64xf32, #tpu.memory_space<vmem_shared>> -> memref<128x64xf32, #tpu.memory_space<vmem_shared>>
      tpu.wait_dma2 semaphore(%run_scoped3A : memref<!tpu.dma_semaphore, #tpu.memory_space<semaphore_mem>>) src(%arg12 : memref<128x64xf32, #tpu.memory_space<vmem>>) dst(%dma_wait3A_54 : memref<128x64xf32, #tpu.memory_space<vmem_shared>>)
      tpu.yield
    }) : () -> ()
    "tpu.region"() ({
      %run_scoped3A = tpu.sem_alloc : memref<!tpu.dma_semaphore, #tpu.memory_space<semaphore_mem>>
      tpu.enqueue_dma source(%arg7 : memref<128x16xf32, #tpu.memory_space<hbm>>) target(%arg13 : memref<128x16xf32, #tpu.memory_space<vmem>>) target_semaphore(%run_scoped3A : memref<!tpu.dma_semaphore, #tpu.memory_space<semaphore_mem>>)
      tpu.wait_dma2 semaphore(%run_scoped3A : memref<!tpu.dma_semaphore, #tpu.memory_space<semaphore_mem>>) src(%arg7 : memref<128x16xf32, #tpu.memory_space<hbm>>) dst(%arg13 : memref<128x16xf32, #tpu.memory_space<vmem>>)
      tpu.yield
    }) : () -> ()
    %mul3A_21 = arith.constant 640 : i32
    %mul3A_22 = arith.muli %arg1, %mul3A_21 : i32
    %add3A_23 = arith.constant 0 : i32
    %add3A_24 = arith.addi %mul3A_22, %add3A_23 : i32
    "tpu.region"() ({
      %run_scoped3A = tpu.sem_alloc : memref<!tpu.dma_semaphore, #tpu.memory_space<semaphore_mem>>
      %dma_start3A = arith.constant 0 : i32
      %dma_start3A_49 = tpu.memref_slice %arg15[%add3A_24, %dma_start3A] : memref<10240x16xf32, #tpu.memory_space<vmem_shared>> -> memref<128x16xf32, #tpu.memory_space<vmem_shared>>
      %dma_start3A_50 = arith.constant 0 : i32
      %dma_start3A_51 = tpu.memref_slice %arg15[%add3A_24, %dma_start3A_50] : memref<10240x16xf32, #tpu.memory_space<vmem_shared>> -> memref<128x16xf32, #tpu.memory_space<vmem_shared>>
      tpu.enqueue_dma source(%arg13 : memref<128x16xf32, #tpu.memory_space<vmem>>) target(%dma_start3A_51 : memref<128x16xf32, #tpu.memory_space<vmem_shared>>) target_semaphore(%run_scoped3A : memref<!tpu.dma_semaphore, #tpu.memory_space<semaphore_mem>>)
      %dma_wait3A = arith.constant 0 : i32
      %dma_wait3A_52 = tpu.memref_slice %arg15[%add3A_24, %dma_wait3A] : memref<10240x16xf32, #tpu.memory_space<vmem_shared>> -> memref<128x16xf32, #tpu.memory_space<vmem_shared>>
      %dma_wait3A_53 = arith.constant 0 : i32
      %dma_wait3A_54 = tpu.memref_slice %arg15[%add3A_24, %dma_wait3A_53] : memref<10240x16xf32, #tpu.memory_space<vmem_shared>> -> memref<128x16xf32, #tpu.memory_space<vmem_shared>>
      tpu.wait_dma2 semaphore(%run_scoped3A : memref<!tpu.dma_semaphore, #tpu.memory_space<semaphore_mem>>) src(%arg13 : memref<128x16xf32, #tpu.memory_space<vmem>>) dst(%dma_wait3A_54 : memref<128x16xf32, #tpu.memory_space<vmem_shared>>)
      tpu.yield
    }) : () -> ()
    %mul3A_25 = arith.constant 640 : i32
    %mul3A_26 = arith.muli %arg1, %mul3A_25 : i32
    %add3A_27 = arith.constant 128 : i32
    %add3A_28 = arith.addi %mul3A_26, %add3A_27 : i32
    "tpu.region"() ({
      %run_scoped3A = tpu.sem_alloc : memref<!tpu.dma_semaphore, #tpu.memory_space<semaphore_mem>>
      %dma_start3A = arith.constant 0 : i32
      %dma_start3A_49 = tpu.memref_slice %arg15[%add3A_28, %dma_start3A] : memref<10240x16xf32, #tpu.memory_space<vmem_shared>> -> memref<128x16xf32, #tpu.memory_space<vmem_shared>>
      %dma_start3A_50 = arith.constant 0 : i32
      %dma_start3A_51 = tpu.memref_slice %arg15[%add3A_28, %dma_start3A_50] : memref<10240x16xf32, #tpu.memory_space<vmem_shared>> -> memref<128x16xf32, #tpu.memory_space<vmem_shared>>
      tpu.enqueue_dma source(%arg13 : memref<128x16xf32, #tpu.memory_space<vmem>>) target(%dma_start3A_51 : memref<128x16xf32, #tpu.memory_space<vmem_shared>>) target_semaphore(%run_scoped3A : memref<!tpu.dma_semaphore, #tpu.memory_space<semaphore_mem>>)
      %dma_wait3A = arith.constant 0 : i32
      %dma_wait3A_52 = tpu.memref_slice %arg15[%add3A_28, %dma_wait3A] : memref<10240x16xf32, #tpu.memory_space<vmem_shared>> -> memref<128x16xf32, #tpu.memory_space<vmem_shared>>
      %dma_wait3A_53 = arith.constant 0 : i32
      %dma_wait3A_54 = tpu.memref_slice %arg15[%add3A_28, %dma_wait3A_53] : memref<10240x16xf32, #tpu.memory_space<vmem_shared>> -> memref<128x16xf32, #tpu.memory_space<vmem_shared>>
      tpu.wait_dma2 semaphore(%run_scoped3A : memref<!tpu.dma_semaphore, #tpu.memory_space<semaphore_mem>>) src(%arg13 : memref<128x16xf32, #tpu.memory_space<vmem>>) dst(%dma_wait3A_54 : memref<128x16xf32, #tpu.memory_space<vmem_shared>>)
      tpu.yield
    }) : () -> ()
    %mul3A_29 = arith.constant 640 : i32
    %mul3A_30 = arith.muli %arg1, %mul3A_29 : i32
    %add3A_31 = arith.constant 256 : i32
    %add3A_32 = arith.addi %mul3A_30, %add3A_31 : i32
    "tpu.region"() ({
      %run_scoped3A = tpu.sem_alloc : memref<!tpu.dma_semaphore, #tpu.memory_space<semaphore_mem>>
      %dma_start3A = arith.constant 0 : i32
      %dma_start3A_49 = tpu.memref_slice %arg15[%add3A_32, %dma_start3A] : memref<10240x16xf32, #tpu.memory_space<vmem_shared>> -> memref<128x16xf32, #tpu.memory_space<vmem_shared>>
      %dma_start3A_50 = arith.constant 0 : i32
      %dma_start3A_51 = tpu.memref_slice %arg15[%add3A_32, %dma_start3A_50] : memref<10240x16xf32, #tpu.memory_space<vmem_shared>> -> memref<128x16xf32, #tpu.memory_space<vmem_shared>>
      tpu.enqueue_dma source(%arg13 : memref<128x16xf32, #tpu.memory_space<vmem>>) target(%dma_start3A_51 : memref<128x16xf32, #tpu.memory_space<vmem_shared>>) target_semaphore(%run_scoped3A : memref<!tpu.dma_semaphore, #tpu.memory_space<semaphore_mem>>)
      %dma_wait3A = arith.constant 0 : i32
      %dma_wait3A_52 = tpu.memref_slice %arg15[%add3A_32, %dma_wait3A] : memref<10240x16xf32, #tpu.memory_space<vmem_shared>> -> memref<128x16xf32, #tpu.memory_space<vmem_shared>>
      %dma_wait3A_53 = arith.constant 0 : i32
      %dma_wait3A_54 = tpu.memref_slice %arg15[%add3A_32, %dma_wait3A_53] : memref<10240x16xf32, #tpu.memory_space<vmem_shared>> -> memref<128x16xf32, #tpu.memory_space<vmem_shared>>
      tpu.wait_dma2 semaphore(%run_scoped3A : memref<!tpu.dma_semaphore, #tpu.memory_space<semaphore_mem>>) src(%arg13 : memref<128x16xf32, #tpu.memory_space<vmem>>) dst(%dma_wait3A_54 : memref<128x16xf32, #tpu.memory_space<vmem_shared>>)
      tpu.yield
    }) : () -> ()
    %mul3A_33 = arith.constant 640 : i32
    %mul3A_34 = arith.muli %arg1, %mul3A_33 : i32
    %add3A_35 = arith.constant 384 : i32
    %add3A_36 = arith.addi %mul3A_34, %add3A_35 : i32
    "tpu.region"() ({
      %run_scoped3A = tpu.sem_alloc : memref<!tpu.dma_semaphore, #tpu.memory_space<semaphore_mem>>
      %dma_start3A = arith.constant 0 : i32
      %dma_start3A_49 = tpu.memref_slice %arg15[%add3A_36, %dma_start3A] : memref<10240x16xf32, #tpu.memory_space<vmem_shared>> -> memref<128x16xf32, #tpu.memory_space<vmem_shared>>
      %dma_start3A_50 = arith.constant 0 : i32
      %dma_start3A_51 = tpu.memref_slice %arg15[%add3A_36, %dma_start3A_50] : memref<10240x16xf32, #tpu.memory_space<vmem_shared>> -> memref<128x16xf32, #tpu.memory_space<vmem_shared>>
      tpu.enqueue_dma source(%arg13 : memref<128x16xf32, #tpu.memory_space<vmem>>) target(%dma_start3A_51 : memref<128x16xf32, #tpu.memory_space<vmem_shared>>) target_semaphore(%run_scoped3A : memref<!tpu.dma_semaphore, #tpu.memory_space<semaphore_mem>>)
      %dma_wait3A = arith.constant 0 : i32
      %dma_wait3A_52 = tpu.memref_slice %arg15[%add3A_36, %dma_wait3A] : memref<10240x16xf32, #tpu.memory_space<vmem_shared>> -> memref<128x16xf32, #tpu.memory_space<vmem_shared>>
      %dma_wait3A_53 = arith.constant 0 : i32
      %dma_wait3A_54 = tpu.memref_slice %arg15[%add3A_36, %dma_wait3A_53] : memref<10240x16xf32, #tpu.memory_space<vmem_shared>> -> memref<128x16xf32, #tpu.memory_space<vmem_shared>>
      tpu.wait_dma2 semaphore(%run_scoped3A : memref<!tpu.dma_semaphore, #tpu.memory_space<semaphore_mem>>) src(%arg13 : memref<128x16xf32, #tpu.memory_space<vmem>>) dst(%dma_wait3A_54 : memref<128x16xf32, #tpu.memory_space<vmem_shared>>)
      tpu.yield
    }) : () -> ()
    %mul3A_37 = arith.constant 640 : i32
    %mul3A_38 = arith.muli %arg1, %mul3A_37 : i32
    %add3A_39 = arith.constant 512 : i32
    %add3A_40 = arith.addi %mul3A_38, %add3A_39 : i32
    "tpu.region"() ({
      %run_scoped3A = tpu.sem_alloc : memref<!tpu.dma_semaphore, #tpu.memory_space<semaphore_mem>>
      %dma_start3A = arith.constant 0 : i32
      %dma_start3A_49 = tpu.memref_slice %arg15[%add3A_40, %dma_start3A] : memref<10240x16xf32, #tpu.memory_space<vmem_shared>> -> memref<128x16xf32, #tpu.memory_space<vmem_shared>>
      %dma_start3A_50 = arith.constant 0 : i32
      %dma_start3A_51 = tpu.memref_slice %arg15[%add3A_40, %dma_start3A_50] : memref<10240x16xf32, #tpu.memory_space<vmem_shared>> -> memref<128x16xf32, #tpu.memory_space<vmem_shared>>
      tpu.enqueue_dma source(%arg13 : memref<128x16xf32, #tpu.memory_space<vmem>>) target(%dma_start3A_51 : memref<128x16xf32, #tpu.memory_space<vmem_shared>>) target_semaphore(%run_scoped3A : memref<!tpu.dma_semaphore, #tpu.memory_space<semaphore_mem>>)
      %dma_wait3A = arith.constant 0 : i32
      %dma_wait3A_52 = tpu.memref_slice %arg15[%add3A_40, %dma_wait3A] : memref<10240x16xf32, #tpu.memory_space<vmem_shared>> -> memref<128x16xf32, #tpu.memory_space<vmem_shared>>
      %dma_wait3A_53 = arith.constant 0 : i32
      %dma_wait3A_54 = tpu.memref_slice %arg15[%add3A_40, %dma_wait3A_53] : memref<10240x16xf32, #tpu.memory_space<vmem_shared>> -> memref<128x16xf32, #tpu.memory_space<vmem_shared>>
      tpu.wait_dma2 semaphore(%run_scoped3A : memref<!tpu.dma_semaphore, #tpu.memory_space<semaphore_mem>>) src(%arg13 : memref<128x16xf32, #tpu.memory_space<vmem>>) dst(%dma_wait3A_54 : memref<128x16xf32, #tpu.memory_space<vmem_shared>>)
      tpu.yield
    }) : () -> ()
    "tpu.region"() ({
      %run_scoped3A = tpu.sem_alloc : memref<!tpu.dma_semaphore, #tpu.memory_space<semaphore_mem>>
      tpu.enqueue_dma source(%arg6 : memref<128x16xf32, #tpu.memory_space<hbm>>) target(%arg13 : memref<128x16xf32, #tpu.memory_space<vmem>>) target_semaphore(%run_scoped3A : memref<!tpu.dma_semaphore, #tpu.memory_space<semaphore_mem>>)
      tpu.wait_dma2 semaphore(%run_scoped3A : memref<!tpu.dma_semaphore, #tpu.memory_space<semaphore_mem>>) src(%arg6 : memref<128x16xf32, #tpu.memory_space<hbm>>) dst(%arg13 : memref<128x16xf32, #tpu.memory_space<vmem>>)
      tpu.yield
    }) : () -> ()
    %barrier3A = arith.constant 0 : index
    tpu.barrier barrier_id(%barrier3A)
    %scan3A = arith.constant 0 : i32
    %scan3A_41 = arith.constant 0 : i32
    %scan3A_42 = arith.constant 79 : i32
    %scan3A_43 = arith.addi %scan3A_41, %scan3A_42 : i32
    %scan3A_44 = arith.constant 1 : i32
    scf.for %scan3A_49 = %scan3A_41 to %scan3A_43 step %scan3A_44  : i32 {
      %dma_start3A = arith.constant 0 : i32
      %dma_start3A_50 = tpu.memref_slice %arg10[%scan3A_49, %dma_start3A] : memref<79x128xi32, #tpu.memory_space<vmem>> -> memref<1x128xi32, #tpu.memory_space<vmem>>
      %dma_start3A_51 = tpu.memref_squeeze %dma_start3A_50 : memref<1x128xi32, #tpu.memory_space<vmem>> -> memref<128xi32, #tpu.memory_space<vmem>>
      %dma_start3A_52 = arith.constant 0 : i32
      %dma_start3A_53 = arith.constant 0 : i32
      %dma_start3A_54 = tpu.memref_slice %arg2[%dma_start3A_52, %dma_start3A_53] : memref<10240x64xf32, #tpu.memory_space<hbm>> -> memref<10240x64xf32, #tpu.memory_space<hbm>>
      tpu.enqueue_indirect_dma source(%dma_start3A_54 : memref<10240x64xf32, #tpu.memory_space<hbm>>) target(%arg12 : memref<128x64xf32, #tpu.memory_space<vmem>>) offsets(%dma_start3A_51 : memref<128xi32, #tpu.memory_space<vmem>>) semaphore(%arg16 : memref<!tpu.dma_semaphore, #tpu.memory_space<semaphore_mem>>)
      %dma_wait3A = arith.constant 0 : i32
      %dma_wait3A_55 = tpu.memref_slice %arg10[%scan3A_49, %dma_wait3A] : memref<79x128xi32, #tpu.memory_space<vmem>> -> memref<1x128xi32, #tpu.memory_space<vmem>>
      %dma_wait3A_56 = tpu.memref_squeeze %dma_wait3A_55 : memref<1x128xi32, #tpu.memory_space<vmem>> -> memref<128xi32, #tpu.memory_space<vmem>>
      %dma_wait3A_57 = arith.constant 0 : i32
      %dma_wait3A_58 = arith.constant 0 : i32
      %dma_wait3A_59 = tpu.memref_slice %arg2[%dma_wait3A_57, %dma_wait3A_58] : memref<10240x64xf32, #tpu.memory_space<hbm>> -> memref<10240x64xf32, #tpu.memory_space<hbm>>
      tpu.wait_indirect_dma semaphore(%arg16 : memref<!tpu.dma_semaphore, #tpu.memory_space<semaphore_mem>>) src(%dma_wait3A_59 : memref<10240x64xf32, #tpu.memory_space<hbm>>) dst(%arg12 : memref<128x64xf32, #tpu.memory_space<vmem>>)
      "tpu.region"() ({
        %run_scoped3A = tpu.sem_alloc : memref<!tpu.dma_semaphore, #tpu.memory_space<semaphore_mem>>
        %dma_start3A_60 = arith.constant 0 : i32
        %dma_start3A_61 = tpu.memref_slice %arg11[%scan3A_49, %dma_start3A_60] : memref<79x128xi32, #tpu.memory_space<vmem>> -> memref<1x128xi32, #tpu.memory_space<vmem>>
        %dma_start3A_62 = tpu.memref_squeeze %dma_start3A_61 : memref<1x128xi32, #tpu.memory_space<vmem>> -> memref<128xi32, #tpu.memory_space<vmem>>
        %dma_start3A_63 = arith.constant 0 : i32
        %dma_start3A_64 = arith.constant 0 : i32
        %dma_start3A_65 = tpu.memref_slice %arg14[%dma_start3A_63, %dma_start3A_64] : memref<10240x64xf32, #tpu.memory_space<vmem_shared>> -> memref<10240x64xf32, #tpu.memory_space<vmem_shared>>
        tpu.enqueue_indirect_dma source(%arg12 : memref<128x64xf32, #tpu.memory_space<vmem>>) target(%dma_start3A_65 : memref<10240x64xf32, #tpu.memory_space<vmem_shared>>) offsets(%dma_start3A_62 : memref<128xi32, #tpu.memory_space<vmem>>) semaphore(%run_scoped3A : memref<!tpu.dma_semaphore, #tpu.memory_space<semaphore_mem>>) {add = true}
        %dma_wait3A_66 = arith.constant 0 : i32
        %dma_wait3A_67 = tpu.memref_slice %arg11[%scan3A_49, %dma_wait3A_66] : memref<79x128xi32, #tpu.memory_space<vmem>> -> memref<1x128xi32, #tpu.memory_space<vmem>>
        %dma_wait3A_68 = tpu.memref_squeeze %dma_wait3A_67 : memref<1x128xi32, #tpu.memory_space<vmem>> -> memref<128xi32, #tpu.memory_space<vmem>>
        %dma_wait3A_69 = arith.constant 0 : i32
        %dma_wait3A_70 = arith.constant 0 : i32
        %dma_wait3A_71 = tpu.memref_slice %arg14[%dma_wait3A_69, %dma_wait3A_70] : memref<10240x64xf32, #tpu.memory_space<vmem_shared>> -> memref<10240x64xf32, #tpu.memory_space<vmem_shared>>
        tpu.wait_indirect_dma semaphore(%run_scoped3A : memref<!tpu.dma_semaphore, #tpu.memory_space<semaphore_mem>>) src(%arg12 : memref<128x64xf32, #tpu.memory_space<vmem>>) dst(%dma_wait3A_71 : memref<10240x64xf32, #tpu.memory_space<vmem_shared>>)
        tpu.yield
      }) : () -> ()
      "tpu.region"() ({
        %run_scoped3A = tpu.sem_alloc : memref<!tpu.dma_semaphore, #tpu.memory_space<semaphore_mem>>
        %dma_start3A_60 = arith.constant 0 : i32
        %dma_start3A_61 = tpu.memref_slice %arg11[%scan3A_49, %dma_start3A_60] : memref<79x128xi32, #tpu.memory_space<vmem>> -> memref<1x128xi32, #tpu.memory_space<vmem>>
        %dma_start3A_62 = tpu.memref_squeeze %dma_start3A_61 : memref<1x128xi32, #tpu.memory_space<vmem>> -> memref<128xi32, #tpu.memory_space<vmem>>
        %dma_start3A_63 = arith.constant 0 : i32
        %dma_start3A_64 = arith.constant 0 : i32
        %dma_start3A_65 = tpu.memref_slice %arg15[%dma_start3A_63, %dma_start3A_64] : memref<10240x16xf32, #tpu.memory_space<vmem_shared>> -> memref<10240x16xf32, #tpu.memory_space<vmem_shared>>
        tpu.enqueue_indirect_dma source(%arg13 : memref<128x16xf32, #tpu.memory_space<vmem>>) target(%dma_start3A_65 : memref<10240x16xf32, #tpu.memory_space<vmem_shared>>) offsets(%dma_start3A_62 : memref<128xi32, #tpu.memory_space<vmem>>) semaphore(%run_scoped3A : memref<!tpu.dma_semaphore, #tpu.memory_space<semaphore_mem>>) {add = true}
        %dma_wait3A_66 = arith.constant 0 : i32
        %dma_wait3A_67 = tpu.memref_slice %arg11[%scan3A_49, %dma_wait3A_66] : memref<79x128xi32, #tpu.memory_space<vmem>> -> memref<1x128xi32, #tpu.memory_space<vmem>>
        %dma_wait3A_68 = tpu.memref_squeeze %dma_wait3A_67 : memref<1x128xi32, #tpu.memory_space<vmem>> -> memref<128xi32, #tpu.memory_space<vmem>>
        %dma_wait3A_69 = arith.constant 0 : i32
        %dma_wait3A_70 = arith.constant 0 : i32
        %dma_wait3A_71 = tpu.memref_slice %arg15[%dma_wait3A_69, %dma_wait3A_70] : memref<10240x16xf32, #tpu.memory_space<vmem_shared>> -> memref<10240x16xf32, #tpu.memory_space<vmem_shared>>
        tpu.wait_indirect_dma semaphore(%run_scoped3A : memref<!tpu.dma_semaphore, #tpu.memory_space<semaphore_mem>>) src(%arg13 : memref<128x16xf32, #tpu.memory_space<vmem>>) dst(%dma_wait3A_71 : memref<10240x16xf32, #tpu.memory_space<vmem_shared>>)
        tpu.yield
      }) : () -> ()
    }
    %scan3A_45 = arith.constant 79 : i32
    %barrier3A_46 = arith.constant 0 : index
    tpu.barrier barrier_id(%barrier3A_46)
    %mul3A_47 = arith.constant 640 : i32
    %mul3A_48 = arith.muli %arg1, %mul3A_47 : i32
    "tpu.region"() ({
      %run_scoped3A = tpu.sem_alloc : memref<!tpu.dma_semaphore, #tpu.memory_space<semaphore_mem>>
      %dma_start3A = arith.constant 0 : i32
      %dma_start3A_49 = tpu.memref_slice %arg8[%arg0, %mul3A_48, %dma_start3A] : memref<2x10240x64xf32, #tpu.memory_space<hbm>> -> memref<1x640x64xf32, #tpu.memory_space<hbm>>
      %dma_start3A_50 = tpu.memref_squeeze %dma_start3A_49 : memref<1x640x64xf32, #tpu.memory_space<hbm>> -> memref<640x64xf32, #tpu.memory_space<hbm>>
      %dma_start3A_51 = arith.constant 0 : i32
      %dma_start3A_52 = tpu.memref_slice %arg14[%mul3A_48, %dma_start3A_51] : memref<10240x64xf32, #tpu.memory_space<vmem_shared>> -> memref<640x64xf32, #tpu.memory_space<vmem_shared>>
      tpu.enqueue_dma source(%dma_start3A_52 : memref<640x64xf32, #tpu.memory_space<vmem_shared>>) target(%dma_start3A_50 : memref<640x64xf32, #tpu.memory_space<hbm>>) target_semaphore(%run_scoped3A : memref<!tpu.dma_semaphore, #tpu.memory_space<semaphore_mem>>)
      %dma_wait3A = arith.constant 0 : i32
      %dma_wait3A_53 = tpu.memref_slice %arg8[%arg0, %mul3A_48, %dma_wait3A] : memref<2x10240x64xf32, #tpu.memory_space<hbm>> -> memref<1x640x64xf32, #tpu.memory_space<hbm>>
      %dma_wait3A_54 = tpu.memref_squeeze %dma_wait3A_53 : memref<1x640x64xf32, #tpu.memory_space<hbm>> -> memref<640x64xf32, #tpu.memory_space<hbm>>
      %dma_wait3A_55 = arith.constant 0 : i32
      %dma_wait3A_56 = tpu.memref_slice %arg14[%mul3A_48, %dma_wait3A_55] : memref<10240x64xf32, #tpu.memory_space<vmem_shared>> -> memref<640x64xf32, #tpu.memory_space<vmem_shared>>
      tpu.wait_dma2 semaphore(%run_scoped3A : memref<!tpu.dma_semaphore, #tpu.memory_space<semaphore_mem>>) src(%dma_wait3A_56 : memref<640x64xf32, #tpu.memory_space<vmem_shared>>) dst(%dma_wait3A_54 : memref<640x64xf32, #tpu.memory_space<hbm>>)
      tpu.yield
    }) : () -> ()
    "tpu.region"() ({
      %run_scoped3A = tpu.sem_alloc : memref<!tpu.dma_semaphore, #tpu.memory_space<semaphore_mem>>
      %dma_start3A = arith.constant 0 : i32
      %dma_start3A_49 = tpu.memref_slice %arg9[%arg0, %mul3A_48, %dma_start3A] : memref<2x10240x16xf32, #tpu.memory_space<hbm>> -> memref<1x640x16xf32, #tpu.memory_space<hbm>>
      %dma_start3A_50 = tpu.memref_squeeze %dma_start3A_49 : memref<1x640x16xf32, #tpu.memory_space<hbm>> -> memref<640x16xf32, #tpu.memory_space<hbm>>
      %dma_start3A_51 = arith.constant 0 : i32
      %dma_start3A_52 = tpu.memref_slice %arg15[%mul3A_48, %dma_start3A_51] : memref<10240x16xf32, #tpu.memory_space<vmem_shared>> -> memref<640x16xf32, #tpu.memory_space<vmem_shared>>
      tpu.enqueue_dma source(%dma_start3A_52 : memref<640x16xf32, #tpu.memory_space<vmem_shared>>) target(%dma_start3A_50 : memref<640x16xf32, #tpu.memory_space<hbm>>) target_semaphore(%run_scoped3A : memref<!tpu.dma_semaphore, #tpu.memory_space<semaphore_mem>>)
      %dma_wait3A = arith.constant 0 : i32
      %dma_wait3A_53 = tpu.memref_slice %arg9[%arg0, %mul3A_48, %dma_wait3A] : memref<2x10240x16xf32, #tpu.memory_space<hbm>> -> memref<1x640x16xf32, #tpu.memory_space<hbm>>
      %dma_wait3A_54 = tpu.memref_squeeze %dma_wait3A_53 : memref<1x640x16xf32, #tpu.memory_space<hbm>> -> memref<640x16xf32, #tpu.memory_space<hbm>>
      %dma_wait3A_55 = arith.constant 0 : i32
      %dma_wait3A_56 = tpu.memref_slice %arg15[%mul3A_48, %dma_wait3A_55] : memref<10240x16xf32, #tpu.memory_space<vmem_shared>> -> memref<640x16xf32, #tpu.memory_space<vmem_shared>>
      tpu.wait_dma2 semaphore(%run_scoped3A : memref<!tpu.dma_semaphore, #tpu.memory_space<semaphore_mem>>) src(%dma_wait3A_56 : memref<640x16xf32, #tpu.memory_space<vmem_shared>>) dst(%dma_wait3A_54 : memref<640x16xf32, #tpu.memory_space<hbm>>)
      tpu.yield
    }) : () -> ()
    return
  }
}

#map = affine_map<(d0, d1) -> (0, 0)>
#map1 = affine_map<(d0, d1) -> (0, 0, 0)>
module attributes {stable_mosaic.version = 14 : i64} {
  func.func @_sc_body(%arg0: i32, %arg1: i32, %arg2: memref<10240x64xf32, #tpu.memory_space<hbm>>, %arg3: memref<32x79x128xi32, #tpu.memory_space<hbm>>, %arg4: memref<32x79x128xi32, #tpu.memory_space<hbm>>, %arg5: memref<128x64xf32, #tpu.memory_space<hbm>>, %arg6: memref<2x10240x64xf32, #tpu.memory_space<hbm>>, %arg7: memref<79x128xi32, #tpu.memory_space<vmem>>, %arg8: memref<79x128xi32, #tpu.memory_space<vmem>>, %arg9: memref<128x64xf32, #tpu.memory_space<vmem>>, %arg10: memref<10240x64xf32, #tpu.memory_space<vmem_shared>>, %arg11: memref<!tpu.dma_semaphore, #tpu.memory_space<semaphore_mem>>) attributes {dimension_semantics = [#tpu.dimension_semantics<core_parallel>, #tpu.dimension_semantics<subcore_parallel>], iteration_bounds = array<i64: 2, 16>, scalar_prefetch = 0 : i64, scratch_operands = 5 : i64, tpu.core_type = #tpu.core_type<sc_vector_subcore>, window_params = [{transform_indices = #map}, {transform_indices = #map1}, {transform_indices = #map1}, {transform_indices = #map}, {transform_indices = #map1}]} {
    %mul3A = arith.constant 16 : i32
    %mul3A_0 = arith.muli %arg0, %mul3A : i32
    %add3A = arith.addi %mul3A_0, %arg1 : i32
    "tpu.region"() ({
      %run_scoped3A = tpu.sem_alloc : memref<!tpu.dma_semaphore, #tpu.memory_space<semaphore_mem>>
      %dma_start3A = arith.constant 0 : i32
      %dma_start3A_29 = arith.constant 0 : i32
      %dma_start3A_30 = tpu.memref_slice %arg3[%add3A, %dma_start3A, %dma_start3A_29] : memref<32x79x128xi32, #tpu.memory_space<hbm>> -> memref<1x79x128xi32, #tpu.memory_space<hbm>>
      %dma_start3A_31 = tpu.memref_squeeze %dma_start3A_30 : memref<1x79x128xi32, #tpu.memory_space<hbm>> -> memref<79x128xi32, #tpu.memory_space<hbm>>
      %dma_start3A_32 = arith.constant 0 : i32
      %dma_start3A_33 = arith.constant 0 : i32
      %dma_start3A_34 = tpu.memref_slice %arg3[%add3A, %dma_start3A_32, %dma_start3A_33] : memref<32x79x128xi32, #tpu.memory_space<hbm>> -> memref<1x79x128xi32, #tpu.memory_space<hbm>>
      %dma_start3A_35 = tpu.memref_squeeze %dma_start3A_34 : memref<1x79x128xi32, #tpu.memory_space<hbm>> -> memref<79x128xi32, #tpu.memory_space<hbm>>
      tpu.enqueue_dma source(%dma_start3A_35 : memref<79x128xi32, #tpu.memory_space<hbm>>) target(%arg7 : memref<79x128xi32, #tpu.memory_space<vmem>>) target_semaphore(%run_scoped3A : memref<!tpu.dma_semaphore, #tpu.memory_space<semaphore_mem>>)
      %dma_wait3A = arith.constant 0 : i32
      %dma_wait3A_36 = arith.constant 0 : i32
      %dma_wait3A_37 = tpu.memref_slice %arg3[%add3A, %dma_wait3A, %dma_wait3A_36] : memref<32x79x128xi32, #tpu.memory_space<hbm>> -> memref<1x79x128xi32, #tpu.memory_space<hbm>>
      %dma_wait3A_38 = tpu.memref_squeeze %dma_wait3A_37 : memref<1x79x128xi32, #tpu.memory_space<hbm>> -> memref<79x128xi32, #tpu.memory_space<hbm>>
      %dma_wait3A_39 = arith.constant 0 : i32
      %dma_wait3A_40 = arith.constant 0 : i32
      %dma_wait3A_41 = tpu.memref_slice %arg3[%add3A, %dma_wait3A_39, %dma_wait3A_40] : memref<32x79x128xi32, #tpu.memory_space<hbm>> -> memref<1x79x128xi32, #tpu.memory_space<hbm>>
      %dma_wait3A_42 = tpu.memref_squeeze %dma_wait3A_41 : memref<1x79x128xi32, #tpu.memory_space<hbm>> -> memref<79x128xi32, #tpu.memory_space<hbm>>
      tpu.wait_dma2 semaphore(%run_scoped3A : memref<!tpu.dma_semaphore, #tpu.memory_space<semaphore_mem>>) src(%dma_wait3A_42 : memref<79x128xi32, #tpu.memory_space<hbm>>) dst(%arg7 : memref<79x128xi32, #tpu.memory_space<vmem>>)
      tpu.yield
    }) : () -> ()
    "tpu.region"() ({
      %run_scoped3A = tpu.sem_alloc : memref<!tpu.dma_semaphore, #tpu.memory_space<semaphore_mem>>
      %dma_start3A = arith.constant 0 : i32
      %dma_start3A_29 = arith.constant 0 : i32
      %dma_start3A_30 = tpu.memref_slice %arg4[%add3A, %dma_start3A, %dma_start3A_29] : memref<32x79x128xi32, #tpu.memory_space<hbm>> -> memref<1x79x128xi32, #tpu.memory_space<hbm>>
      %dma_start3A_31 = tpu.memref_squeeze %dma_start3A_30 : memref<1x79x128xi32, #tpu.memory_space<hbm>> -> memref<79x128xi32, #tpu.memory_space<hbm>>
      %dma_start3A_32 = arith.constant 0 : i32
      %dma_start3A_33 = arith.constant 0 : i32
      %dma_start3A_34 = tpu.memref_slice %arg4[%add3A, %dma_start3A_32, %dma_start3A_33] : memref<32x79x128xi32, #tpu.memory_space<hbm>> -> memref<1x79x128xi32, #tpu.memory_space<hbm>>
      %dma_start3A_35 = tpu.memref_squeeze %dma_start3A_34 : memref<1x79x128xi32, #tpu.memory_space<hbm>> -> memref<79x128xi32, #tpu.memory_space<hbm>>
      tpu.enqueue_dma source(%dma_start3A_35 : memref<79x128xi32, #tpu.memory_space<hbm>>) target(%arg8 : memref<79x128xi32, #tpu.memory_space<vmem>>) target_semaphore(%run_scoped3A : memref<!tpu.dma_semaphore, #tpu.memory_space<semaphore_mem>>)
      %dma_wait3A = arith.constant 0 : i32
      %dma_wait3A_36 = arith.constant 0 : i32
      %dma_wait3A_37 = tpu.memref_slice %arg4[%add3A, %dma_wait3A, %dma_wait3A_36] : memref<32x79x128xi32, #tpu.memory_space<hbm>> -> memref<1x79x128xi32, #tpu.memory_space<hbm>>
      %dma_wait3A_38 = tpu.memref_squeeze %dma_wait3A_37 : memref<1x79x128xi32, #tpu.memory_space<hbm>> -> memref<79x128xi32, #tpu.memory_space<hbm>>
      %dma_wait3A_39 = arith.constant 0 : i32
      %dma_wait3A_40 = arith.constant 0 : i32
      %dma_wait3A_41 = tpu.memref_slice %arg4[%add3A, %dma_wait3A_39, %dma_wait3A_40] : memref<32x79x128xi32, #tpu.memory_space<hbm>> -> memref<1x79x128xi32, #tpu.memory_space<hbm>>
      %dma_wait3A_42 = tpu.memref_squeeze %dma_wait3A_41 : memref<1x79x128xi32, #tpu.memory_space<hbm>> -> memref<79x128xi32, #tpu.memory_space<hbm>>
      tpu.wait_dma2 semaphore(%run_scoped3A : memref<!tpu.dma_semaphore, #tpu.memory_space<semaphore_mem>>) src(%dma_wait3A_42 : memref<79x128xi32, #tpu.memory_space<hbm>>) dst(%arg8 : memref<79x128xi32, #tpu.memory_space<vmem>>)
      tpu.yield
    }) : () -> ()
    "tpu.region"() ({
      %run_scoped3A = tpu.sem_alloc : memref<!tpu.dma_semaphore, #tpu.memory_space<semaphore_mem>>
      tpu.enqueue_dma source(%arg5 : memref<128x64xf32, #tpu.memory_space<hbm>>) target(%arg9 : memref<128x64xf32, #tpu.memory_space<vmem>>) target_semaphore(%run_scoped3A : memref<!tpu.dma_semaphore, #tpu.memory_space<semaphore_mem>>)
      tpu.wait_dma2 semaphore(%run_scoped3A : memref<!tpu.dma_semaphore, #tpu.memory_space<semaphore_mem>>) src(%arg5 : memref<128x64xf32, #tpu.memory_space<hbm>>) dst(%arg9 : memref<128x64xf32, #tpu.memory_space<vmem>>)
      tpu.yield
    }) : () -> ()
    %mul3A_1 = arith.constant 640 : i32
    %mul3A_2 = arith.muli %arg1, %mul3A_1 : i32
    %add3A_3 = arith.constant 0 : i32
    %add3A_4 = arith.addi %mul3A_2, %add3A_3 : i32
    "tpu.region"() ({
      %run_scoped3A = tpu.sem_alloc : memref<!tpu.dma_semaphore, #tpu.memory_space<semaphore_mem>>
      %dma_start3A = arith.constant 0 : i32
      %dma_start3A_29 = tpu.memref_slice %arg10[%add3A_4, %dma_start3A] : memref<10240x64xf32, #tpu.memory_space<vmem_shared>> -> memref<128x64xf32, #tpu.memory_space<vmem_shared>>
      %dma_start3A_30 = arith.constant 0 : i32
      %dma_start3A_31 = tpu.memref_slice %arg10[%add3A_4, %dma_start3A_30] : memref<10240x64xf32, #tpu.memory_space<vmem_shared>> -> memref<128x64xf32, #tpu.memory_space<vmem_shared>>
      tpu.enqueue_dma source(%arg9 : memref<128x64xf32, #tpu.memory_space<vmem>>) target(%dma_start3A_31 : memref<128x64xf32, #tpu.memory_space<vmem_shared>>) target_semaphore(%run_scoped3A : memref<!tpu.dma_semaphore, #tpu.memory_space<semaphore_mem>>)
      %dma_wait3A = arith.constant 0 : i32
      %dma_wait3A_32 = tpu.memref_slice %arg10[%add3A_4, %dma_wait3A] : memref<10240x64xf32, #tpu.memory_space<vmem_shared>> -> memref<128x64xf32, #tpu.memory_space<vmem_shared>>
      %dma_wait3A_33 = arith.constant 0 : i32
      %dma_wait3A_34 = tpu.memref_slice %arg10[%add3A_4, %dma_wait3A_33] : memref<10240x64xf32, #tpu.memory_space<vmem_shared>> -> memref<128x64xf32, #tpu.memory_space<vmem_shared>>
      tpu.wait_dma2 semaphore(%run_scoped3A : memref<!tpu.dma_semaphore, #tpu.memory_space<semaphore_mem>>) src(%arg9 : memref<128x64xf32, #tpu.memory_space<vmem>>) dst(%dma_wait3A_34 : memref<128x64xf32, #tpu.memory_space<vmem_shared>>)
      tpu.yield
    }) : () -> ()
    %mul3A_5 = arith.constant 640 : i32
    %mul3A_6 = arith.muli %arg1, %mul3A_5 : i32
    %add3A_7 = arith.constant 128 : i32
    %add3A_8 = arith.addi %mul3A_6, %add3A_7 : i32
    "tpu.region"() ({
      %run_scoped3A = tpu.sem_alloc : memref<!tpu.dma_semaphore, #tpu.memory_space<semaphore_mem>>
      %dma_start3A = arith.constant 0 : i32
      %dma_start3A_29 = tpu.memref_slice %arg10[%add3A_8, %dma_start3A] : memref<10240x64xf32, #tpu.memory_space<vmem_shared>> -> memref<128x64xf32, #tpu.memory_space<vmem_shared>>
      %dma_start3A_30 = arith.constant 0 : i32
      %dma_start3A_31 = tpu.memref_slice %arg10[%add3A_8, %dma_start3A_30] : memref<10240x64xf32, #tpu.memory_space<vmem_shared>> -> memref<128x64xf32, #tpu.memory_space<vmem_shared>>
      tpu.enqueue_dma source(%arg9 : memref<128x64xf32, #tpu.memory_space<vmem>>) target(%dma_start3A_31 : memref<128x64xf32, #tpu.memory_space<vmem_shared>>) target_semaphore(%run_scoped3A : memref<!tpu.dma_semaphore, #tpu.memory_space<semaphore_mem>>)
      %dma_wait3A = arith.constant 0 : i32
      %dma_wait3A_32 = tpu.memref_slice %arg10[%add3A_8, %dma_wait3A] : memref<10240x64xf32, #tpu.memory_space<vmem_shared>> -> memref<128x64xf32, #tpu.memory_space<vmem_shared>>
      %dma_wait3A_33 = arith.constant 0 : i32
      %dma_wait3A_34 = tpu.memref_slice %arg10[%add3A_8, %dma_wait3A_33] : memref<10240x64xf32, #tpu.memory_space<vmem_shared>> -> memref<128x64xf32, #tpu.memory_space<vmem_shared>>
      tpu.wait_dma2 semaphore(%run_scoped3A : memref<!tpu.dma_semaphore, #tpu.memory_space<semaphore_mem>>) src(%arg9 : memref<128x64xf32, #tpu.memory_space<vmem>>) dst(%dma_wait3A_34 : memref<128x64xf32, #tpu.memory_space<vmem_shared>>)
      tpu.yield
    }) : () -> ()
    %mul3A_9 = arith.constant 640 : i32
    %mul3A_10 = arith.muli %arg1, %mul3A_9 : i32
    %add3A_11 = arith.constant 256 : i32
    %add3A_12 = arith.addi %mul3A_10, %add3A_11 : i32
    "tpu.region"() ({
      %run_scoped3A = tpu.sem_alloc : memref<!tpu.dma_semaphore, #tpu.memory_space<semaphore_mem>>
      %dma_start3A = arith.constant 0 : i32
      %dma_start3A_29 = tpu.memref_slice %arg10[%add3A_12, %dma_start3A] : memref<10240x64xf32, #tpu.memory_space<vmem_shared>> -> memref<128x64xf32, #tpu.memory_space<vmem_shared>>
      %dma_start3A_30 = arith.constant 0 : i32
      %dma_start3A_31 = tpu.memref_slice %arg10[%add3A_12, %dma_start3A_30] : memref<10240x64xf32, #tpu.memory_space<vmem_shared>> -> memref<128x64xf32, #tpu.memory_space<vmem_shared>>
      tpu.enqueue_dma source(%arg9 : memref<128x64xf32, #tpu.memory_space<vmem>>) target(%dma_start3A_31 : memref<128x64xf32, #tpu.memory_space<vmem_shared>>) target_semaphore(%run_scoped3A : memref<!tpu.dma_semaphore, #tpu.memory_space<semaphore_mem>>)
      %dma_wait3A = arith.constant 0 : i32
      %dma_wait3A_32 = tpu.memref_slice %arg10[%add3A_12, %dma_wait3A] : memref<10240x64xf32, #tpu.memory_space<vmem_shared>> -> memref<128x64xf32, #tpu.memory_space<vmem_shared>>
      %dma_wait3A_33 = arith.constant 0 : i32
      %dma_wait3A_34 = tpu.memref_slice %arg10[%add3A_12, %dma_wait3A_33] : memref<10240x64xf32, #tpu.memory_space<vmem_shared>> -> memref<128x64xf32, #tpu.memory_space<vmem_shared>>
      tpu.wait_dma2 semaphore(%run_scoped3A : memref<!tpu.dma_semaphore, #tpu.memory_space<semaphore_mem>>) src(%arg9 : memref<128x64xf32, #tpu.memory_space<vmem>>) dst(%dma_wait3A_34 : memref<128x64xf32, #tpu.memory_space<vmem_shared>>)
      tpu.yield
    }) : () -> ()
    %mul3A_13 = arith.constant 640 : i32
    %mul3A_14 = arith.muli %arg1, %mul3A_13 : i32
    %add3A_15 = arith.constant 384 : i32
    %add3A_16 = arith.addi %mul3A_14, %add3A_15 : i32
    "tpu.region"() ({
      %run_scoped3A = tpu.sem_alloc : memref<!tpu.dma_semaphore, #tpu.memory_space<semaphore_mem>>
      %dma_start3A = arith.constant 0 : i32
      %dma_start3A_29 = tpu.memref_slice %arg10[%add3A_16, %dma_start3A] : memref<10240x64xf32, #tpu.memory_space<vmem_shared>> -> memref<128x64xf32, #tpu.memory_space<vmem_shared>>
      %dma_start3A_30 = arith.constant 0 : i32
      %dma_start3A_31 = tpu.memref_slice %arg10[%add3A_16, %dma_start3A_30] : memref<10240x64xf32, #tpu.memory_space<vmem_shared>> -> memref<128x64xf32, #tpu.memory_space<vmem_shared>>
      tpu.enqueue_dma source(%arg9 : memref<128x64xf32, #tpu.memory_space<vmem>>) target(%dma_start3A_31 : memref<128x64xf32, #tpu.memory_space<vmem_shared>>) target_semaphore(%run_scoped3A : memref<!tpu.dma_semaphore, #tpu.memory_space<semaphore_mem>>)
      %dma_wait3A = arith.constant 0 : i32
      %dma_wait3A_32 = tpu.memref_slice %arg10[%add3A_16, %dma_wait3A] : memref<10240x64xf32, #tpu.memory_space<vmem_shared>> -> memref<128x64xf32, #tpu.memory_space<vmem_shared>>
      %dma_wait3A_33 = arith.constant 0 : i32
      %dma_wait3A_34 = tpu.memref_slice %arg10[%add3A_16, %dma_wait3A_33] : memref<10240x64xf32, #tpu.memory_space<vmem_shared>> -> memref<128x64xf32, #tpu.memory_space<vmem_shared>>
      tpu.wait_dma2 semaphore(%run_scoped3A : memref<!tpu.dma_semaphore, #tpu.memory_space<semaphore_mem>>) src(%arg9 : memref<128x64xf32, #tpu.memory_space<vmem>>) dst(%dma_wait3A_34 : memref<128x64xf32, #tpu.memory_space<vmem_shared>>)
      tpu.yield
    }) : () -> ()
    %mul3A_17 = arith.constant 640 : i32
    %mul3A_18 = arith.muli %arg1, %mul3A_17 : i32
    %add3A_19 = arith.constant 512 : i32
    %add3A_20 = arith.addi %mul3A_18, %add3A_19 : i32
    "tpu.region"() ({
      %run_scoped3A = tpu.sem_alloc : memref<!tpu.dma_semaphore, #tpu.memory_space<semaphore_mem>>
      %dma_start3A = arith.constant 0 : i32
      %dma_start3A_29 = tpu.memref_slice %arg10[%add3A_20, %dma_start3A] : memref<10240x64xf32, #tpu.memory_space<vmem_shared>> -> memref<128x64xf32, #tpu.memory_space<vmem_shared>>
      %dma_start3A_30 = arith.constant 0 : i32
      %dma_start3A_31 = tpu.memref_slice %arg10[%add3A_20, %dma_start3A_30] : memref<10240x64xf32, #tpu.memory_space<vmem_shared>> -> memref<128x64xf32, #tpu.memory_space<vmem_shared>>
      tpu.enqueue_dma source(%arg9 : memref<128x64xf32, #tpu.memory_space<vmem>>) target(%dma_start3A_31 : memref<128x64xf32, #tpu.memory_space<vmem_shared>>) target_semaphore(%run_scoped3A : memref<!tpu.dma_semaphore, #tpu.memory_space<semaphore_mem>>)
      %dma_wait3A = arith.constant 0 : i32
      %dma_wait3A_32 = tpu.memref_slice %arg10[%add3A_20, %dma_wait3A] : memref<10240x64xf32, #tpu.memory_space<vmem_shared>> -> memref<128x64xf32, #tpu.memory_space<vmem_shared>>
      %dma_wait3A_33 = arith.constant 0 : i32
      %dma_wait3A_34 = tpu.memref_slice %arg10[%add3A_20, %dma_wait3A_33] : memref<10240x64xf32, #tpu.memory_space<vmem_shared>> -> memref<128x64xf32, #tpu.memory_space<vmem_shared>>
      tpu.wait_dma2 semaphore(%run_scoped3A : memref<!tpu.dma_semaphore, #tpu.memory_space<semaphore_mem>>) src(%arg9 : memref<128x64xf32, #tpu.memory_space<vmem>>) dst(%dma_wait3A_34 : memref<128x64xf32, #tpu.memory_space<vmem_shared>>)
      tpu.yield
    }) : () -> ()
    %barrier3A = arith.constant 0 : index
    tpu.barrier barrier_id(%barrier3A)
    %scan3A = arith.constant 0 : i32
    %scan3A_21 = arith.constant 0 : i32
    %scan3A_22 = arith.constant 79 : i32
    %scan3A_23 = arith.addi %scan3A_21, %scan3A_22 : i32
    %scan3A_24 = arith.constant 1 : i32
    scf.for %scan3A_29 = %scan3A_21 to %scan3A_23 step %scan3A_24  : i32 {
      %dma_start3A = arith.constant 0 : i32
      %dma_start3A_30 = tpu.memref_slice %arg7[%scan3A_29, %dma_start3A] : memref<79x128xi32, #tpu.memory_space<vmem>> -> memref<1x128xi32, #tpu.memory_space<vmem>>
      %dma_start3A_31 = tpu.memref_squeeze %dma_start3A_30 : memref<1x128xi32, #tpu.memory_space<vmem>> -> memref<128xi32, #tpu.memory_space<vmem>>
      %dma_start3A_32 = arith.constant 0 : i32
      %dma_start3A_33 = arith.constant 0 : i32
      %dma_start3A_34 = tpu.memref_slice %arg2[%dma_start3A_32, %dma_start3A_33] : memref<10240x64xf32, #tpu.memory_space<hbm>> -> memref<10240x64xf32, #tpu.memory_space<hbm>>
      tpu.enqueue_indirect_dma source(%dma_start3A_34 : memref<10240x64xf32, #tpu.memory_space<hbm>>) target(%arg9 : memref<128x64xf32, #tpu.memory_space<vmem>>) offsets(%dma_start3A_31 : memref<128xi32, #tpu.memory_space<vmem>>) semaphore(%arg11 : memref<!tpu.dma_semaphore, #tpu.memory_space<semaphore_mem>>)
      %dma_wait3A = arith.constant 0 : i32
      %dma_wait3A_35 = tpu.memref_slice %arg7[%scan3A_29, %dma_wait3A] : memref<79x128xi32, #tpu.memory_space<vmem>> -> memref<1x128xi32, #tpu.memory_space<vmem>>
      %dma_wait3A_36 = tpu.memref_squeeze %dma_wait3A_35 : memref<1x128xi32, #tpu.memory_space<vmem>> -> memref<128xi32, #tpu.memory_space<vmem>>
      %dma_wait3A_37 = arith.constant 0 : i32
      %dma_wait3A_38 = arith.constant 0 : i32
      %dma_wait3A_39 = tpu.memref_slice %arg2[%dma_wait3A_37, %dma_wait3A_38] : memref<10240x64xf32, #tpu.memory_space<hbm>> -> memref<10240x64xf32, #tpu.memory_space<hbm>>
      tpu.wait_indirect_dma semaphore(%arg11 : memref<!tpu.dma_semaphore, #tpu.memory_space<semaphore_mem>>) src(%dma_wait3A_39 : memref<10240x64xf32, #tpu.memory_space<hbm>>) dst(%arg9 : memref<128x64xf32, #tpu.memory_space<vmem>>)
      "tpu.region"() ({
        %run_scoped3A = tpu.sem_alloc : memref<!tpu.dma_semaphore, #tpu.memory_space<semaphore_mem>>
        %dma_start3A_40 = arith.constant 0 : i32
        %dma_start3A_41 = tpu.memref_slice %arg8[%scan3A_29, %dma_start3A_40] : memref<79x128xi32, #tpu.memory_space<vmem>> -> memref<1x128xi32, #tpu.memory_space<vmem>>
        %dma_start3A_42 = tpu.memref_squeeze %dma_start3A_41 : memref<1x128xi32, #tpu.memory_space<vmem>> -> memref<128xi32, #tpu.memory_space<vmem>>
        %dma_start3A_43 = arith.constant 0 : i32
        %dma_start3A_44 = arith.constant 0 : i32
        %dma_start3A_45 = tpu.memref_slice %arg10[%dma_start3A_43, %dma_start3A_44] : memref<10240x64xf32, #tpu.memory_space<vmem_shared>> -> memref<10240x64xf32, #tpu.memory_space<vmem_shared>>
        tpu.enqueue_indirect_dma source(%arg9 : memref<128x64xf32, #tpu.memory_space<vmem>>) target(%dma_start3A_45 : memref<10240x64xf32, #tpu.memory_space<vmem_shared>>) offsets(%dma_start3A_42 : memref<128xi32, #tpu.memory_space<vmem>>) semaphore(%run_scoped3A : memref<!tpu.dma_semaphore, #tpu.memory_space<semaphore_mem>>) {add = true}
        %dma_wait3A_46 = arith.constant 0 : i32
        %dma_wait3A_47 = tpu.memref_slice %arg8[%scan3A_29, %dma_wait3A_46] : memref<79x128xi32, #tpu.memory_space<vmem>> -> memref<1x128xi32, #tpu.memory_space<vmem>>
        %dma_wait3A_48 = tpu.memref_squeeze %dma_wait3A_47 : memref<1x128xi32, #tpu.memory_space<vmem>> -> memref<128xi32, #tpu.memory_space<vmem>>
        %dma_wait3A_49 = arith.constant 0 : i32
        %dma_wait3A_50 = arith.constant 0 : i32
        %dma_wait3A_51 = tpu.memref_slice %arg10[%dma_wait3A_49, %dma_wait3A_50] : memref<10240x64xf32, #tpu.memory_space<vmem_shared>> -> memref<10240x64xf32, #tpu.memory_space<vmem_shared>>
        tpu.wait_indirect_dma semaphore(%run_scoped3A : memref<!tpu.dma_semaphore, #tpu.memory_space<semaphore_mem>>) src(%arg9 : memref<128x64xf32, #tpu.memory_space<vmem>>) dst(%dma_wait3A_51 : memref<10240x64xf32, #tpu.memory_space<vmem_shared>>)
        tpu.yield
      }) : () -> ()
    }
    %scan3A_25 = arith.constant 79 : i32
    %barrier3A_26 = arith.constant 0 : index
    tpu.barrier barrier_id(%barrier3A_26)
    %mul3A_27 = arith.constant 640 : i32
    %mul3A_28 = arith.muli %arg1, %mul3A_27 : i32
    "tpu.region"() ({
      %run_scoped3A = tpu.sem_alloc : memref<!tpu.dma_semaphore, #tpu.memory_space<semaphore_mem>>
      %dma_start3A = arith.constant 0 : i32
      %dma_start3A_29 = tpu.memref_slice %arg6[%arg0, %mul3A_28, %dma_start3A] : memref<2x10240x64xf32, #tpu.memory_space<hbm>> -> memref<1x640x64xf32, #tpu.memory_space<hbm>>
      %dma_start3A_30 = tpu.memref_squeeze %dma_start3A_29 : memref<1x640x64xf32, #tpu.memory_space<hbm>> -> memref<640x64xf32, #tpu.memory_space<hbm>>
      %dma_start3A_31 = arith.constant 0 : i32
      %dma_start3A_32 = tpu.memref_slice %arg10[%mul3A_28, %dma_start3A_31] : memref<10240x64xf32, #tpu.memory_space<vmem_shared>> -> memref<640x64xf32, #tpu.memory_space<vmem_shared>>
      tpu.enqueue_dma source(%dma_start3A_32 : memref<640x64xf32, #tpu.memory_space<vmem_shared>>) target(%dma_start3A_30 : memref<640x64xf32, #tpu.memory_space<hbm>>) target_semaphore(%run_scoped3A : memref<!tpu.dma_semaphore, #tpu.memory_space<semaphore_mem>>)
      %dma_wait3A = arith.constant 0 : i32
      %dma_wait3A_33 = tpu.memref_slice %arg6[%arg0, %mul3A_28, %dma_wait3A] : memref<2x10240x64xf32, #tpu.memory_space<hbm>> -> memref<1x640x64xf32, #tpu.memory_space<hbm>>
      %dma_wait3A_34 = tpu.memref_squeeze %dma_wait3A_33 : memref<1x640x64xf32, #tpu.memory_space<hbm>> -> memref<640x64xf32, #tpu.memory_space<hbm>>
      %dma_wait3A_35 = arith.constant 0 : i32
      %dma_wait3A_36 = tpu.memref_slice %arg10[%mul3A_28, %dma_wait3A_35] : memref<10240x64xf32, #tpu.memory_space<vmem_shared>> -> memref<640x64xf32, #tpu.memory_space<vmem_shared>>
      tpu.wait_dma2 semaphore(%run_scoped3A : memref<!tpu.dma_semaphore, #tpu.memory_space<semaphore_mem>>) src(%dma_wait3A_36 : memref<640x64xf32, #tpu.memory_space<vmem_shared>>) dst(%dma_wait3A_34 : memref<640x64xf32, #tpu.memory_space<hbm>>)
      tpu.yield
    }) : () -> ()
    return
  }
}

#map = affine_map<(d0, d1) -> (0, 0)>
#map1 = affine_map<(d0, d1) -> (0, 0, 0)>
module attributes {stable_mosaic.version = 14 : i64} {
  func.func @_sc_body(%arg0: i32, %arg1: i32, %arg2: memref<10240x64xf32, #tpu.memory_space<hbm>>, %arg3: memref<32x79x128xi32, #tpu.memory_space<hbm>>, %arg4: memref<32x79x128xi32, #tpu.memory_space<hbm>>, %arg5: memref<128x64xf32, #tpu.memory_space<hbm>>, %arg6: memref<2x10240x64xf32, #tpu.memory_space<hbm>>, %arg7: memref<79x128xi32, #tpu.memory_space<vmem>>, %arg8: memref<79x128xi32, #tpu.memory_space<vmem>>, %arg9: memref<128x64xf32, #tpu.memory_space<vmem>>, %arg10: memref<10240x64xf32, #tpu.memory_space<vmem_shared>>, %arg11: memref<!tpu.dma_semaphore, #tpu.memory_space<semaphore_mem>>) attributes {dimension_semantics = [#tpu.dimension_semantics<core_parallel>, #tpu.dimension_semantics<subcore_parallel>], iteration_bounds = array<i64: 2, 16>, scalar_prefetch = 0 : i64, scratch_operands = 5 : i64, tpu.core_type = #tpu.core_type<sc_vector_subcore>, window_params = [{transform_indices = #map}, {transform_indices = #map1}, {transform_indices = #map1}, {transform_indices = #map}, {transform_indices = #map1}]} {
    %mul3A = arith.constant 16 : i32
    %mul3A_0 = arith.muli %arg0, %mul3A : i32
    %add3A = arith.addi %mul3A_0, %arg1 : i32
    "tpu.region"() ({
      %run_scoped3A = tpu.sem_alloc : memref<!tpu.dma_semaphore, #tpu.memory_space<semaphore_mem>>
      %dma_start3A = arith.constant 0 : i32
      %dma_start3A_29 = arith.constant 0 : i32
      %dma_start3A_30 = tpu.memref_slice %arg3[%add3A, %dma_start3A, %dma_start3A_29] : memref<32x79x128xi32, #tpu.memory_space<hbm>> -> memref<1x79x128xi32, #tpu.memory_space<hbm>>
      %dma_start3A_31 = tpu.memref_squeeze %dma_start3A_30 : memref<1x79x128xi32, #tpu.memory_space<hbm>> -> memref<79x128xi32, #tpu.memory_space<hbm>>
      %dma_start3A_32 = arith.constant 0 : i32
      %dma_start3A_33 = arith.constant 0 : i32
      %dma_start3A_34 = tpu.memref_slice %arg3[%add3A, %dma_start3A_32, %dma_start3A_33] : memref<32x79x128xi32, #tpu.memory_space<hbm>> -> memref<1x79x128xi32, #tpu.memory_space<hbm>>
      %dma_start3A_35 = tpu.memref_squeeze %dma_start3A_34 : memref<1x79x128xi32, #tpu.memory_space<hbm>> -> memref<79x128xi32, #tpu.memory_space<hbm>>
      tpu.enqueue_dma source(%dma_start3A_35 : memref<79x128xi32, #tpu.memory_space<hbm>>) target(%arg7 : memref<79x128xi32, #tpu.memory_space<vmem>>) target_semaphore(%run_scoped3A : memref<!tpu.dma_semaphore, #tpu.memory_space<semaphore_mem>>)
      %dma_wait3A = arith.constant 0 : i32
      %dma_wait3A_36 = arith.constant 0 : i32
      %dma_wait3A_37 = tpu.memref_slice %arg3[%add3A, %dma_wait3A, %dma_wait3A_36] : memref<32x79x128xi32, #tpu.memory_space<hbm>> -> memref<1x79x128xi32, #tpu.memory_space<hbm>>
      %dma_wait3A_38 = tpu.memref_squeeze %dma_wait3A_37 : memref<1x79x128xi32, #tpu.memory_space<hbm>> -> memref<79x128xi32, #tpu.memory_space<hbm>>
      %dma_wait3A_39 = arith.constant 0 : i32
      %dma_wait3A_40 = arith.constant 0 : i32
      %dma_wait3A_41 = tpu.memref_slice %arg3[%add3A, %dma_wait3A_39, %dma_wait3A_40] : memref<32x79x128xi32, #tpu.memory_space<hbm>> -> memref<1x79x128xi32, #tpu.memory_space<hbm>>
      %dma_wait3A_42 = tpu.memref_squeeze %dma_wait3A_41 : memref<1x79x128xi32, #tpu.memory_space<hbm>> -> memref<79x128xi32, #tpu.memory_space<hbm>>
      tpu.wait_dma2 semaphore(%run_scoped3A : memref<!tpu.dma_semaphore, #tpu.memory_space<semaphore_mem>>) src(%dma_wait3A_42 : memref<79x128xi32, #tpu.memory_space<hbm>>) dst(%arg7 : memref<79x128xi32, #tpu.memory_space<vmem>>)
      tpu.yield
    }) : () -> ()
    "tpu.region"() ({
      %run_scoped3A = tpu.sem_alloc : memref<!tpu.dma_semaphore, #tpu.memory_space<semaphore_mem>>
      %dma_start3A = arith.constant 0 : i32
      %dma_start3A_29 = arith.constant 0 : i32
      %dma_start3A_30 = tpu.memref_slice %arg4[%add3A, %dma_start3A, %dma_start3A_29] : memref<32x79x128xi32, #tpu.memory_space<hbm>> -> memref<1x79x128xi32, #tpu.memory_space<hbm>>
      %dma_start3A_31 = tpu.memref_squeeze %dma_start3A_30 : memref<1x79x128xi32, #tpu.memory_space<hbm>> -> memref<79x128xi32, #tpu.memory_space<hbm>>
      %dma_start3A_32 = arith.constant 0 : i32
      %dma_start3A_33 = arith.constant 0 : i32
      %dma_start3A_34 = tpu.memref_slice %arg4[%add3A, %dma_start3A_32, %dma_start3A_33] : memref<32x79x128xi32, #tpu.memory_space<hbm>> -> memref<1x79x128xi32, #tpu.memory_space<hbm>>
      %dma_start3A_35 = tpu.memref_squeeze %dma_start3A_34 : memref<1x79x128xi32, #tpu.memory_space<hbm>> -> memref<79x128xi32, #tpu.memory_space<hbm>>
      tpu.enqueue_dma source(%dma_start3A_35 : memref<79x128xi32, #tpu.memory_space<hbm>>) target(%arg8 : memref<79x128xi32, #tpu.memory_space<vmem>>) target_semaphore(%run_scoped3A : memref<!tpu.dma_semaphore, #tpu.memory_space<semaphore_mem>>)
      %dma_wait3A = arith.constant 0 : i32
      %dma_wait3A_36 = arith.constant 0 : i32
      %dma_wait3A_37 = tpu.memref_slice %arg4[%add3A, %dma_wait3A, %dma_wait3A_36] : memref<32x79x128xi32, #tpu.memory_space<hbm>> -> memref<1x79x128xi32, #tpu.memory_space<hbm>>
      %dma_wait3A_38 = tpu.memref_squeeze %dma_wait3A_37 : memref<1x79x128xi32, #tpu.memory_space<hbm>> -> memref<79x128xi32, #tpu.memory_space<hbm>>
      %dma_wait3A_39 = arith.constant 0 : i32
      %dma_wait3A_40 = arith.constant 0 : i32
      %dma_wait3A_41 = tpu.memref_slice %arg4[%add3A, %dma_wait3A_39, %dma_wait3A_40] : memref<32x79x128xi32, #tpu.memory_space<hbm>> -> memref<1x79x128xi32, #tpu.memory_space<hbm>>
      %dma_wait3A_42 = tpu.memref_squeeze %dma_wait3A_41 : memref<1x79x128xi32, #tpu.memory_space<hbm>> -> memref<79x128xi32, #tpu.memory_space<hbm>>
      tpu.wait_dma2 semaphore(%run_scoped3A : memref<!tpu.dma_semaphore, #tpu.memory_space<semaphore_mem>>) src(%dma_wait3A_42 : memref<79x128xi32, #tpu.memory_space<hbm>>) dst(%arg8 : memref<79x128xi32, #tpu.memory_space<vmem>>)
      tpu.yield
    }) : () -> ()
    "tpu.region"() ({
      %run_scoped3A = tpu.sem_alloc : memref<!tpu.dma_semaphore, #tpu.memory_space<semaphore_mem>>
      tpu.enqueue_dma source(%arg5 : memref<128x64xf32, #tpu.memory_space<hbm>>) target(%arg9 : memref<128x64xf32, #tpu.memory_space<vmem>>) target_semaphore(%run_scoped3A : memref<!tpu.dma_semaphore, #tpu.memory_space<semaphore_mem>>)
      tpu.wait_dma2 semaphore(%run_scoped3A : memref<!tpu.dma_semaphore, #tpu.memory_space<semaphore_mem>>) src(%arg5 : memref<128x64xf32, #tpu.memory_space<hbm>>) dst(%arg9 : memref<128x64xf32, #tpu.memory_space<vmem>>)
      tpu.yield
    }) : () -> ()
    %mul3A_1 = arith.constant 640 : i32
    %mul3A_2 = arith.muli %arg1, %mul3A_1 : i32
    %add3A_3 = arith.constant 0 : i32
    %add3A_4 = arith.addi %mul3A_2, %add3A_3 : i32
    "tpu.region"() ({
      %run_scoped3A = tpu.sem_alloc : memref<!tpu.dma_semaphore, #tpu.memory_space<semaphore_mem>>
      %dma_start3A = arith.constant 0 : i32
      %dma_start3A_29 = tpu.memref_slice %arg10[%add3A_4, %dma_start3A] : memref<10240x64xf32, #tpu.memory_space<vmem_shared>> -> memref<128x64xf32, #tpu.memory_space<vmem_shared>>
      %dma_start3A_30 = arith.constant 0 : i32
      %dma_start3A_31 = tpu.memref_slice %arg10[%add3A_4, %dma_start3A_30] : memref<10240x64xf32, #tpu.memory_space<vmem_shared>> -> memref<128x64xf32, #tpu.memory_space<vmem_shared>>
      tpu.enqueue_dma source(%arg9 : memref<128x64xf32, #tpu.memory_space<vmem>>) target(%dma_start3A_31 : memref<128x64xf32, #tpu.memory_space<vmem_shared>>) target_semaphore(%run_scoped3A : memref<!tpu.dma_semaphore, #tpu.memory_space<semaphore_mem>>)
      %dma_wait3A = arith.constant 0 : i32
      %dma_wait3A_32 = tpu.memref_slice %arg10[%add3A_4, %dma_wait3A] : memref<10240x64xf32, #tpu.memory_space<vmem_shared>> -> memref<128x64xf32, #tpu.memory_space<vmem_shared>>
      %dma_wait3A_33 = arith.constant 0 : i32
      %dma_wait3A_34 = tpu.memref_slice %arg10[%add3A_4, %dma_wait3A_33] : memref<10240x64xf32, #tpu.memory_space<vmem_shared>> -> memref<128x64xf32, #tpu.memory_space<vmem_shared>>
      tpu.wait_dma2 semaphore(%run_scoped3A : memref<!tpu.dma_semaphore, #tpu.memory_space<semaphore_mem>>) src(%arg9 : memref<128x64xf32, #tpu.memory_space<vmem>>) dst(%dma_wait3A_34 : memref<128x64xf32, #tpu.memory_space<vmem_shared>>)
      tpu.yield
    }) : () -> ()
    %mul3A_5 = arith.constant 640 : i32
    %mul3A_6 = arith.muli %arg1, %mul3A_5 : i32
    %add3A_7 = arith.constant 128 : i32
    %add3A_8 = arith.addi %mul3A_6, %add3A_7 : i32
    "tpu.region"() ({
      %run_scoped3A = tpu.sem_alloc : memref<!tpu.dma_semaphore, #tpu.memory_space<semaphore_mem>>
      %dma_start3A = arith.constant 0 : i32
      %dma_start3A_29 = tpu.memref_slice %arg10[%add3A_8, %dma_start3A] : memref<10240x64xf32, #tpu.memory_space<vmem_shared>> -> memref<128x64xf32, #tpu.memory_space<vmem_shared>>
      %dma_start3A_30 = arith.constant 0 : i32
      %dma_start3A_31 = tpu.memref_slice %arg10[%add3A_8, %dma_start3A_30] : memref<10240x64xf32, #tpu.memory_space<vmem_shared>> -> memref<128x64xf32, #tpu.memory_space<vmem_shared>>
      tpu.enqueue_dma source(%arg9 : memref<128x64xf32, #tpu.memory_space<vmem>>) target(%dma_start3A_31 : memref<128x64xf32, #tpu.memory_space<vmem_shared>>) target_semaphore(%run_scoped3A : memref<!tpu.dma_semaphore, #tpu.memory_space<semaphore_mem>>)
      %dma_wait3A = arith.constant 0 : i32
      %dma_wait3A_32 = tpu.memref_slice %arg10[%add3A_8, %dma_wait3A] : memref<10240x64xf32, #tpu.memory_space<vmem_shared>> -> memref<128x64xf32, #tpu.memory_space<vmem_shared>>
      %dma_wait3A_33 = arith.constant 0 : i32
      %dma_wait3A_34 = tpu.memref_slice %arg10[%add3A_8, %dma_wait3A_33] : memref<10240x64xf32, #tpu.memory_space<vmem_shared>> -> memref<128x64xf32, #tpu.memory_space<vmem_shared>>
      tpu.wait_dma2 semaphore(%run_scoped3A : memref<!tpu.dma_semaphore, #tpu.memory_space<semaphore_mem>>) src(%arg9 : memref<128x64xf32, #tpu.memory_space<vmem>>) dst(%dma_wait3A_34 : memref<128x64xf32, #tpu.memory_space<vmem_shared>>)
      tpu.yield
    }) : () -> ()
    %mul3A_9 = arith.constant 640 : i32
    %mul3A_10 = arith.muli %arg1, %mul3A_9 : i32
    %add3A_11 = arith.constant 256 : i32
    %add3A_12 = arith.addi %mul3A_10, %add3A_11 : i32
    "tpu.region"() ({
      %run_scoped3A = tpu.sem_alloc : memref<!tpu.dma_semaphore, #tpu.memory_space<semaphore_mem>>
      %dma_start3A = arith.constant 0 : i32
      %dma_start3A_29 = tpu.memref_slice %arg10[%add3A_12, %dma_start3A] : memref<10240x64xf32, #tpu.memory_space<vmem_shared>> -> memref<128x64xf32, #tpu.memory_space<vmem_shared>>
      %dma_start3A_30 = arith.constant 0 : i32
      %dma_start3A_31 = tpu.memref_slice %arg10[%add3A_12, %dma_start3A_30] : memref<10240x64xf32, #tpu.memory_space<vmem_shared>> -> memref<128x64xf32, #tpu.memory_space<vmem_shared>>
      tpu.enqueue_dma source(%arg9 : memref<128x64xf32, #tpu.memory_space<vmem>>) target(%dma_start3A_31 : memref<128x64xf32, #tpu.memory_space<vmem_shared>>) target_semaphore(%run_scoped3A : memref<!tpu.dma_semaphore, #tpu.memory_space<semaphore_mem>>)
      %dma_wait3A = arith.constant 0 : i32
      %dma_wait3A_32 = tpu.memref_slice %arg10[%add3A_12, %dma_wait3A] : memref<10240x64xf32, #tpu.memory_space<vmem_shared>> -> memref<128x64xf32, #tpu.memory_space<vmem_shared>>
      %dma_wait3A_33 = arith.constant 0 : i32
      %dma_wait3A_34 = tpu.memref_slice %arg10[%add3A_12, %dma_wait3A_33] : memref<10240x64xf32, #tpu.memory_space<vmem_shared>> -> memref<128x64xf32, #tpu.memory_space<vmem_shared>>
      tpu.wait_dma2 semaphore(%run_scoped3A : memref<!tpu.dma_semaphore, #tpu.memory_space<semaphore_mem>>) src(%arg9 : memref<128x64xf32, #tpu.memory_space<vmem>>) dst(%dma_wait3A_34 : memref<128x64xf32, #tpu.memory_space<vmem_shared>>)
      tpu.yield
    }) : () -> ()
    %mul3A_13 = arith.constant 640 : i32
    %mul3A_14 = arith.muli %arg1, %mul3A_13 : i32
    %add3A_15 = arith.constant 384 : i32
    %add3A_16 = arith.addi %mul3A_14, %add3A_15 : i32
    "tpu.region"() ({
      %run_scoped3A = tpu.sem_alloc : memref<!tpu.dma_semaphore, #tpu.memory_space<semaphore_mem>>
      %dma_start3A = arith.constant 0 : i32
      %dma_start3A_29 = tpu.memref_slice %arg10[%add3A_16, %dma_start3A] : memref<10240x64xf32, #tpu.memory_space<vmem_shared>> -> memref<128x64xf32, #tpu.memory_space<vmem_shared>>
      %dma_start3A_30 = arith.constant 0 : i32
      %dma_start3A_31 = tpu.memref_slice %arg10[%add3A_16, %dma_start3A_30] : memref<10240x64xf32, #tpu.memory_space<vmem_shared>> -> memref<128x64xf32, #tpu.memory_space<vmem_shared>>
      tpu.enqueue_dma source(%arg9 : memref<128x64xf32, #tpu.memory_space<vmem>>) target(%dma_start3A_31 : memref<128x64xf32, #tpu.memory_space<vmem_shared>>) target_semaphore(%run_scoped3A : memref<!tpu.dma_semaphore, #tpu.memory_space<semaphore_mem>>)
      %dma_wait3A = arith.constant 0 : i32
      %dma_wait3A_32 = tpu.memref_slice %arg10[%add3A_16, %dma_wait3A] : memref<10240x64xf32, #tpu.memory_space<vmem_shared>> -> memref<128x64xf32, #tpu.memory_space<vmem_shared>>
      %dma_wait3A_33 = arith.constant 0 : i32
      %dma_wait3A_34 = tpu.memref_slice %arg10[%add3A_16, %dma_wait3A_33] : memref<10240x64xf32, #tpu.memory_space<vmem_shared>> -> memref<128x64xf32, #tpu.memory_space<vmem_shared>>
      tpu.wait_dma2 semaphore(%run_scoped3A : memref<!tpu.dma_semaphore, #tpu.memory_space<semaphore_mem>>) src(%arg9 : memref<128x64xf32, #tpu.memory_space<vmem>>) dst(%dma_wait3A_34 : memref<128x64xf32, #tpu.memory_space<vmem_shared>>)
      tpu.yield
    }) : () -> ()
    %mul3A_17 = arith.constant 640 : i32
    %mul3A_18 = arith.muli %arg1, %mul3A_17 : i32
    %add3A_19 = arith.constant 512 : i32
    %add3A_20 = arith.addi %mul3A_18, %add3A_19 : i32
    "tpu.region"() ({
      %run_scoped3A = tpu.sem_alloc : memref<!tpu.dma_semaphore, #tpu.memory_space<semaphore_mem>>
      %dma_start3A = arith.constant 0 : i32
      %dma_start3A_29 = tpu.memref_slice %arg10[%add3A_20, %dma_start3A] : memref<10240x64xf32, #tpu.memory_space<vmem_shared>> -> memref<128x64xf32, #tpu.memory_space<vmem_shared>>
      %dma_start3A_30 = arith.constant 0 : i32
      %dma_start3A_31 = tpu.memref_slice %arg10[%add3A_20, %dma_start3A_30] : memref<10240x64xf32, #tpu.memory_space<vmem_shared>> -> memref<128x64xf32, #tpu.memory_space<vmem_shared>>
      tpu.enqueue_dma source(%arg9 : memref<128x64xf32, #tpu.memory_space<vmem>>) target(%dma_start3A_31 : memref<128x64xf32, #tpu.memory_space<vmem_shared>>) target_semaphore(%run_scoped3A : memref<!tpu.dma_semaphore, #tpu.memory_space<semaphore_mem>>)
      %dma_wait3A = arith.constant 0 : i32
      %dma_wait3A_32 = tpu.memref_slice %arg10[%add3A_20, %dma_wait3A] : memref<10240x64xf32, #tpu.memory_space<vmem_shared>> -> memref<128x64xf32, #tpu.memory_space<vmem_shared>>
      %dma_wait3A_33 = arith.constant 0 : i32
      %dma_wait3A_34 = tpu.memref_slice %arg10[%add3A_20, %dma_wait3A_33] : memref<10240x64xf32, #tpu.memory_space<vmem_shared>> -> memref<128x64xf32, #tpu.memory_space<vmem_shared>>
      tpu.wait_dma2 semaphore(%run_scoped3A : memref<!tpu.dma_semaphore, #tpu.memory_space<semaphore_mem>>) src(%arg9 : memref<128x64xf32, #tpu.memory_space<vmem>>) dst(%dma_wait3A_34 : memref<128x64xf32, #tpu.memory_space<vmem_shared>>)
      tpu.yield
    }) : () -> ()
    %barrier3A = arith.constant 0 : index
    tpu.barrier barrier_id(%barrier3A)
    %scan3A = arith.constant 0 : i32
    %scan3A_21 = arith.constant 0 : i32
    %scan3A_22 = arith.constant 79 : i32
    %scan3A_23 = arith.addi %scan3A_21, %scan3A_22 : i32
    %scan3A_24 = arith.constant 1 : i32
    scf.for %scan3A_29 = %scan3A_21 to %scan3A_23 step %scan3A_24  : i32 {
      %dma_start3A = arith.constant 0 : i32
      %dma_start3A_30 = tpu.memref_slice %arg7[%scan3A_29, %dma_start3A] : memref<79x128xi32, #tpu.memory_space<vmem>> -> memref<1x128xi32, #tpu.memory_space<vmem>>
      %dma_start3A_31 = tpu.memref_squeeze %dma_start3A_30 : memref<1x128xi32, #tpu.memory_space<vmem>> -> memref<128xi32, #tpu.memory_space<vmem>>
      %dma_start3A_32 = arith.constant 0 : i32
      %dma_start3A_33 = arith.constant 0 : i32
      %dma_start3A_34 = tpu.memref_slice %arg2[%dma_start3A_32, %dma_start3A_33] : memref<10240x64xf32, #tpu.memory_space<hbm>> -> memref<10240x64xf32, #tpu.memory_space<hbm>>
      tpu.enqueue_indirect_dma source(%dma_start3A_34 : memref<10240x64xf32, #tpu.memory_space<hbm>>) target(%arg9 : memref<128x64xf32, #tpu.memory_space<vmem>>) offsets(%dma_start3A_31 : memref<128xi32, #tpu.memory_space<vmem>>) semaphore(%arg11 : memref<!tpu.dma_semaphore, #tpu.memory_space<semaphore_mem>>)
      %dma_wait3A = arith.constant 0 : i32
      %dma_wait3A_35 = tpu.memref_slice %arg7[%scan3A_29, %dma_wait3A] : memref<79x128xi32, #tpu.memory_space<vmem>> -> memref<1x128xi32, #tpu.memory_space<vmem>>
      %dma_wait3A_36 = tpu.memref_squeeze %dma_wait3A_35 : memref<1x128xi32, #tpu.memory_space<vmem>> -> memref<128xi32, #tpu.memory_space<vmem>>
      %dma_wait3A_37 = arith.constant 0 : i32
      %dma_wait3A_38 = arith.constant 0 : i32
      %dma_wait3A_39 = tpu.memref_slice %arg2[%dma_wait3A_37, %dma_wait3A_38] : memref<10240x64xf32, #tpu.memory_space<hbm>> -> memref<10240x64xf32, #tpu.memory_space<hbm>>
      tpu.wait_indirect_dma semaphore(%arg11 : memref<!tpu.dma_semaphore, #tpu.memory_space<semaphore_mem>>) src(%dma_wait3A_39 : memref<10240x64xf32, #tpu.memory_space<hbm>>) dst(%arg9 : memref<128x64xf32, #tpu.memory_space<vmem>>)
      "tpu.region"() ({
        %run_scoped3A = tpu.sem_alloc : memref<!tpu.dma_semaphore, #tpu.memory_space<semaphore_mem>>
        %dma_start3A_40 = arith.constant 0 : i32
        %dma_start3A_41 = tpu.memref_slice %arg8[%scan3A_29, %dma_start3A_40] : memref<79x128xi32, #tpu.memory_space<vmem>> -> memref<1x128xi32, #tpu.memory_space<vmem>>
        %dma_start3A_42 = tpu.memref_squeeze %dma_start3A_41 : memref<1x128xi32, #tpu.memory_space<vmem>> -> memref<128xi32, #tpu.memory_space<vmem>>
        %dma_start3A_43 = arith.constant 0 : i32
        %dma_start3A_44 = arith.constant 0 : i32
        %dma_start3A_45 = tpu.memref_slice %arg10[%dma_start3A_43, %dma_start3A_44] : memref<10240x64xf32, #tpu.memory_space<vmem_shared>> -> memref<10240x64xf32, #tpu.memory_space<vmem_shared>>
        tpu.enqueue_indirect_dma source(%arg9 : memref<128x64xf32, #tpu.memory_space<vmem>>) target(%dma_start3A_45 : memref<10240x64xf32, #tpu.memory_space<vmem_shared>>) offsets(%dma_start3A_42 : memref<128xi32, #tpu.memory_space<vmem>>) semaphore(%run_scoped3A : memref<!tpu.dma_semaphore, #tpu.memory_space<semaphore_mem>>) {add = true}
        %dma_wait3A_46 = arith.constant 0 : i32
        %dma_wait3A_47 = tpu.memref_slice %arg8[%scan3A_29, %dma_wait3A_46] : memref<79x128xi32, #tpu.memory_space<vmem>> -> memref<1x128xi32, #tpu.memory_space<vmem>>
        %dma_wait3A_48 = tpu.memref_squeeze %dma_wait3A_47 : memref<1x128xi32, #tpu.memory_space<vmem>> -> memref<128xi32, #tpu.memory_space<vmem>>
        %dma_wait3A_49 = arith.constant 0 : i32
        %dma_wait3A_50 = arith.constant 0 : i32
        %dma_wait3A_51 = tpu.memref_slice %arg10[%dma_wait3A_49, %dma_wait3A_50] : memref<10240x64xf32, #tpu.memory_space<vmem_shared>> -> memref<10240x64xf32, #tpu.memory_space<vmem_shared>>
        tpu.wait_indirect_dma semaphore(%run_scoped3A : memref<!tpu.dma_semaphore, #tpu.memory_space<semaphore_mem>>) src(%arg9 : memref<128x64xf32, #tpu.memory_space<vmem>>) dst(%dma_wait3A_51 : memref<10240x64xf32, #tpu.memory_space<vmem_shared>>)
        tpu.yield
      }) : () -> ()
    }
    %scan3A_25 = arith.constant 79 : i32
    %barrier3A_26 = arith.constant 0 : index
    tpu.barrier barrier_id(%barrier3A_26)
    %mul3A_27 = arith.constant 640 : i32
    %mul3A_28 = arith.muli %arg1, %mul3A_27 : i32
    "tpu.region"() ({
      %run_scoped3A = tpu.sem_alloc : memref<!tpu.dma_semaphore, #tpu.memory_space<semaphore_mem>>
      %dma_start3A = arith.constant 0 : i32
      %dma_start3A_29 = tpu.memref_slice %arg6[%arg0, %mul3A_28, %dma_start3A] : memref<2x10240x64xf32, #tpu.memory_space<hbm>> -> memref<1x640x64xf32, #tpu.memory_space<hbm>>
      %dma_start3A_30 = tpu.memref_squeeze %dma_start3A_29 : memref<1x640x64xf32, #tpu.memory_space<hbm>> -> memref<640x64xf32, #tpu.memory_space<hbm>>
      %dma_start3A_31 = arith.constant 0 : i32
      %dma_start3A_32 = tpu.memref_slice %arg10[%mul3A_28, %dma_start3A_31] : memref<10240x64xf32, #tpu.memory_space<vmem_shared>> -> memref<640x64xf32, #tpu.memory_space<vmem_shared>>
      tpu.enqueue_dma source(%dma_start3A_32 : memref<640x64xf32, #tpu.memory_space<vmem_shared>>) target(%dma_start3A_30 : memref<640x64xf32, #tpu.memory_space<hbm>>) target_semaphore(%run_scoped3A : memref<!tpu.dma_semaphore, #tpu.memory_space<semaphore_mem>>)
      %dma_wait3A = arith.constant 0 : i32
      %dma_wait3A_33 = tpu.memref_slice %arg6[%arg0, %mul3A_28, %dma_wait3A] : memref<2x10240x64xf32, #tpu.memory_space<hbm>> -> memref<1x640x64xf32, #tpu.memory_space<hbm>>
      %dma_wait3A_34 = tpu.memref_squeeze %dma_wait3A_33 : memref<1x640x64xf32, #tpu.memory_space<hbm>> -> memref<640x64xf32, #tpu.memory_space<hbm>>
      %dma_wait3A_35 = arith.constant 0 : i32
      %dma_wait3A_36 = tpu.memref_slice %arg10[%mul3A_28, %dma_wait3A_35] : memref<10240x64xf32, #tpu.memory_space<vmem_shared>> -> memref<640x64xf32, #tpu.memory_space<vmem_shared>>
      tpu.wait_dma2 semaphore(%run_scoped3A : memref<!tpu.dma_semaphore, #tpu.memory_space<semaphore_mem>>) src(%dma_wait3A_36 : memref<640x64xf32, #tpu.memory_space<vmem_shared>>) dst(%dma_wait3A_34 : memref<640x64xf32, #tpu.memory_space<hbm>>)
      tpu.yield
    }) : () -> ()
    return
  }
}

#map = affine_map<(d0, d1) -> (0, 0)>
#map1 = affine_map<(d0, d1) -> (0, 0, 0)>
module attributes {stable_mosaic.version = 14 : i64} {
  func.func @_sc_body(%arg0: i32, %arg1: i32, %arg2: memref<10240x64xf32, #tpu.memory_space<hbm>>, %arg3: memref<32x79x128xi32, #tpu.memory_space<hbm>>, %arg4: memref<32x79x128xi32, #tpu.memory_space<hbm>>, %arg5: memref<128x64xf32, #tpu.memory_space<hbm>>, %arg6: memref<2x10240x64xf32, #tpu.memory_space<hbm>>, %arg7: memref<79x128xi32, #tpu.memory_space<vmem>>, %arg8: memref<79x128xi32, #tpu.memory_space<vmem>>, %arg9: memref<128x64xf32, #tpu.memory_space<vmem>>, %arg10: memref<10240x64xf32, #tpu.memory_space<vmem_shared>>, %arg11: memref<!tpu.dma_semaphore, #tpu.memory_space<semaphore_mem>>) attributes {dimension_semantics = [#tpu.dimension_semantics<core_parallel>, #tpu.dimension_semantics<subcore_parallel>], iteration_bounds = array<i64: 2, 16>, scalar_prefetch = 0 : i64, scratch_operands = 5 : i64, tpu.core_type = #tpu.core_type<sc_vector_subcore>, window_params = [{transform_indices = #map}, {transform_indices = #map1}, {transform_indices = #map1}, {transform_indices = #map}, {transform_indices = #map1}]} {
    %mul3A = arith.constant 16 : i32
    %mul3A_0 = arith.muli %arg0, %mul3A : i32
    %add3A = arith.addi %mul3A_0, %arg1 : i32
    "tpu.region"() ({
      %run_scoped3A = tpu.sem_alloc : memref<!tpu.dma_semaphore, #tpu.memory_space<semaphore_mem>>
      %dma_start3A = arith.constant 0 : i32
      %dma_start3A_29 = arith.constant 0 : i32
      %dma_start3A_30 = tpu.memref_slice %arg3[%add3A, %dma_start3A, %dma_start3A_29] : memref<32x79x128xi32, #tpu.memory_space<hbm>> -> memref<1x79x128xi32, #tpu.memory_space<hbm>>
      %dma_start3A_31 = tpu.memref_squeeze %dma_start3A_30 : memref<1x79x128xi32, #tpu.memory_space<hbm>> -> memref<79x128xi32, #tpu.memory_space<hbm>>
      %dma_start3A_32 = arith.constant 0 : i32
      %dma_start3A_33 = arith.constant 0 : i32
      %dma_start3A_34 = tpu.memref_slice %arg3[%add3A, %dma_start3A_32, %dma_start3A_33] : memref<32x79x128xi32, #tpu.memory_space<hbm>> -> memref<1x79x128xi32, #tpu.memory_space<hbm>>
      %dma_start3A_35 = tpu.memref_squeeze %dma_start3A_34 : memref<1x79x128xi32, #tpu.memory_space<hbm>> -> memref<79x128xi32, #tpu.memory_space<hbm>>
      tpu.enqueue_dma source(%dma_start3A_35 : memref<79x128xi32, #tpu.memory_space<hbm>>) target(%arg7 : memref<79x128xi32, #tpu.memory_space<vmem>>) target_semaphore(%run_scoped3A : memref<!tpu.dma_semaphore, #tpu.memory_space<semaphore_mem>>)
      %dma_wait3A = arith.constant 0 : i32
      %dma_wait3A_36 = arith.constant 0 : i32
      %dma_wait3A_37 = tpu.memref_slice %arg3[%add3A, %dma_wait3A, %dma_wait3A_36] : memref<32x79x128xi32, #tpu.memory_space<hbm>> -> memref<1x79x128xi32, #tpu.memory_space<hbm>>
      %dma_wait3A_38 = tpu.memref_squeeze %dma_wait3A_37 : memref<1x79x128xi32, #tpu.memory_space<hbm>> -> memref<79x128xi32, #tpu.memory_space<hbm>>
      %dma_wait3A_39 = arith.constant 0 : i32
      %dma_wait3A_40 = arith.constant 0 : i32
      %dma_wait3A_41 = tpu.memref_slice %arg3[%add3A, %dma_wait3A_39, %dma_wait3A_40] : memref<32x79x128xi32, #tpu.memory_space<hbm>> -> memref<1x79x128xi32, #tpu.memory_space<hbm>>
      %dma_wait3A_42 = tpu.memref_squeeze %dma_wait3A_41 : memref<1x79x128xi32, #tpu.memory_space<hbm>> -> memref<79x128xi32, #tpu.memory_space<hbm>>
      tpu.wait_dma2 semaphore(%run_scoped3A : memref<!tpu.dma_semaphore, #tpu.memory_space<semaphore_mem>>) src(%dma_wait3A_42 : memref<79x128xi32, #tpu.memory_space<hbm>>) dst(%arg7 : memref<79x128xi32, #tpu.memory_space<vmem>>)
      tpu.yield
    }) : () -> ()
    "tpu.region"() ({
      %run_scoped3A = tpu.sem_alloc : memref<!tpu.dma_semaphore, #tpu.memory_space<semaphore_mem>>
      %dma_start3A = arith.constant 0 : i32
      %dma_start3A_29 = arith.constant 0 : i32
      %dma_start3A_30 = tpu.memref_slice %arg4[%add3A, %dma_start3A, %dma_start3A_29] : memref<32x79x128xi32, #tpu.memory_space<hbm>> -> memref<1x79x128xi32, #tpu.memory_space<hbm>>
      %dma_start3A_31 = tpu.memref_squeeze %dma_start3A_30 : memref<1x79x128xi32, #tpu.memory_space<hbm>> -> memref<79x128xi32, #tpu.memory_space<hbm>>
      %dma_start3A_32 = arith.constant 0 : i32
      %dma_start3A_33 = arith.constant 0 : i32
      %dma_start3A_34 = tpu.memref_slice %arg4[%add3A, %dma_start3A_32, %dma_start3A_33] : memref<32x79x128xi32, #tpu.memory_space<hbm>> -> memref<1x79x128xi32, #tpu.memory_space<hbm>>
      %dma_start3A_35 = tpu.memref_squeeze %dma_start3A_34 : memref<1x79x128xi32, #tpu.memory_space<hbm>> -> memref<79x128xi32, #tpu.memory_space<hbm>>
      tpu.enqueue_dma source(%dma_start3A_35 : memref<79x128xi32, #tpu.memory_space<hbm>>) target(%arg8 : memref<79x128xi32, #tpu.memory_space<vmem>>) target_semaphore(%run_scoped3A : memref<!tpu.dma_semaphore, #tpu.memory_space<semaphore_mem>>)
      %dma_wait3A = arith.constant 0 : i32
      %dma_wait3A_36 = arith.constant 0 : i32
      %dma_wait3A_37 = tpu.memref_slice %arg4[%add3A, %dma_wait3A, %dma_wait3A_36] : memref<32x79x128xi32, #tpu.memory_space<hbm>> -> memref<1x79x128xi32, #tpu.memory_space<hbm>>
      %dma_wait3A_38 = tpu.memref_squeeze %dma_wait3A_37 : memref<1x79x128xi32, #tpu.memory_space<hbm>> -> memref<79x128xi32, #tpu.memory_space<hbm>>
      %dma_wait3A_39 = arith.constant 0 : i32
      %dma_wait3A_40 = arith.constant 0 : i32
      %dma_wait3A_41 = tpu.memref_slice %arg4[%add3A, %dma_wait3A_39, %dma_wait3A_40] : memref<32x79x128xi32, #tpu.memory_space<hbm>> -> memref<1x79x128xi32, #tpu.memory_space<hbm>>
      %dma_wait3A_42 = tpu.memref_squeeze %dma_wait3A_41 : memref<1x79x128xi32, #tpu.memory_space<hbm>> -> memref<79x128xi32, #tpu.memory_space<hbm>>
      tpu.wait_dma2 semaphore(%run_scoped3A : memref<!tpu.dma_semaphore, #tpu.memory_space<semaphore_mem>>) src(%dma_wait3A_42 : memref<79x128xi32, #tpu.memory_space<hbm>>) dst(%arg8 : memref<79x128xi32, #tpu.memory_space<vmem>>)
      tpu.yield
    }) : () -> ()
    "tpu.region"() ({
      %run_scoped3A = tpu.sem_alloc : memref<!tpu.dma_semaphore, #tpu.memory_space<semaphore_mem>>
      tpu.enqueue_dma source(%arg5 : memref<128x64xf32, #tpu.memory_space<hbm>>) target(%arg9 : memref<128x64xf32, #tpu.memory_space<vmem>>) target_semaphore(%run_scoped3A : memref<!tpu.dma_semaphore, #tpu.memory_space<semaphore_mem>>)
      tpu.wait_dma2 semaphore(%run_scoped3A : memref<!tpu.dma_semaphore, #tpu.memory_space<semaphore_mem>>) src(%arg5 : memref<128x64xf32, #tpu.memory_space<hbm>>) dst(%arg9 : memref<128x64xf32, #tpu.memory_space<vmem>>)
      tpu.yield
    }) : () -> ()
    %mul3A_1 = arith.constant 640 : i32
    %mul3A_2 = arith.muli %arg1, %mul3A_1 : i32
    %add3A_3 = arith.constant 0 : i32
    %add3A_4 = arith.addi %mul3A_2, %add3A_3 : i32
    "tpu.region"() ({
      %run_scoped3A = tpu.sem_alloc : memref<!tpu.dma_semaphore, #tpu.memory_space<semaphore_mem>>
      %dma_start3A = arith.constant 0 : i32
      %dma_start3A_29 = tpu.memref_slice %arg10[%add3A_4, %dma_start3A] : memref<10240x64xf32, #tpu.memory_space<vmem_shared>> -> memref<128x64xf32, #tpu.memory_space<vmem_shared>>
      %dma_start3A_30 = arith.constant 0 : i32
      %dma_start3A_31 = tpu.memref_slice %arg10[%add3A_4, %dma_start3A_30] : memref<10240x64xf32, #tpu.memory_space<vmem_shared>> -> memref<128x64xf32, #tpu.memory_space<vmem_shared>>
      tpu.enqueue_dma source(%arg9 : memref<128x64xf32, #tpu.memory_space<vmem>>) target(%dma_start3A_31 : memref<128x64xf32, #tpu.memory_space<vmem_shared>>) target_semaphore(%run_scoped3A : memref<!tpu.dma_semaphore, #tpu.memory_space<semaphore_mem>>)
      %dma_wait3A = arith.constant 0 : i32
      %dma_wait3A_32 = tpu.memref_slice %arg10[%add3A_4, %dma_wait3A] : memref<10240x64xf32, #tpu.memory_space<vmem_shared>> -> memref<128x64xf32, #tpu.memory_space<vmem_shared>>
      %dma_wait3A_33 = arith.constant 0 : i32
      %dma_wait3A_34 = tpu.memref_slice %arg10[%add3A_4, %dma_wait3A_33] : memref<10240x64xf32, #tpu.memory_space<vmem_shared>> -> memref<128x64xf32, #tpu.memory_space<vmem_shared>>
      tpu.wait_dma2 semaphore(%run_scoped3A : memref<!tpu.dma_semaphore, #tpu.memory_space<semaphore_mem>>) src(%arg9 : memref<128x64xf32, #tpu.memory_space<vmem>>) dst(%dma_wait3A_34 : memref<128x64xf32, #tpu.memory_space<vmem_shared>>)
      tpu.yield
    }) : () -> ()
    %mul3A_5 = arith.constant 640 : i32
    %mul3A_6 = arith.muli %arg1, %mul3A_5 : i32
    %add3A_7 = arith.constant 128 : i32
    %add3A_8 = arith.addi %mul3A_6, %add3A_7 : i32
    "tpu.region"() ({
      %run_scoped3A = tpu.sem_alloc : memref<!tpu.dma_semaphore, #tpu.memory_space<semaphore_mem>>
      %dma_start3A = arith.constant 0 : i32
      %dma_start3A_29 = tpu.memref_slice %arg10[%add3A_8, %dma_start3A] : memref<10240x64xf32, #tpu.memory_space<vmem_shared>> -> memref<128x64xf32, #tpu.memory_space<vmem_shared>>
      %dma_start3A_30 = arith.constant 0 : i32
      %dma_start3A_31 = tpu.memref_slice %arg10[%add3A_8, %dma_start3A_30] : memref<10240x64xf32, #tpu.memory_space<vmem_shared>> -> memref<128x64xf32, #tpu.memory_space<vmem_shared>>
      tpu.enqueue_dma source(%arg9 : memref<128x64xf32, #tpu.memory_space<vmem>>) target(%dma_start3A_31 : memref<128x64xf32, #tpu.memory_space<vmem_shared>>) target_semaphore(%run_scoped3A : memref<!tpu.dma_semaphore, #tpu.memory_space<semaphore_mem>>)
      %dma_wait3A = arith.constant 0 : i32
      %dma_wait3A_32 = tpu.memref_slice %arg10[%add3A_8, %dma_wait3A] : memref<10240x64xf32, #tpu.memory_space<vmem_shared>> -> memref<128x64xf32, #tpu.memory_space<vmem_shared>>
      %dma_wait3A_33 = arith.constant 0 : i32
      %dma_wait3A_34 = tpu.memref_slice %arg10[%add3A_8, %dma_wait3A_33] : memref<10240x64xf32, #tpu.memory_space<vmem_shared>> -> memref<128x64xf32, #tpu.memory_space<vmem_shared>>
      tpu.wait_dma2 semaphore(%run_scoped3A : memref<!tpu.dma_semaphore, #tpu.memory_space<semaphore_mem>>) src(%arg9 : memref<128x64xf32, #tpu.memory_space<vmem>>) dst(%dma_wait3A_34 : memref<128x64xf32, #tpu.memory_space<vmem_shared>>)
      tpu.yield
    }) : () -> ()
    %mul3A_9 = arith.constant 640 : i32
    %mul3A_10 = arith.muli %arg1, %mul3A_9 : i32
    %add3A_11 = arith.constant 256 : i32
    %add3A_12 = arith.addi %mul3A_10, %add3A_11 : i32
    "tpu.region"() ({
      %run_scoped3A = tpu.sem_alloc : memref<!tpu.dma_semaphore, #tpu.memory_space<semaphore_mem>>
      %dma_start3A = arith.constant 0 : i32
      %dma_start3A_29 = tpu.memref_slice %arg10[%add3A_12, %dma_start3A] : memref<10240x64xf32, #tpu.memory_space<vmem_shared>> -> memref<128x64xf32, #tpu.memory_space<vmem_shared>>
      %dma_start3A_30 = arith.constant 0 : i32
      %dma_start3A_31 = tpu.memref_slice %arg10[%add3A_12, %dma_start3A_30] : memref<10240x64xf32, #tpu.memory_space<vmem_shared>> -> memref<128x64xf32, #tpu.memory_space<vmem_shared>>
      tpu.enqueue_dma source(%arg9 : memref<128x64xf32, #tpu.memory_space<vmem>>) target(%dma_start3A_31 : memref<128x64xf32, #tpu.memory_space<vmem_shared>>) target_semaphore(%run_scoped3A : memref<!tpu.dma_semaphore, #tpu.memory_space<semaphore_mem>>)
      %dma_wait3A = arith.constant 0 : i32
      %dma_wait3A_32 = tpu.memref_slice %arg10[%add3A_12, %dma_wait3A] : memref<10240x64xf32, #tpu.memory_space<vmem_shared>> -> memref<128x64xf32, #tpu.memory_space<vmem_shared>>
      %dma_wait3A_33 = arith.constant 0 : i32
      %dma_wait3A_34 = tpu.memref_slice %arg10[%add3A_12, %dma_wait3A_33] : memref<10240x64xf32, #tpu.memory_space<vmem_shared>> -> memref<128x64xf32, #tpu.memory_space<vmem_shared>>
      tpu.wait_dma2 semaphore(%run_scoped3A : memref<!tpu.dma_semaphore, #tpu.memory_space<semaphore_mem>>) src(%arg9 : memref<128x64xf32, #tpu.memory_space<vmem>>) dst(%dma_wait3A_34 : memref<128x64xf32, #tpu.memory_space<vmem_shared>>)
      tpu.yield
    }) : () -> ()
    %mul3A_13 = arith.constant 640 : i32
    %mul3A_14 = arith.muli %arg1, %mul3A_13 : i32
    %add3A_15 = arith.constant 384 : i32
    %add3A_16 = arith.addi %mul3A_14, %add3A_15 : i32
    "tpu.region"() ({
      %run_scoped3A = tpu.sem_alloc : memref<!tpu.dma_semaphore, #tpu.memory_space<semaphore_mem>>
      %dma_start3A = arith.constant 0 : i32
      %dma_start3A_29 = tpu.memref_slice %arg10[%add3A_16, %dma_start3A] : memref<10240x64xf32, #tpu.memory_space<vmem_shared>> -> memref<128x64xf32, #tpu.memory_space<vmem_shared>>
      %dma_start3A_30 = arith.constant 0 : i32
      %dma_start3A_31 = tpu.memref_slice %arg10[%add3A_16, %dma_start3A_30] : memref<10240x64xf32, #tpu.memory_space<vmem_shared>> -> memref<128x64xf32, #tpu.memory_space<vmem_shared>>
      tpu.enqueue_dma source(%arg9 : memref<128x64xf32, #tpu.memory_space<vmem>>) target(%dma_start3A_31 : memref<128x64xf32, #tpu.memory_space<vmem_shared>>) target_semaphore(%run_scoped3A : memref<!tpu.dma_semaphore, #tpu.memory_space<semaphore_mem>>)
      %dma_wait3A = arith.constant 0 : i32
      %dma_wait3A_32 = tpu.memref_slice %arg10[%add3A_16, %dma_wait3A] : memref<10240x64xf32, #tpu.memory_space<vmem_shared>> -> memref<128x64xf32, #tpu.memory_space<vmem_shared>>
      %dma_wait3A_33 = arith.constant 0 : i32
      %dma_wait3A_34 = tpu.memref_slice %arg10[%add3A_16, %dma_wait3A_33] : memref<10240x64xf32, #tpu.memory_space<vmem_shared>> -> memref<128x64xf32, #tpu.memory_space<vmem_shared>>
      tpu.wait_dma2 semaphore(%run_scoped3A : memref<!tpu.dma_semaphore, #tpu.memory_space<semaphore_mem>>) src(%arg9 : memref<128x64xf32, #tpu.memory_space<vmem>>) dst(%dma_wait3A_34 : memref<128x64xf32, #tpu.memory_space<vmem_shared>>)
      tpu.yield
    }) : () -> ()
    %mul3A_17 = arith.constant 640 : i32
    %mul3A_18 = arith.muli %arg1, %mul3A_17 : i32
    %add3A_19 = arith.constant 512 : i32
    %add3A_20 = arith.addi %mul3A_18, %add3A_19 : i32
    "tpu.region"() ({
      %run_scoped3A = tpu.sem_alloc : memref<!tpu.dma_semaphore, #tpu.memory_space<semaphore_mem>>
      %dma_start3A = arith.constant 0 : i32
      %dma_start3A_29 = tpu.memref_slice %arg10[%add3A_20, %dma_start3A] : memref<10240x64xf32, #tpu.memory_space<vmem_shared>> -> memref<128x64xf32, #tpu.memory_space<vmem_shared>>
      %dma_start3A_30 = arith.constant 0 : i32
      %dma_start3A_31 = tpu.memref_slice %arg10[%add3A_20, %dma_start3A_30] : memref<10240x64xf32, #tpu.memory_space<vmem_shared>> -> memref<128x64xf32, #tpu.memory_space<vmem_shared>>
      tpu.enqueue_dma source(%arg9 : memref<128x64xf32, #tpu.memory_space<vmem>>) target(%dma_start3A_31 : memref<128x64xf32, #tpu.memory_space<vmem_shared>>) target_semaphore(%run_scoped3A : memref<!tpu.dma_semaphore, #tpu.memory_space<semaphore_mem>>)
      %dma_wait3A = arith.constant 0 : i32
      %dma_wait3A_32 = tpu.memref_slice %arg10[%add3A_20, %dma_wait3A] : memref<10240x64xf32, #tpu.memory_space<vmem_shared>> -> memref<128x64xf32, #tpu.memory_space<vmem_shared>>
      %dma_wait3A_33 = arith.constant 0 : i32
      %dma_wait3A_34 = tpu.memref_slice %arg10[%add3A_20, %dma_wait3A_33] : memref<10240x64xf32, #tpu.memory_space<vmem_shared>> -> memref<128x64xf32, #tpu.memory_space<vmem_shared>>
      tpu.wait_dma2 semaphore(%run_scoped3A : memref<!tpu.dma_semaphore, #tpu.memory_space<semaphore_mem>>) src(%arg9 : memref<128x64xf32, #tpu.memory_space<vmem>>) dst(%dma_wait3A_34 : memref<128x64xf32, #tpu.memory_space<vmem_shared>>)
      tpu.yield
    }) : () -> ()
    %barrier3A = arith.constant 0 : index
    tpu.barrier barrier_id(%barrier3A)
    %scan3A = arith.constant 0 : i32
    %scan3A_21 = arith.constant 0 : i32
    %scan3A_22 = arith.constant 79 : i32
    %scan3A_23 = arith.addi %scan3A_21, %scan3A_22 : i32
    %scan3A_24 = arith.constant 1 : i32
    scf.for %scan3A_29 = %scan3A_21 to %scan3A_23 step %scan3A_24  : i32 {
      %dma_start3A = arith.constant 0 : i32
      %dma_start3A_30 = tpu.memref_slice %arg7[%scan3A_29, %dma_start3A] : memref<79x128xi32, #tpu.memory_space<vmem>> -> memref<1x128xi32, #tpu.memory_space<vmem>>
      %dma_start3A_31 = tpu.memref_squeeze %dma_start3A_30 : memref<1x128xi32, #tpu.memory_space<vmem>> -> memref<128xi32, #tpu.memory_space<vmem>>
      %dma_start3A_32 = arith.constant 0 : i32
      %dma_start3A_33 = arith.constant 0 : i32
      %dma_start3A_34 = tpu.memref_slice %arg2[%dma_start3A_32, %dma_start3A_33] : memref<10240x64xf32, #tpu.memory_space<hbm>> -> memref<10240x64xf32, #tpu.memory_space<hbm>>
      tpu.enqueue_indirect_dma source(%dma_start3A_34 : memref<10240x64xf32, #tpu.memory_space<hbm>>) target(%arg9 : memref<128x64xf32, #tpu.memory_space<vmem>>) offsets(%dma_start3A_31 : memref<128xi32, #tpu.memory_space<vmem>>) semaphore(%arg11 : memref<!tpu.dma_semaphore, #tpu.memory_space<semaphore_mem>>)
      %dma_wait3A = arith.constant 0 : i32
      %dma_wait3A_35 = tpu.memref_slice %arg7[%scan3A_29, %dma_wait3A] : memref<79x128xi32, #tpu.memory_space<vmem>> -> memref<1x128xi32, #tpu.memory_space<vmem>>
      %dma_wait3A_36 = tpu.memref_squeeze %dma_wait3A_35 : memref<1x128xi32, #tpu.memory_space<vmem>> -> memref<128xi32, #tpu.memory_space<vmem>>
      %dma_wait3A_37 = arith.constant 0 : i32
      %dma_wait3A_38 = arith.constant 0 : i32
      %dma_wait3A_39 = tpu.memref_slice %arg2[%dma_wait3A_37, %dma_wait3A_38] : memref<10240x64xf32, #tpu.memory_space<hbm>> -> memref<10240x64xf32, #tpu.memory_space<hbm>>
      tpu.wait_indirect_dma semaphore(%arg11 : memref<!tpu.dma_semaphore, #tpu.memory_space<semaphore_mem>>) src(%dma_wait3A_39 : memref<10240x64xf32, #tpu.memory_space<hbm>>) dst(%arg9 : memref<128x64xf32, #tpu.memory_space<vmem>>)
      "tpu.region"() ({
        %run_scoped3A = tpu.sem_alloc : memref<!tpu.dma_semaphore, #tpu.memory_space<semaphore_mem>>
        %dma_start3A_40 = arith.constant 0 : i32
        %dma_start3A_41 = tpu.memref_slice %arg8[%scan3A_29, %dma_start3A_40] : memref<79x128xi32, #tpu.memory_space<vmem>> -> memref<1x128xi32, #tpu.memory_space<vmem>>
        %dma_start3A_42 = tpu.memref_squeeze %dma_start3A_41 : memref<1x128xi32, #tpu.memory_space<vmem>> -> memref<128xi32, #tpu.memory_space<vmem>>
        %dma_start3A_43 = arith.constant 0 : i32
        %dma_start3A_44 = arith.constant 0 : i32
        %dma_start3A_45 = tpu.memref_slice %arg10[%dma_start3A_43, %dma_start3A_44] : memref<10240x64xf32, #tpu.memory_space<vmem_shared>> -> memref<10240x64xf32, #tpu.memory_space<vmem_shared>>
        tpu.enqueue_indirect_dma source(%arg9 : memref<128x64xf32, #tpu.memory_space<vmem>>) target(%dma_start3A_45 : memref<10240x64xf32, #tpu.memory_space<vmem_shared>>) offsets(%dma_start3A_42 : memref<128xi32, #tpu.memory_space<vmem>>) semaphore(%run_scoped3A : memref<!tpu.dma_semaphore, #tpu.memory_space<semaphore_mem>>) {add = true}
        %dma_wait3A_46 = arith.constant 0 : i32
        %dma_wait3A_47 = tpu.memref_slice %arg8[%scan3A_29, %dma_wait3A_46] : memref<79x128xi32, #tpu.memory_space<vmem>> -> memref<1x128xi32, #tpu.memory_space<vmem>>
        %dma_wait3A_48 = tpu.memref_squeeze %dma_wait3A_47 : memref<1x128xi32, #tpu.memory_space<vmem>> -> memref<128xi32, #tpu.memory_space<vmem>>
        %dma_wait3A_49 = arith.constant 0 : i32
        %dma_wait3A_50 = arith.constant 0 : i32
        %dma_wait3A_51 = tpu.memref_slice %arg10[%dma_wait3A_49, %dma_wait3A_50] : memref<10240x64xf32, #tpu.memory_space<vmem_shared>> -> memref<10240x64xf32, #tpu.memory_space<vmem_shared>>
        tpu.wait_indirect_dma semaphore(%run_scoped3A : memref<!tpu.dma_semaphore, #tpu.memory_space<semaphore_mem>>) src(%arg9 : memref<128x64xf32, #tpu.memory_space<vmem>>) dst(%dma_wait3A_51 : memref<10240x64xf32, #tpu.memory_space<vmem_shared>>)
        tpu.yield
      }) : () -> ()
    }
    %scan3A_25 = arith.constant 79 : i32
    %barrier3A_26 = arith.constant 0 : index
    tpu.barrier barrier_id(%barrier3A_26)
    %mul3A_27 = arith.constant 640 : i32
    %mul3A_28 = arith.muli %arg1, %mul3A_27 : i32
    "tpu.region"() ({
      %run_scoped3A = tpu.sem_alloc : memref<!tpu.dma_semaphore, #tpu.memory_space<semaphore_mem>>
      %dma_start3A = arith.constant 0 : i32
      %dma_start3A_29 = tpu.memref_slice %arg6[%arg0, %mul3A_28, %dma_start3A] : memref<2x10240x64xf32, #tpu.memory_space<hbm>> -> memref<1x640x64xf32, #tpu.memory_space<hbm>>
      %dma_start3A_30 = tpu.memref_squeeze %dma_start3A_29 : memref<1x640x64xf32, #tpu.memory_space<hbm>> -> memref<640x64xf32, #tpu.memory_space<hbm>>
      %dma_start3A_31 = arith.constant 0 : i32
      %dma_start3A_32 = tpu.memref_slice %arg10[%mul3A_28, %dma_start3A_31] : memref<10240x64xf32, #tpu.memory_space<vmem_shared>> -> memref<640x64xf32, #tpu.memory_space<vmem_shared>>
      tpu.enqueue_dma source(%dma_start3A_32 : memref<640x64xf32, #tpu.memory_space<vmem_shared>>) target(%dma_start3A_30 : memref<640x64xf32, #tpu.memory_space<hbm>>) target_semaphore(%run_scoped3A : memref<!tpu.dma_semaphore, #tpu.memory_space<semaphore_mem>>)
      %dma_wait3A = arith.constant 0 : i32
      %dma_wait3A_33 = tpu.memref_slice %arg6[%arg0, %mul3A_28, %dma_wait3A] : memref<2x10240x64xf32, #tpu.memory_space<hbm>> -> memref<1x640x64xf32, #tpu.memory_space<hbm>>
      %dma_wait3A_34 = tpu.memref_squeeze %dma_wait3A_33 : memref<1x640x64xf32, #tpu.memory_space<hbm>> -> memref<640x64xf32, #tpu.memory_space<hbm>>
      %dma_wait3A_35 = arith.constant 0 : i32
      %dma_wait3A_36 = tpu.memref_slice %arg10[%mul3A_28, %dma_wait3A_35] : memref<10240x64xf32, #tpu.memory_space<vmem_shared>> -> memref<640x64xf32, #tpu.memory_space<vmem_shared>>
      tpu.wait_dma2 semaphore(%run_scoped3A : memref<!tpu.dma_semaphore, #tpu.memory_space<semaphore_mem>>) src(%dma_wait3A_36 : memref<640x64xf32, #tpu.memory_space<vmem_shared>>) dst(%dma_wait3A_34 : memref<640x64xf32, #tpu.memory_space<hbm>>)
      tpu.yield
    }) : () -> ()
    return
  }
}

module attributes {stable_mosaic.version = 14 : i64} {
  func.func @_tc_pre_body(%arg0: i32, %arg1: memref<512x128xf32, #tpu.memory_space<vmem>>, %arg2: memref<128x64xf32, #tpu.memory_space<vmem>>, %arg3: memref<512x64xf32, #tpu.memory_space<vmem>>) attributes {dimension_semantics = [#tpu.dimension_semantics<arbitrary>], iteration_bounds = array<i64: 20>, scalar_prefetch = 0 : i64, scratch_operands = 0 : i64, tpu.core_type = #tpu.core_type<tc>, window_params = [{transform_indices = @transform_0, window_bounds = array<i64: 512, 128>}, {pipeline_mode = #tpu.pipeline_mode<synchronous>, transform_indices = @transform_1, window_bounds = array<i64: 128, 64>}, {transform_indices = @transform_2, window_bounds = array<i64: 512, 64>}]} {
    %get3A = arith.constant 0 : index
    %get3A_0 = arith.constant 0 : index
    %get3A_1 = vector.load %arg1[%get3A, %get3A_0] : memref<512x128xf32, #tpu.memory_space<vmem>>, vector<512x128xf32>
    %get3A_2 = arith.constant 0 : index
    %get3A_3 = arith.constant 0 : index
    %get3A_4 = vector.load %arg2[%get3A_2, %get3A_3] : memref<128x64xf32, #tpu.memory_space<vmem>>, vector<128x64xf32>
    %dot_general3A = arith.constant dense<0.000000e+00> : vector<512x64xf32>
    %dot_general3A_5 = tpu.matmul %get3A_1, %get3A_4, %dot_general3A {dimension_numbers = #tpu.dot_dimension_numbers<[1], [0], [0], [1], [0, 0, 1, 1], [], []>, transpose_lhs_hint = false} : vector<512x128xf32>, vector<128x64xf32>, vector<512x64xf32> -> vector<512x64xf32>
    %swap3A = arith.constant 0 : index
    %swap3A_6 = arith.constant 0 : index
    %swap3A_7 = vector.load %arg3[%swap3A, %swap3A_6] : memref<512x64xf32, #tpu.memory_space<vmem>>, vector<512x64xf32>
    tpu.vector_store %arg3[%swap3A, %swap3A_6], %dot_general3A_5 {strides = array<i32>} : memref<512x64xf32, #tpu.memory_space<vmem>>, vector<512x64xf32>,
    return
  }
  func.func @transform_0(%arg0: i32) -> (i32, i32) {
    %c0_i32 = arith.constant 0 : i32
    %c0_i32_0 = arith.constant 0 : i32
    return %arg0, %c0_i32 : i32, i32
  }
  func.func @transform_1(%arg0: i32) -> (i32, i32) {
    %c0_i32 = arith.constant 0 : i32
    %c0_i32_0 = arith.constant 0 : i32
    %c0_i32_1 = arith.constant 0 : i32
    return %c0_i32, %c0_i32_0 : i32, i32
  }
  func.func @transform_2(%arg0: i32) -> (i32, i32) {
    %c0_i32 = arith.constant 0 : i32
    %c0_i32_0 = arith.constant 0 : i32
    return %arg0, %c0_i32 : i32, i32
  }
}

module attributes {stable_mosaic.version = 14 : i64} {
  func.func @_tc_stage_body(%arg0: i32, %arg1: memref<2x512x64xf32, #tpu.memory_space<vmem>>, %arg2: memref<2x512x16xf32, #tpu.memory_space<vmem>>, %arg3: memref<512x128xf32, #tpu.memory_space<vmem>>, %arg4: memref<128x64xf32, #tpu.memory_space<vmem>>, %arg5: memref<1x64xf32, #tpu.memory_space<vmem>>, %arg6: memref<1x64xf32, #tpu.memory_space<vmem>>, %arg7: memref<1x64xf32, #tpu.memory_space<vmem>>, %arg8: memref<64x64xf32, #tpu.memory_space<vmem>>, %arg9: memref<512x64xf32, #tpu.memory_space<vmem>>, %arg10: memref<512x64xf32, #tpu.memory_space<vmem>>) attributes {dimension_semantics = [#tpu.dimension_semantics<arbitrary>], iteration_bounds = array<i64: 20>, scalar_prefetch = 0 : i64, scratch_operands = 0 : i64, tpu.core_type = #tpu.core_type<tc>, window_params = [{transform_indices = @transform_0, window_bounds = array<i64: 2, 512, 64>}, {transform_indices = @transform_1, window_bounds = array<i64: 2, 512, 16>}, {transform_indices = @transform_2, window_bounds = array<i64: 512, 128>}, {pipeline_mode = #tpu.pipeline_mode<synchronous>, transform_indices = @transform_3, window_bounds = array<i64: 128, 64>}, {pipeline_mode = #tpu.pipeline_mode<synchronous>, transform_indices = @transform_4, window_bounds = array<i64: 1, 64>}, {pipeline_mode = #tpu.pipeline_mode<synchronous>, transform_indices = @transform_5, window_bounds = array<i64: 1, 64>}, {pipeline_mode = #tpu.pipeline_mode<synchronous>, transform_indices = @transform_6, window_bounds = array<i64: 1, 64>}, {pipeline_mode = #tpu.pipeline_mode<synchronous>, transform_indices = @transform_7, window_bounds = array<i64: 64, 64>}, {transform_indices = @transform_8, window_bounds = array<i64: 512, 64>}, {transform_indices = @transform_9, window_bounds = array<i64: 512, 64>}]} {
    %get3A = arith.constant 0 : index
    %get3A_0 = arith.constant 0 : index
    %get3A_1 = arith.constant 0 : index
    %get3A_2 = vector.load %arg2[%get3A, %get3A_0, %get3A_1] : memref<2x512x16xf32, #tpu.memory_space<vmem>>, vector<2x512x16xf32>
    %slice3A = vector.extract_strided_slice %get3A_2 {offsets = [0, 0, 0], sizes = [1, 512, 1], strides = [1, 1, 1]} : vector<2x512x16xf32> to vector<1x512x1xf32>
    %squeeze3A = vector.shape_cast %slice3A : vector<1x512x1xf32> to vector<512xf32>
    %slice3A_3 = vector.extract_strided_slice %get3A_2 {offsets = [1, 0, 0], sizes = [1, 512, 1], strides = [1, 1, 1]} : vector<2x512x16xf32> to vector<1x512x1xf32>
    %squeeze3A_4 = vector.shape_cast %slice3A_3 : vector<1x512x1xf32> to vector<512xf32>
    %add3A = arith.addf %squeeze3A, %squeeze3A_4 : vector<512xf32>
    %get3A_5 = arith.constant 0 : index
    %get3A_6 = arith.constant 0 : index
    %get3A_7 = arith.constant 0 : index
    %get3A_8 = vector.load %arg1[%get3A_5, %get3A_6, %get3A_7] : memref<2x512x64xf32, #tpu.memory_space<vmem>>, vector<1x512x64xf32>
    %get3A_9 = vector.shape_cast %get3A_8 : vector<1x512x64xf32> to vector<512x64xf32>
    %get3A_10 = arith.constant 1 : index
    %get3A_11 = arith.constant 0 : index
    %get3A_12 = arith.constant 0 : index
    %get3A_13 = vector.load %arg1[%get3A_10, %get3A_11, %get3A_12] : memref<2x512x64xf32, #tpu.memory_space<vmem>>, vector<1x512x64xf32>
    %get3A_14 = vector.shape_cast %get3A_13 : vector<1x512x64xf32> to vector<512x64xf32>
    %add3A_15 = arith.addf %get3A_9, %get3A_14 : vector<512x64xf32>
    %max3A = arith.constant 1.000000e+00 : f32
    %max3A_16 = vector.broadcast %max3A : f32 to vector<512xf32>
    %max3A_17 = arith.maximumf %add3A, %max3A_16 : vector<512xf32>
    %broadcast_in_dim3A = vector.shape_cast %max3A_17 : vector<512xf32> to vector<512x1xf32>
    %div3A = vector.broadcast %broadcast_in_dim3A : vector<512x1xf32> to vector<512x64xf32>
    %div3A_18 = arith.divf %add3A_15, %div3A : vector<512x64xf32>
    %get3A_19 = arith.constant 0 : index
    %get3A_20 = arith.constant 0 : index
    %get3A_21 = vector.load %arg5[%get3A_19, %get3A_20] : memref<1x64xf32, #tpu.memory_space<vmem>>, vector<1x64xf32>
    %add3A_22 = vector.broadcast %get3A_21 : vector<1x64xf32> to vector<512x64xf32>
    %add3A_23 = arith.addf %div3A_18, %add3A_22 : vector<512x64xf32>
    %get3A_24 = arith.constant 0 : index
    %get3A_25 = arith.constant 0 : index
    %get3A_26 = vector.load %arg3[%get3A_24, %get3A_25] : memref<512x128xf32, #tpu.memory_space<vmem>>, vector<512x128xf32>
    %get3A_27 = arith.constant 0 : index
    %get3A_28 = arith.constant 0 : index
    %get3A_29 = vector.load %arg4[%get3A_27, %get3A_28] : memref<128x64xf32, #tpu.memory_space<vmem>>, vector<128x64xf32>
    %dot_general3A = arith.constant dense<0.000000e+00> : vector<512x64xf32>
    %dot_general3A_30 = tpu.matmul %get3A_26, %get3A_29, %dot_general3A {dimension_numbers = #tpu.dot_dimension_numbers<[1], [0], [0], [1], [0, 0, 1, 1], [], []>, transpose_lhs_hint = false} : vector<512x128xf32>, vector<128x64xf32>, vector<512x64xf32> -> vector<512x64xf32>
    %add3A_31 = arith.addf %add3A_23, %dot_general3A_30 : vector<512x64xf32>
    %get3A_32 = arith.constant 0 : index
    %get3A_33 = arith.constant 0 : index
    %get3A_34 = vector.load %arg6[%get3A_32, %get3A_33] : memref<1x64xf32, #tpu.memory_space<vmem>>, vector<1x64xf32>
    %get3A_35 = arith.constant 0 : index
    %get3A_36 = arith.constant 0 : index
    %get3A_37 = vector.load %arg7[%get3A_35, %get3A_36] : memref<1x64xf32, #tpu.memory_space<vmem>>, vector<1x64xf32>
    %reduce_sum3A = arith.constant dense<0.000000e+00> : vector<512xf32>
    %reduce_sum3A_38 = vector.multi_reduction <add>, %add3A_31, %reduce_sum3A [1] : vector<512x64xf32> to vector<512xf32>
    %broadcast_in_dim3A_39 = vector.shape_cast %reduce_sum3A_38 : vector<512xf32> to vector<512x1xf32>
    %div3A_40 = arith.constant 6.400000e+01 : f32
    %div3A_41 = vector.broadcast %div3A_40 : f32 to vector<512x1xf32>
    %div3A_42 = arith.divf %broadcast_in_dim3A_39, %div3A_41 : vector<512x1xf32>
    %sub3A = vector.broadcast %div3A_42 : vector<512x1xf32> to vector<512x64xf32>
    %sub3A_43 = arith.subf %add3A_31, %sub3A : vector<512x64xf32>
    %integer_pow3A = arith.mulf %sub3A_43, %sub3A_43 : vector<512x64xf32>
    %reduce_sum3A_44 = arith.constant dense<0.000000e+00> : vector<512xf32>
    %reduce_sum3A_45 = vector.multi_reduction <add>, %integer_pow3A, %reduce_sum3A_44 [1] : vector<512x64xf32> to vector<512xf32>
    %broadcast_in_dim3A_46 = vector.shape_cast %reduce_sum3A_45 : vector<512xf32> to vector<512x1xf32>
    %div3A_47 = arith.constant 6.400000e+01 : f32
    %div3A_48 = vector.broadcast %div3A_47 : f32 to vector<512x1xf32>
    %div3A_49 = arith.divf %broadcast_in_dim3A_46, %div3A_48 : vector<512x1xf32>
    %sub3A_50 = vector.broadcast %div3A_42 : vector<512x1xf32> to vector<512x64xf32>
    %sub3A_51 = arith.subf %add3A_31, %sub3A_50 : vector<512x64xf32>
    %add3A_52 = arith.constant 9.99999974E-6 : f32
    %add3A_53 = vector.broadcast %add3A_52 : f32 to vector<512x1xf32>
    %add3A_54 = arith.addf %div3A_49, %add3A_53 : vector<512x1xf32>
    %sqrt3A = math.sqrt %add3A_54 : vector<512x1xf32>
    %div3A_55 = vector.broadcast %sqrt3A : vector<512x1xf32> to vector<512x64xf32>
    %div3A_56 = arith.divf %sub3A_51, %div3A_55 : vector<512x64xf32>
    %mul3A = vector.broadcast %get3A_34 : vector<1x64xf32> to vector<512x64xf32>
    %mul3A_57 = arith.mulf %div3A_56, %mul3A : vector<512x64xf32>
    %add3A_58 = vector.broadcast %get3A_37 : vector<1x64xf32> to vector<512x64xf32>
    %add3A_59 = arith.addf %mul3A_57, %add3A_58 : vector<512x64xf32>
    %max3A_60 = arith.constant 0.000000e+00 : f32
    %max3A_61 = vector.broadcast %max3A_60 : f32 to vector<512x64xf32>
    %max3A_62 = arith.maximumf %add3A_59, %max3A_61 : vector<512x64xf32>
    %swap3A = arith.constant 0 : index
    %swap3A_63 = arith.constant 0 : index
    %swap3A_64 = vector.load %arg9[%swap3A, %swap3A_63] : memref<512x64xf32, #tpu.memory_space<vmem>>, vector<512x64xf32>
    tpu.vector_store %arg9[%swap3A, %swap3A_63], %max3A_62 {strides = array<i32>} : memref<512x64xf32, #tpu.memory_space<vmem>>, vector<512x64xf32>,
    %get3A_65 = arith.constant 0 : index
    %get3A_66 = arith.constant 0 : index
    %get3A_67 = vector.load %arg8[%get3A_65, %get3A_66] : memref<64x64xf32, #tpu.memory_space<vmem>>, vector<64x64xf32>
    %dot_general3A_68 = arith.constant dense<0.000000e+00> : vector<512x64xf32>
    %dot_general3A_69 = tpu.matmul %max3A_62, %get3A_67, %dot_general3A_68 {dimension_numbers = #tpu.dot_dimension_numbers<[1], [0], [0], [1], [0, 0, 1, 1], [], []>, transpose_lhs_hint = false} : vector<512x64xf32>, vector<64x64xf32>, vector<512x64xf32> -> vector<512x64xf32>
    %swap3A_70 = arith.constant 0 : index
    %swap3A_71 = arith.constant 0 : index
    %swap3A_72 = vector.load %arg10[%swap3A_70, %swap3A_71] : memref<512x64xf32, #tpu.memory_space<vmem>>, vector<512x64xf32>
    tpu.vector_store %arg10[%swap3A_70, %swap3A_71], %dot_general3A_69 {strides = array<i32>} : memref<512x64xf32, #tpu.memory_space<vmem>>, vector<512x64xf32>,
    return
  }
  func.func @transform_0(%arg0: i32) -> (i32, i32, i32) {
    %c0_i32 = arith.constant 0 : i32
    %c0_i32_0 = arith.constant 0 : i32
    %c0_i32_1 = arith.constant 0 : i32
    return %c0_i32, %arg0, %c0_i32_0 : i32, i32, i32
  }
  func.func @transform_1(%arg0: i32) -> (i32, i32, i32) {
    %c0_i32 = arith.constant 0 : i32
    %c0_i32_0 = arith.constant 0 : i32
    %c0_i32_1 = arith.constant 0 : i32
    return %c0_i32, %arg0, %c0_i32_0 : i32, i32, i32
  }
  func.func @transform_2(%arg0: i32) -> (i32, i32) {
    %c0_i32 = arith.constant 0 : i32
    %c0_i32_0 = arith.constant 0 : i32
    return %arg0, %c0_i32 : i32, i32
  }
  func.func @transform_3(%arg0: i32) -> (i32, i32) {
    %c0_i32 = arith.constant 0 : i32
    %c0_i32_0 = arith.constant 0 : i32
    %c0_i32_1 = arith.constant 0 : i32
    return %c0_i32, %c0_i32_0 : i32, i32
  }
  func.func @transform_4(%arg0: i32) -> (i32, i32) {
    %c0_i32 = arith.constant 0 : i32
    %c0_i32_0 = arith.constant 0 : i32
    %c0_i32_1 = arith.constant 0 : i32
    return %c0_i32, %c0_i32_0 : i32, i32
  }
  func.func @transform_5(%arg0: i32) -> (i32, i32) {
    %c0_i32 = arith.constant 0 : i32
    %c0_i32_0 = arith.constant 0 : i32
    %c0_i32_1 = arith.constant 0 : i32
    return %c0_i32, %c0_i32_0 : i32, i32
  }
  func.func @transform_6(%arg0: i32) -> (i32, i32) {
    %c0_i32 = arith.constant 0 : i32
    %c0_i32_0 = arith.constant 0 : i32
    %c0_i32_1 = arith.constant 0 : i32
    return %c0_i32, %c0_i32_0 : i32, i32
  }
  func.func @transform_7(%arg0: i32) -> (i32, i32) {
    %c0_i32 = arith.constant 0 : i32
    %c0_i32_0 = arith.constant 0 : i32
    %c0_i32_1 = arith.constant 0 : i32
    return %c0_i32, %c0_i32_0 : i32, i32
  }
  func.func @transform_8(%arg0: i32) -> (i32, i32) {
    %c0_i32 = arith.constant 0 : i32
    %c0_i32_0 = arith.constant 0 : i32
    return %arg0, %c0_i32 : i32, i32
  }
  func.func @transform_9(%arg0: i32) -> (i32, i32) {
    %c0_i32 = arith.constant 0 : i32
    %c0_i32_0 = arith.constant 0 : i32
    return %arg0, %c0_i32 : i32, i32
  }
}

module attributes {stable_mosaic.version = 14 : i64} {
  func.func @_tc_stage_body(%arg0: i32, %arg1: memref<2x512x64xf32, #tpu.memory_space<vmem>>, %arg2: memref<2x512x16xf32, #tpu.memory_space<vmem>>, %arg3: memref<512x64xf32, #tpu.memory_space<vmem>>, %arg4: memref<64x64xf32, #tpu.memory_space<vmem>>, %arg5: memref<1x64xf32, #tpu.memory_space<vmem>>, %arg6: memref<1x64xf32, #tpu.memory_space<vmem>>, %arg7: memref<1x64xf32, #tpu.memory_space<vmem>>, %arg8: memref<64x64xf32, #tpu.memory_space<vmem>>, %arg9: memref<512x64xf32, #tpu.memory_space<vmem>>, %arg10: memref<512x64xf32, #tpu.memory_space<vmem>>) attributes {dimension_semantics = [#tpu.dimension_semantics<arbitrary>], iteration_bounds = array<i64: 20>, scalar_prefetch = 0 : i64, scratch_operands = 0 : i64, tpu.core_type = #tpu.core_type<tc>, window_params = [{transform_indices = @transform_0, window_bounds = array<i64: 2, 512, 64>}, {transform_indices = @transform_1, window_bounds = array<i64: 2, 512, 16>}, {transform_indices = @transform_2, window_bounds = array<i64: 512, 64>}, {pipeline_mode = #tpu.pipeline_mode<synchronous>, transform_indices = @transform_3, window_bounds = array<i64: 64, 64>}, {pipeline_mode = #tpu.pipeline_mode<synchronous>, transform_indices = @transform_4, window_bounds = array<i64: 1, 64>}, {pipeline_mode = #tpu.pipeline_mode<synchronous>, transform_indices = @transform_5, window_bounds = array<i64: 1, 64>}, {pipeline_mode = #tpu.pipeline_mode<synchronous>, transform_indices = @transform_6, window_bounds = array<i64: 1, 64>}, {pipeline_mode = #tpu.pipeline_mode<synchronous>, transform_indices = @transform_7, window_bounds = array<i64: 64, 64>}, {transform_indices = @transform_8, window_bounds = array<i64: 512, 64>}, {transform_indices = @transform_9, window_bounds = array<i64: 512, 64>}]} {
    %get3A = arith.constant 0 : index
    %get3A_0 = arith.constant 0 : index
    %get3A_1 = arith.constant 0 : index
    %get3A_2 = vector.load %arg2[%get3A, %get3A_0, %get3A_1] : memref<2x512x16xf32, #tpu.memory_space<vmem>>, vector<2x512x16xf32>
    %slice3A = vector.extract_strided_slice %get3A_2 {offsets = [0, 0, 0], sizes = [1, 512, 1], strides = [1, 1, 1]} : vector<2x512x16xf32> to vector<1x512x1xf32>
    %squeeze3A = vector.shape_cast %slice3A : vector<1x512x1xf32> to vector<512xf32>
    %slice3A_3 = vector.extract_strided_slice %get3A_2 {offsets = [1, 0, 0], sizes = [1, 512, 1], strides = [1, 1, 1]} : vector<2x512x16xf32> to vector<1x512x1xf32>
    %squeeze3A_4 = vector.shape_cast %slice3A_3 : vector<1x512x1xf32> to vector<512xf32>
    %add3A = arith.addf %squeeze3A, %squeeze3A_4 : vector<512xf32>
    %get3A_5 = arith.constant 0 : index
    %get3A_6 = arith.constant 0 : index
    %get3A_7 = arith.constant 0 : index
    %get3A_8 = vector.load %arg1[%get3A_5, %get3A_6, %get3A_7] : memref<2x512x64xf32, #tpu.memory_space<vmem>>, vector<1x512x64xf32>
    %get3A_9 = vector.shape_cast %get3A_8 : vector<1x512x64xf32> to vector<512x64xf32>
    %get3A_10 = arith.constant 1 : index
    %get3A_11 = arith.constant 0 : index
    %get3A_12 = arith.constant 0 : index
    %get3A_13 = vector.load %arg1[%get3A_10, %get3A_11, %get3A_12] : memref<2x512x64xf32, #tpu.memory_space<vmem>>, vector<1x512x64xf32>
    %get3A_14 = vector.shape_cast %get3A_13 : vector<1x512x64xf32> to vector<512x64xf32>
    %add3A_15 = arith.addf %get3A_9, %get3A_14 : vector<512x64xf32>
    %max3A = arith.constant 1.000000e+00 : f32
    %max3A_16 = vector.broadcast %max3A : f32 to vector<512xf32>
    %max3A_17 = arith.maximumf %add3A, %max3A_16 : vector<512xf32>
    %broadcast_in_dim3A = vector.shape_cast %max3A_17 : vector<512xf32> to vector<512x1xf32>
    %div3A = vector.broadcast %broadcast_in_dim3A : vector<512x1xf32> to vector<512x64xf32>
    %div3A_18 = arith.divf %add3A_15, %div3A : vector<512x64xf32>
    %get3A_19 = arith.constant 0 : index
    %get3A_20 = arith.constant 0 : index
    %get3A_21 = vector.load %arg5[%get3A_19, %get3A_20] : memref<1x64xf32, #tpu.memory_space<vmem>>, vector<1x64xf32>
    %add3A_22 = vector.broadcast %get3A_21 : vector<1x64xf32> to vector<512x64xf32>
    %add3A_23 = arith.addf %div3A_18, %add3A_22 : vector<512x64xf32>
    %get3A_24 = arith.constant 0 : index
    %get3A_25 = arith.constant 0 : index
    %get3A_26 = vector.load %arg3[%get3A_24, %get3A_25] : memref<512x64xf32, #tpu.memory_space<vmem>>, vector<512x64xf32>
    %get3A_27 = arith.constant 0 : index
    %get3A_28 = arith.constant 0 : index
    %get3A_29 = vector.load %arg4[%get3A_27, %get3A_28] : memref<64x64xf32, #tpu.memory_space<vmem>>, vector<64x64xf32>
    %dot_general3A = arith.constant dense<0.000000e+00> : vector<512x64xf32>
    %dot_general3A_30 = tpu.matmul %get3A_26, %get3A_29, %dot_general3A {dimension_numbers = #tpu.dot_dimension_numbers<[1], [0], [0], [1], [0, 0, 1, 1], [], []>, transpose_lhs_hint = false} : vector<512x64xf32>, vector<64x64xf32>, vector<512x64xf32> -> vector<512x64xf32>
    %add3A_31 = arith.addf %add3A_23, %dot_general3A_30 : vector<512x64xf32>
    %get3A_32 = arith.constant 0 : index
    %get3A_33 = arith.constant 0 : index
    %get3A_34 = vector.load %arg6[%get3A_32, %get3A_33] : memref<1x64xf32, #tpu.memory_space<vmem>>, vector<1x64xf32>
    %get3A_35 = arith.constant 0 : index
    %get3A_36 = arith.constant 0 : index
    %get3A_37 = vector.load %arg7[%get3A_35, %get3A_36] : memref<1x64xf32, #tpu.memory_space<vmem>>, vector<1x64xf32>
    %reduce_sum3A = arith.constant dense<0.000000e+00> : vector<512xf32>
    %reduce_sum3A_38 = vector.multi_reduction <add>, %add3A_31, %reduce_sum3A [1] : vector<512x64xf32> to vector<512xf32>
    %broadcast_in_dim3A_39 = vector.shape_cast %reduce_sum3A_38 : vector<512xf32> to vector<512x1xf32>
    %div3A_40 = arith.constant 6.400000e+01 : f32
    %div3A_41 = vector.broadcast %div3A_40 : f32 to vector<512x1xf32>
    %div3A_42 = arith.divf %broadcast_in_dim3A_39, %div3A_41 : vector<512x1xf32>
    %sub3A = vector.broadcast %div3A_42 : vector<512x1xf32> to vector<512x64xf32>
    %sub3A_43 = arith.subf %add3A_31, %sub3A : vector<512x64xf32>
    %integer_pow3A = arith.mulf %sub3A_43, %sub3A_43 : vector<512x64xf32>
    %reduce_sum3A_44 = arith.constant dense<0.000000e+00> : vector<512xf32>
    %reduce_sum3A_45 = vector.multi_reduction <add>, %integer_pow3A, %reduce_sum3A_44 [1] : vector<512x64xf32> to vector<512xf32>
    %broadcast_in_dim3A_46 = vector.shape_cast %reduce_sum3A_45 : vector<512xf32> to vector<512x1xf32>
    %div3A_47 = arith.constant 6.400000e+01 : f32
    %div3A_48 = vector.broadcast %div3A_47 : f32 to vector<512x1xf32>
    %div3A_49 = arith.divf %broadcast_in_dim3A_46, %div3A_48 : vector<512x1xf32>
    %sub3A_50 = vector.broadcast %div3A_42 : vector<512x1xf32> to vector<512x64xf32>
    %sub3A_51 = arith.subf %add3A_31, %sub3A_50 : vector<512x64xf32>
    %add3A_52 = arith.constant 9.99999974E-6 : f32
    %add3A_53 = vector.broadcast %add3A_52 : f32 to vector<512x1xf32>
    %add3A_54 = arith.addf %div3A_49, %add3A_53 : vector<512x1xf32>
    %sqrt3A = math.sqrt %add3A_54 : vector<512x1xf32>
    %div3A_55 = vector.broadcast %sqrt3A : vector<512x1xf32> to vector<512x64xf32>
    %div3A_56 = arith.divf %sub3A_51, %div3A_55 : vector<512x64xf32>
    %mul3A = vector.broadcast %get3A_34 : vector<1x64xf32> to vector<512x64xf32>
    %mul3A_57 = arith.mulf %div3A_56, %mul3A : vector<512x64xf32>
    %add3A_58 = vector.broadcast %get3A_37 : vector<1x64xf32> to vector<512x64xf32>
    %add3A_59 = arith.addf %mul3A_57, %add3A_58 : vector<512x64xf32>
    %max3A_60 = arith.constant 0.000000e+00 : f32
    %max3A_61 = vector.broadcast %max3A_60 : f32 to vector<512x64xf32>
    %max3A_62 = arith.maximumf %add3A_59, %max3A_61 : vector<512x64xf32>
    %swap3A = arith.constant 0 : index
    %swap3A_63 = arith.constant 0 : index
    %swap3A_64 = vector.load %arg9[%swap3A, %swap3A_63] : memref<512x64xf32, #tpu.memory_space<vmem>>, vector<512x64xf32>
    tpu.vector_store %arg9[%swap3A, %swap3A_63], %max3A_62 {strides = array<i32>} : memref<512x64xf32, #tpu.memory_space<vmem>>, vector<512x64xf32>,
    %get3A_65 = arith.constant 0 : index
    %get3A_66 = arith.constant 0 : index
    %get3A_67 = vector.load %arg8[%get3A_65, %get3A_66] : memref<64x64xf32, #tpu.memory_space<vmem>>, vector<64x64xf32>
    %dot_general3A_68 = arith.constant dense<0.000000e+00> : vector<512x64xf32>
    %dot_general3A_69 = tpu.matmul %max3A_62, %get3A_67, %dot_general3A_68 {dimension_numbers = #tpu.dot_dimension_numbers<[1], [0], [0], [1], [0, 0, 1, 1], [], []>, transpose_lhs_hint = false} : vector<512x64xf32>, vector<64x64xf32>, vector<512x64xf32> -> vector<512x64xf32>
    %swap3A_70 = arith.constant 0 : index
    %swap3A_71 = arith.constant 0 : index
    %swap3A_72 = vector.load %arg10[%swap3A_70, %swap3A_71] : memref<512x64xf32, #tpu.memory_space<vmem>>, vector<512x64xf32>
    tpu.vector_store %arg10[%swap3A_70, %swap3A_71], %dot_general3A_69 {strides = array<i32>} : memref<512x64xf32, #tpu.memory_space<vmem>>, vector<512x64xf32>,
    return
  }
  func.func @transform_0(%arg0: i32) -> (i32, i32, i32) {
    %c0_i32 = arith.constant 0 : i32
    %c0_i32_0 = arith.constant 0 : i32
    %c0_i32_1 = arith.constant 0 : i32
    return %c0_i32, %arg0, %c0_i32_0 : i32, i32, i32
  }
  func.func @transform_1(%arg0: i32) -> (i32, i32, i32) {
    %c0_i32 = arith.constant 0 : i32
    %c0_i32_0 = arith.constant 0 : i32
    %c0_i32_1 = arith.constant 0 : i32
    return %c0_i32, %arg0, %c0_i32_0 : i32, i32, i32
  }
  func.func @transform_2(%arg0: i32) -> (i32, i32) {
    %c0_i32 = arith.constant 0 : i32
    %c0_i32_0 = arith.constant 0 : i32
    return %arg0, %c0_i32 : i32, i32
  }
  func.func @transform_3(%arg0: i32) -> (i32, i32) {
    %c0_i32 = arith.constant 0 : i32
    %c0_i32_0 = arith.constant 0 : i32
    %c0_i32_1 = arith.constant 0 : i32
    return %c0_i32, %c0_i32_0 : i32, i32
  }
  func.func @transform_4(%arg0: i32) -> (i32, i32) {
    %c0_i32 = arith.constant 0 : i32
    %c0_i32_0 = arith.constant 0 : i32
    %c0_i32_1 = arith.constant 0 : i32
    return %c0_i32, %c0_i32_0 : i32, i32
  }
  func.func @transform_5(%arg0: i32) -> (i32, i32) {
    %c0_i32 = arith.constant 0 : i32
    %c0_i32_0 = arith.constant 0 : i32
    %c0_i32_1 = arith.constant 0 : i32
    return %c0_i32, %c0_i32_0 : i32, i32
  }
  func.func @transform_6(%arg0: i32) -> (i32, i32) {
    %c0_i32 = arith.constant 0 : i32
    %c0_i32_0 = arith.constant 0 : i32
    %c0_i32_1 = arith.constant 0 : i32
    return %c0_i32, %c0_i32_0 : i32, i32
  }
  func.func @transform_7(%arg0: i32) -> (i32, i32) {
    %c0_i32 = arith.constant 0 : i32
    %c0_i32_0 = arith.constant 0 : i32
    %c0_i32_1 = arith.constant 0 : i32
    return %c0_i32, %c0_i32_0 : i32, i32
  }
  func.func @transform_8(%arg0: i32) -> (i32, i32) {
    %c0_i32 = arith.constant 0 : i32
    %c0_i32_0 = arith.constant 0 : i32
    return %arg0, %c0_i32 : i32, i32
  }
  func.func @transform_9(%arg0: i32) -> (i32, i32) {
    %c0_i32 = arith.constant 0 : i32
    %c0_i32_0 = arith.constant 0 : i32
    return %arg0, %c0_i32 : i32, i32
  }
}

module attributes {stable_mosaic.version = 14 : i64} {
  func.func @_tc_stage_body(%arg0: i32, %arg1: memref<2x512x64xf32, #tpu.memory_space<vmem>>, %arg2: memref<2x512x16xf32, #tpu.memory_space<vmem>>, %arg3: memref<512x64xf32, #tpu.memory_space<vmem>>, %arg4: memref<64x64xf32, #tpu.memory_space<vmem>>, %arg5: memref<1x64xf32, #tpu.memory_space<vmem>>, %arg6: memref<1x64xf32, #tpu.memory_space<vmem>>, %arg7: memref<1x64xf32, #tpu.memory_space<vmem>>, %arg8: memref<512x64xf32, #tpu.memory_space<vmem>>) attributes {dimension_semantics = [#tpu.dimension_semantics<arbitrary>], iteration_bounds = array<i64: 20>, scalar_prefetch = 0 : i64, scratch_operands = 0 : i64, tpu.core_type = #tpu.core_type<tc>, window_params = [{transform_indices = @transform_0, window_bounds = array<i64: 2, 512, 64>}, {transform_indices = @transform_1, window_bounds = array<i64: 2, 512, 16>}, {transform_indices = @transform_2, window_bounds = array<i64: 512, 64>}, {pipeline_mode = #tpu.pipeline_mode<synchronous>, transform_indices = @transform_3, window_bounds = array<i64: 64, 64>}, {pipeline_mode = #tpu.pipeline_mode<synchronous>, transform_indices = @transform_4, window_bounds = array<i64: 1, 64>}, {pipeline_mode = #tpu.pipeline_mode<synchronous>, transform_indices = @transform_5, window_bounds = array<i64: 1, 64>}, {pipeline_mode = #tpu.pipeline_mode<synchronous>, transform_indices = @transform_6, window_bounds = array<i64: 1, 64>}, {transform_indices = @transform_7, window_bounds = array<i64: 512, 64>}]} {
    %get3A = arith.constant 0 : index
    %get3A_0 = arith.constant 0 : index
    %get3A_1 = arith.constant 0 : index
    %get3A_2 = vector.load %arg2[%get3A, %get3A_0, %get3A_1] : memref<2x512x16xf32, #tpu.memory_space<vmem>>, vector<2x512x16xf32>
    %slice3A = vector.extract_strided_slice %get3A_2 {offsets = [0, 0, 0], sizes = [1, 512, 1], strides = [1, 1, 1]} : vector<2x512x16xf32> to vector<1x512x1xf32>
    %squeeze3A = vector.shape_cast %slice3A : vector<1x512x1xf32> to vector<512xf32>
    %slice3A_3 = vector.extract_strided_slice %get3A_2 {offsets = [1, 0, 0], sizes = [1, 512, 1], strides = [1, 1, 1]} : vector<2x512x16xf32> to vector<1x512x1xf32>
    %squeeze3A_4 = vector.shape_cast %slice3A_3 : vector<1x512x1xf32> to vector<512xf32>
    %add3A = arith.addf %squeeze3A, %squeeze3A_4 : vector<512xf32>
    %get3A_5 = arith.constant 0 : index
    %get3A_6 = arith.constant 0 : index
    %get3A_7 = arith.constant 0 : index
    %get3A_8 = vector.load %arg1[%get3A_5, %get3A_6, %get3A_7] : memref<2x512x64xf32, #tpu.memory_space<vmem>>, vector<1x512x64xf32>
    %get3A_9 = vector.shape_cast %get3A_8 : vector<1x512x64xf32> to vector<512x64xf32>
    %get3A_10 = arith.constant 1 : index
    %get3A_11 = arith.constant 0 : index
    %get3A_12 = arith.constant 0 : index
    %get3A_13 = vector.load %arg1[%get3A_10, %get3A_11, %get3A_12] : memref<2x512x64xf32, #tpu.memory_space<vmem>>, vector<1x512x64xf32>
    %get3A_14 = vector.shape_cast %get3A_13 : vector<1x512x64xf32> to vector<512x64xf32>
    %add3A_15 = arith.addf %get3A_9, %get3A_14 : vector<512x64xf32>
    %max3A = arith.constant 1.000000e+00 : f32
    %max3A_16 = vector.broadcast %max3A : f32 to vector<512xf32>
    %max3A_17 = arith.maximumf %add3A, %max3A_16 : vector<512xf32>
    %broadcast_in_dim3A = vector.shape_cast %max3A_17 : vector<512xf32> to vector<512x1xf32>
    %div3A = vector.broadcast %broadcast_in_dim3A : vector<512x1xf32> to vector<512x64xf32>
    %div3A_18 = arith.divf %add3A_15, %div3A : vector<512x64xf32>
    %get3A_19 = arith.constant 0 : index
    %get3A_20 = arith.constant 0 : index
    %get3A_21 = vector.load %arg5[%get3A_19, %get3A_20] : memref<1x64xf32, #tpu.memory_space<vmem>>, vector<1x64xf32>
    %add3A_22 = vector.broadcast %get3A_21 : vector<1x64xf32> to vector<512x64xf32>
    %add3A_23 = arith.addf %div3A_18, %add3A_22 : vector<512x64xf32>
    %get3A_24 = arith.constant 0 : index
    %get3A_25 = arith.constant 0 : index
    %get3A_26 = vector.load %arg3[%get3A_24, %get3A_25] : memref<512x64xf32, #tpu.memory_space<vmem>>, vector<512x64xf32>
    %get3A_27 = arith.constant 0 : index
    %get3A_28 = arith.constant 0 : index
    %get3A_29 = vector.load %arg4[%get3A_27, %get3A_28] : memref<64x64xf32, #tpu.memory_space<vmem>>, vector<64x64xf32>
    %dot_general3A = arith.constant dense<0.000000e+00> : vector<512x64xf32>
    %dot_general3A_30 = tpu.matmul %get3A_26, %get3A_29, %dot_general3A {dimension_numbers = #tpu.dot_dimension_numbers<[1], [0], [0], [1], [0, 0, 1, 1], [], []>, transpose_lhs_hint = false} : vector<512x64xf32>, vector<64x64xf32>, vector<512x64xf32> -> vector<512x64xf32>
    %add3A_31 = arith.addf %add3A_23, %dot_general3A_30 : vector<512x64xf32>
    %get3A_32 = arith.constant 0 : index
    %get3A_33 = arith.constant 0 : index
    %get3A_34 = vector.load %arg6[%get3A_32, %get3A_33] : memref<1x64xf32, #tpu.memory_space<vmem>>, vector<1x64xf32>
    %get3A_35 = arith.constant 0 : index
    %get3A_36 = arith.constant 0 : index
    %get3A_37 = vector.load %arg7[%get3A_35, %get3A_36] : memref<1x64xf32, #tpu.memory_space<vmem>>, vector<1x64xf32>
    %reduce_sum3A = arith.constant dense<0.000000e+00> : vector<512xf32>
    %reduce_sum3A_38 = vector.multi_reduction <add>, %add3A_31, %reduce_sum3A [1] : vector<512x64xf32> to vector<512xf32>
    %broadcast_in_dim3A_39 = vector.shape_cast %reduce_sum3A_38 : vector<512xf32> to vector<512x1xf32>
    %div3A_40 = arith.constant 6.400000e+01 : f32
    %div3A_41 = vector.broadcast %div3A_40 : f32 to vector<512x1xf32>
    %div3A_42 = arith.divf %broadcast_in_dim3A_39, %div3A_41 : vector<512x1xf32>
    %sub3A = vector.broadcast %div3A_42 : vector<512x1xf32> to vector<512x64xf32>
    %sub3A_43 = arith.subf %add3A_31, %sub3A : vector<512x64xf32>
    %integer_pow3A = arith.mulf %sub3A_43, %sub3A_43 : vector<512x64xf32>
    %reduce_sum3A_44 = arith.constant dense<0.000000e+00> : vector<512xf32>
    %reduce_sum3A_45 = vector.multi_reduction <add>, %integer_pow3A, %reduce_sum3A_44 [1] : vector<512x64xf32> to vector<512xf32>
    %broadcast_in_dim3A_46 = vector.shape_cast %reduce_sum3A_45 : vector<512xf32> to vector<512x1xf32>
    %div3A_47 = arith.constant 6.400000e+01 : f32
    %div3A_48 = vector.broadcast %div3A_47 : f32 to vector<512x1xf32>
    %div3A_49 = arith.divf %broadcast_in_dim3A_46, %div3A_48 : vector<512x1xf32>
    %sub3A_50 = vector.broadcast %div3A_42 : vector<512x1xf32> to vector<512x64xf32>
    %sub3A_51 = arith.subf %add3A_31, %sub3A_50 : vector<512x64xf32>
    %add3A_52 = arith.constant 9.99999974E-6 : f32
    %add3A_53 = vector.broadcast %add3A_52 : f32 to vector<512x1xf32>
    %add3A_54 = arith.addf %div3A_49, %add3A_53 : vector<512x1xf32>
    %sqrt3A = math.sqrt %add3A_54 : vector<512x1xf32>
    %div3A_55 = vector.broadcast %sqrt3A : vector<512x1xf32> to vector<512x64xf32>
    %div3A_56 = arith.divf %sub3A_51, %div3A_55 : vector<512x64xf32>
    %mul3A = vector.broadcast %get3A_34 : vector<1x64xf32> to vector<512x64xf32>
    %mul3A_57 = arith.mulf %div3A_56, %mul3A : vector<512x64xf32>
    %add3A_58 = vector.broadcast %get3A_37 : vector<1x64xf32> to vector<512x64xf32>
    %add3A_59 = arith.addf %mul3A_57, %add3A_58 : vector<512x64xf32>
    %max3A_60 = arith.constant 0.000000e+00 : f32
    %max3A_61 = vector.broadcast %max3A_60 : f32 to vector<512x64xf32>
    %max3A_62 = arith.maximumf %add3A_59, %max3A_61 : vector<512x64xf32>
    %swap3A = arith.constant 0 : index
    %swap3A_63 = arith.constant 0 : index
    %swap3A_64 = vector.load %arg8[%swap3A, %swap3A_63] : memref<512x64xf32, #tpu.memory_space<vmem>>, vector<512x64xf32>
    tpu.vector_store %arg8[%swap3A, %swap3A_63], %max3A_62 {strides = array<i32>} : memref<512x64xf32, #tpu.memory_space<vmem>>, vector<512x64xf32>,
    return
  }
  func.func @transform_0(%arg0: i32) -> (i32, i32, i32) {
    %c0_i32 = arith.constant 0 : i32
    %c0_i32_0 = arith.constant 0 : i32
    %c0_i32_1 = arith.constant 0 : i32
    return %c0_i32, %arg0, %c0_i32_0 : i32, i32, i32
  }
  func.func @transform_1(%arg0: i32) -> (i32, i32, i32) {
    %c0_i32 = arith.constant 0 : i32
    %c0_i32_0 = arith.constant 0 : i32
    %c0_i32_1 = arith.constant 0 : i32
    return %c0_i32, %arg0, %c0_i32_0 : i32, i32, i32
  }
  func.func @transform_2(%arg0: i32) -> (i32, i32) {
    %c0_i32 = arith.constant 0 : i32
    %c0_i32_0 = arith.constant 0 : i32
    return %arg0, %c0_i32 : i32, i32
  }
  func.func @transform_3(%arg0: i32) -> (i32, i32) {
    %c0_i32 = arith.constant 0 : i32
    %c0_i32_0 = arith.constant 0 : i32
    %c0_i32_1 = arith.constant 0 : i32
    return %c0_i32, %c0_i32_0 : i32, i32
  }
  func.func @transform_4(%arg0: i32) -> (i32, i32) {
    %c0_i32 = arith.constant 0 : i32
    %c0_i32_0 = arith.constant 0 : i32
    %c0_i32_1 = arith.constant 0 : i32
    return %c0_i32, %c0_i32_0 : i32, i32
  }
  func.func @transform_5(%arg0: i32) -> (i32, i32) {
    %c0_i32 = arith.constant 0 : i32
    %c0_i32_0 = arith.constant 0 : i32
    %c0_i32_1 = arith.constant 0 : i32
    return %c0_i32, %c0_i32_0 : i32, i32
  }
  func.func @transform_6(%arg0: i32) -> (i32, i32) {
    %c0_i32 = arith.constant 0 : i32
    %c0_i32_0 = arith.constant 0 : i32
    %c0_i32_1 = arith.constant 0 : i32
    return %c0_i32, %c0_i32_0 : i32, i32
  }
  func.func @transform_7(%arg0: i32) -> (i32, i32) {
    %c0_i32 = arith.constant 0 : i32
    %c0_i32_0 = arith.constant 0 : i32
    return %arg0, %c0_i32 : i32, i32
  }
}

module attributes {stable_mosaic.version = 14 : i64} {
  func.func @_tc_final_body(%arg0: i32, %arg1: memref<2x512x64xf32, #tpu.memory_space<vmem>>, %arg2: memref<2x512x16xf32, #tpu.memory_space<vmem>>, %arg3: memref<512x64xf32, #tpu.memory_space<vmem>>, %arg4: memref<64x128xf32, #tpu.memory_space<vmem>>, %arg5: memref<1x128xf32, #tpu.memory_space<vmem>>, %arg6: memref<64x128xf32, #tpu.memory_space<vmem>>, %arg7: memref<1x128xf32, #tpu.memory_space<vmem>>, %arg8: memref<1x128xf32, #tpu.memory_space<vmem>>, %arg9: memref<512x128xf32, #tpu.memory_space<vmem>>) attributes {dimension_semantics = [#tpu.dimension_semantics<arbitrary>], iteration_bounds = array<i64: 20>, scalar_prefetch = 0 : i64, scratch_operands = 0 : i64, tpu.core_type = #tpu.core_type<tc>, window_params = [{transform_indices = @transform_0, window_bounds = array<i64: 2, 512, 64>}, {transform_indices = @transform_1, window_bounds = array<i64: 2, 512, 16>}, {transform_indices = @transform_2, window_bounds = array<i64: 512, 64>}, {pipeline_mode = #tpu.pipeline_mode<synchronous>, transform_indices = @transform_3, window_bounds = array<i64: 64, 128>}, {pipeline_mode = #tpu.pipeline_mode<synchronous>, transform_indices = @transform_4, window_bounds = array<i64: 1, 128>}, {pipeline_mode = #tpu.pipeline_mode<synchronous>, transform_indices = @transform_5, window_bounds = array<i64: 64, 128>}, {pipeline_mode = #tpu.pipeline_mode<synchronous>, transform_indices = @transform_6, window_bounds = array<i64: 1, 128>}, {pipeline_mode = #tpu.pipeline_mode<synchronous>, transform_indices = @transform_7, window_bounds = array<i64: 1, 128>}, {transform_indices = @transform_8, window_bounds = array<i64: 512, 128>}]} {
    %get3A = arith.constant 0 : index
    %get3A_0 = arith.constant 0 : index
    %get3A_1 = arith.constant 0 : index
    %get3A_2 = vector.load %arg2[%get3A, %get3A_0, %get3A_1] : memref<2x512x16xf32, #tpu.memory_space<vmem>>, vector<2x512x16xf32>
    %slice3A = vector.extract_strided_slice %get3A_2 {offsets = [0, 0, 0], sizes = [1, 512, 1], strides = [1, 1, 1]} : vector<2x512x16xf32> to vector<1x512x1xf32>
    %squeeze3A = vector.shape_cast %slice3A : vector<1x512x1xf32> to vector<512xf32>
    %slice3A_3 = vector.extract_strided_slice %get3A_2 {offsets = [1, 0, 0], sizes = [1, 512, 1], strides = [1, 1, 1]} : vector<2x512x16xf32> to vector<1x512x1xf32>
    %squeeze3A_4 = vector.shape_cast %slice3A_3 : vector<1x512x1xf32> to vector<512xf32>
    %add3A = arith.addf %squeeze3A, %squeeze3A_4 : vector<512xf32>
    %get3A_5 = arith.constant 0 : index
    %get3A_6 = arith.constant 0 : index
    %get3A_7 = arith.constant 0 : index
    %get3A_8 = vector.load %arg1[%get3A_5, %get3A_6, %get3A_7] : memref<2x512x64xf32, #tpu.memory_space<vmem>>, vector<1x512x64xf32>
    %get3A_9 = vector.shape_cast %get3A_8 : vector<1x512x64xf32> to vector<512x64xf32>
    %get3A_10 = arith.constant 1 : index
    %get3A_11 = arith.constant 0 : index
    %get3A_12 = arith.constant 0 : index
    %get3A_13 = vector.load %arg1[%get3A_10, %get3A_11, %get3A_12] : memref<2x512x64xf32, #tpu.memory_space<vmem>>, vector<1x512x64xf32>
    %get3A_14 = vector.shape_cast %get3A_13 : vector<1x512x64xf32> to vector<512x64xf32>
    %add3A_15 = arith.addf %get3A_9, %get3A_14 : vector<512x64xf32>
    %max3A = arith.constant 1.000000e+00 : f32
    %max3A_16 = vector.broadcast %max3A : f32 to vector<512xf32>
    %max3A_17 = arith.maximumf %add3A, %max3A_16 : vector<512xf32>
    %broadcast_in_dim3A = vector.shape_cast %max3A_17 : vector<512xf32> to vector<512x1xf32>
    %div3A = vector.broadcast %broadcast_in_dim3A : vector<512x1xf32> to vector<512x64xf32>
    %div3A_18 = arith.divf %add3A_15, %div3A : vector<512x64xf32>
    %get3A_19 = arith.constant 0 : index
    %get3A_20 = arith.constant 0 : index
    %get3A_21 = vector.load %arg4[%get3A_19, %get3A_20] : memref<64x128xf32, #tpu.memory_space<vmem>>, vector<64x128xf32>
    %dot_general3A = arith.constant dense<0.000000e+00> : vector<512x128xf32>
    %dot_general3A_22 = tpu.matmul %div3A_18, %get3A_21, %dot_general3A {dimension_numbers = #tpu.dot_dimension_numbers<[1], [0], [0], [1], [0, 0, 1, 1], [], []>, transpose_lhs_hint = false} : vector<512x64xf32>, vector<64x128xf32>, vector<512x128xf32> -> vector<512x128xf32>
    %get3A_23 = arith.constant 0 : index
    %get3A_24 = arith.constant 0 : index
    %get3A_25 = vector.load %arg5[%get3A_23, %get3A_24] : memref<1x128xf32, #tpu.memory_space<vmem>>, vector<1x128xf32>
    %add3A_26 = vector.broadcast %get3A_25 : vector<1x128xf32> to vector<512x128xf32>
    %add3A_27 = arith.addf %dot_general3A_22, %add3A_26 : vector<512x128xf32>
    %get3A_28 = arith.constant 0 : index
    %get3A_29 = arith.constant 0 : index
    %get3A_30 = vector.load %arg3[%get3A_28, %get3A_29] : memref<512x64xf32, #tpu.memory_space<vmem>>, vector<512x64xf32>
    %get3A_31 = arith.constant 0 : index
    %get3A_32 = arith.constant 0 : index
    %get3A_33 = vector.load %arg6[%get3A_31, %get3A_32] : memref<64x128xf32, #tpu.memory_space<vmem>>, vector<64x128xf32>
    %dot_general3A_34 = arith.constant dense<0.000000e+00> : vector<512x128xf32>
    %dot_general3A_35 = tpu.matmul %get3A_30, %get3A_33, %dot_general3A_34 {dimension_numbers = #tpu.dot_dimension_numbers<[1], [0], [0], [1], [0, 0, 1, 1], [], []>, transpose_lhs_hint = false} : vector<512x64xf32>, vector<64x128xf32>, vector<512x128xf32> -> vector<512x128xf32>
    %add3A_36 = arith.addf %add3A_27, %dot_general3A_35 : vector<512x128xf32>
    %get3A_37 = arith.constant 0 : index
    %get3A_38 = arith.constant 0 : index
    %get3A_39 = vector.load %arg7[%get3A_37, %get3A_38] : memref<1x128xf32, #tpu.memory_space<vmem>>, vector<1x128xf32>
    %get3A_40 = arith.constant 0 : index
    %get3A_41 = arith.constant 0 : index
    %get3A_42 = vector.load %arg8[%get3A_40, %get3A_41] : memref<1x128xf32, #tpu.memory_space<vmem>>, vector<1x128xf32>
    %reduce_sum3A = arith.constant dense<0.000000e+00> : vector<512xf32>
    %reduce_sum3A_43 = vector.multi_reduction <add>, %add3A_36, %reduce_sum3A [1] : vector<512x128xf32> to vector<512xf32>
    %broadcast_in_dim3A_44 = vector.shape_cast %reduce_sum3A_43 : vector<512xf32> to vector<512x1xf32>
    %div3A_45 = arith.constant 1.280000e+02 : f32
    %div3A_46 = vector.broadcast %div3A_45 : f32 to vector<512x1xf32>
    %div3A_47 = arith.divf %broadcast_in_dim3A_44, %div3A_46 : vector<512x1xf32>
    %sub3A = vector.broadcast %div3A_47 : vector<512x1xf32> to vector<512x128xf32>
    %sub3A_48 = arith.subf %add3A_36, %sub3A : vector<512x128xf32>
    %integer_pow3A = arith.mulf %sub3A_48, %sub3A_48 : vector<512x128xf32>
    %reduce_sum3A_49 = arith.constant dense<0.000000e+00> : vector<512xf32>
    %reduce_sum3A_50 = vector.multi_reduction <add>, %integer_pow3A, %reduce_sum3A_49 [1] : vector<512x128xf32> to vector<512xf32>
    %broadcast_in_dim3A_51 = vector.shape_cast %reduce_sum3A_50 : vector<512xf32> to vector<512x1xf32>
    %div3A_52 = arith.constant 1.280000e+02 : f32
    %div3A_53 = vector.broadcast %div3A_52 : f32 to vector<512x1xf32>
    %div3A_54 = arith.divf %broadcast_in_dim3A_51, %div3A_53 : vector<512x1xf32>
    %sub3A_55 = vector.broadcast %div3A_47 : vector<512x1xf32> to vector<512x128xf32>
    %sub3A_56 = arith.subf %add3A_36, %sub3A_55 : vector<512x128xf32>
    %add3A_57 = arith.constant 9.99999974E-6 : f32
    %add3A_58 = vector.broadcast %add3A_57 : f32 to vector<512x1xf32>
    %add3A_59 = arith.addf %div3A_54, %add3A_58 : vector<512x1xf32>
    %sqrt3A = math.sqrt %add3A_59 : vector<512x1xf32>
    %div3A_60 = vector.broadcast %sqrt3A : vector<512x1xf32> to vector<512x128xf32>
    %div3A_61 = arith.divf %sub3A_56, %div3A_60 : vector<512x128xf32>
    %mul3A = vector.broadcast %get3A_39 : vector<1x128xf32> to vector<512x128xf32>
    %mul3A_62 = arith.mulf %div3A_61, %mul3A : vector<512x128xf32>
    %add3A_63 = vector.broadcast %get3A_42 : vector<1x128xf32> to vector<512x128xf32>
    %add3A_64 = arith.addf %mul3A_62, %add3A_63 : vector<512x128xf32>
    %max3A_65 = arith.constant 0.000000e+00 : f32
    %max3A_66 = vector.broadcast %max3A_65 : f32 to vector<512x128xf32>
    %max3A_67 = arith.maximumf %add3A_64, %max3A_66 : vector<512x128xf32>
    %swap3A = arith.constant 0 : index
    %swap3A_68 = arith.constant 0 : index
    %swap3A_69 = vector.load %arg9[%swap3A, %swap3A_68] : memref<512x128xf32, #tpu.memory_space<vmem>>, vector<512x128xf32>
    tpu.vector_store %arg9[%swap3A, %swap3A_68], %max3A_67 {strides = array<i32>} : memref<512x128xf32, #tpu.memory_space<vmem>>, vector<512x128xf32>,
    return
  }
  func.func @transform_0(%arg0: i32) -> (i32, i32, i32) {
    %c0_i32 = arith.constant 0 : i32
    %c0_i32_0 = arith.constant 0 : i32
    %c0_i32_1 = arith.constant 0 : i32
    return %c0_i32, %arg0, %c0_i32_0 : i32, i32, i32
  }
  func.func @transform_1(%arg0: i32) -> (i32, i32, i32) {
    %c0_i32 = arith.constant 0 : i32
    %c0_i32_0 = arith.constant 0 : i32
    %c0_i32_1 = arith.constant 0 : i32
    return %c0_i32, %arg0, %c0_i32_0 : i32, i32, i32
  }
  func.func @transform_2(%arg0: i32) -> (i32, i32) {
    %c0_i32 = arith.constant 0 : i32
    %c0_i32_0 = arith.constant 0 : i32
    return %arg0, %c0_i32 : i32, i32
  }
  func.func @transform_3(%arg0: i32) -> (i32, i32) {
    %c0_i32 = arith.constant 0 : i32
    %c0_i32_0 = arith.constant 0 : i32
    %c0_i32_1 = arith.constant 0 : i32
    return %c0_i32, %c0_i32_0 : i32, i32
  }
  func.func @transform_4(%arg0: i32) -> (i32, i32) {
    %c0_i32 = arith.constant 0 : i32
    %c0_i32_0 = arith.constant 0 : i32
    %c0_i32_1 = arith.constant 0 : i32
    return %c0_i32, %c0_i32_0 : i32, i32
  }
  func.func @transform_5(%arg0: i32) -> (i32, i32) {
    %c0_i32 = arith.constant 0 : i32
    %c0_i32_0 = arith.constant 0 : i32
    %c0_i32_1 = arith.constant 0 : i32
    return %c0_i32, %c0_i32_0 : i32, i32
  }
  func.func @transform_6(%arg0: i32) -> (i32, i32) {
    %c0_i32 = arith.constant 0 : i32
    %c0_i32_0 = arith.constant 0 : i32
    %c0_i32_1 = arith.constant 0 : i32
    return %c0_i32, %c0_i32_0 : i32, i32
  }
  func.func @transform_7(%arg0: i32) -> (i32, i32) {
    %c0_i32 = arith.constant 0 : i32
    %c0_i32_0 = arith.constant 0 : i32
    %c0_i32_1 = arith.constant 0 : i32
    return %c0_i32, %c0_i32_0 : i32, i32
  }
  func.func @transform_8(%arg0: i32) -> (i32, i32) {
    %c0_i32 = arith.constant 0 : i32
    %c0_i32_0 = arith.constant 0 : i32
    return %arg0, %c0_i32 : i32, i32
  }
}

</mosaic_0001>

<sc_bundles>
// kernel: kernel.11.cloned.1.call-start
scs
__scs_entry_jumppad:
0x0: {  	(pc) =	sbr.rel $0x88, $3  }
0x1: {  	(tag) =	ssettag $0x0;
	lr =	simm.s32 $0x1  }
0x2: {  	[smem:$0x3F8B] =	sst lr;
	_ =	strace $0xD0000000  }
0x3: {  	_ = 	snop  }
0x4: {  	_ = 	snop  }
0x5: {  	_ = 	snop  }
0x6: {  	_ = 	snop  }
0x7: {  	_ = 	snop  }
__scs_overlays_trampoline_lowered:
0x8: {  	[smem:$0x3F9A] =	sst s0  }
0x9: {  	[smem:$0x3F9B] =	sst s1  }
0xa: {  	[smem:$0x3F9C] =	sst s2  }
0xb: {  	[smem:$0x3F9D] =	sst s3  }
0xc: {  	[smem:$0x3F9E] =	sst s4  }
0xd: {  	[smem:$0x3F9F] =	sst s5  }
0xe: {  	[smem:$0x3FA0] =	sst s6  }
0xf: {  	[smem:$0x3FA1] =	sst s7  }
0x10: {  	[smem:$0x3FA2] =	sst s8  }
0x11: {  	[smem:$0x3FA3] =	sst s9;
	s0 =	simm.s32 @!p0 $0x0  }
0x12: {  	s1 =	sld [smem:$0x3F89];
	s0 =	simm.s32 @p0 $0x1  }
0x13: {  	[smem:$0x3FA4] =	sst s0;
	s0 =	simm.s32 @!p1 $0x0  }
0x14: {  	s2 =	sld [smem:$0x3F88];
	s0 =	simm.s32 @p1 $0x1  }
0x15: {  	[smem:$0x3FA5] =	sst s0;
	s0 =	simm.s32 @!p2 $0x0  }
0x16: {  	s3 =	sld [smem:$0x3FDB];
	s0 =	simm.s32 @p2 $0x1  }
0x17: {  	s4 =	simm.s32 $0x1BF5;
	[smem:$0x3FA7] =	sst s0  }
0x18: {  	s0 =	sld [smem:$0x3F8A];
	_ =	swait.ge [sflag:s4], $0x0  }
0x19: {  	s7 =	sld [smem:$0x3F8B]  }
0x1a: {  	s8 =	sadd.s32 $0xFFFFE003, lr  }
0x1b: {  	s9 =	sadd.s32 $0xFFFFFEF7, lr;
	s5 =	simm.s32 $0xFFFFFFFF;
	p2 =	slt.u32 s8, $0xFFFFF086  }
0x1c: {  	p1 =	slt.u32 s9, $0xF7A;
	s5 =	simm.s32 @!p2 $0x0  }
0x1d: {  	s5 =	simm.s32 @p1 $0x1;
	p0 =	seq.s32 s7, s2  }
0x1e: {  	s7 =	smul.u32 @!p0 $0xF7A, s2;
	p2 =	seq.s32 @!p0 s5, $0x0  }
0x1f: {  	s9 =	smul.u32 $0xF7A, s1;
	s8 =	simm.s32 @!p0 $0x1BF5;
	p2 =	por !p2, p0  }
0x20: {  	[sflag:s8] =	ssyncset.s32 @!p0 $0xFFFFF086;
	s6 =	sadd.s32 @!p0 s3, s7;
	s7 =	simm.s32 @!p0 $0x108  }
0x21: {  	s3 =	sadd.s32 s3, s9;
	s6 =	sadd.s32 @!p0 $0x88, s6;
	s7 =	simm.s32 @p2 $0x1082  }
0x22: {  	[simem:s7], [sflag:s8] =	dma.local @!p0 [hbm:s6], $0xF7A  }
0x23: {  	s9 =	sor.u32 $0xD0000000, s2;
	s6 =	simm.s32 $0x108;
	_ =	swait.ge @!p0 [sflag:s8], $0x0  }
0x24: {  	s3 =	sadd.s32 $0x88, s3;
	s6 =	simm.s32 @!p1 $0x1082;
	[sflag:s4] =	ssyncset.s32 $0xFFFFF086  }
0x25: {  	[simem:s6], [sflag:s4] =	dma.local [hbm:s3], $0xF7A  }
0x26: {  	[smem:$0x3F8B] =	sst s1;
	(tag) =	ssettag s2;
	_ =	strace s9  }
0x27: {  	s1 =	sld [smem:$0x3F9B]  }
0x28: {  	s2 =	sld [smem:$0x3F9C]  }
0x29: {  	s4 =	sld [smem:$0x3F9E]  }
0x2a: {  	p0 =	seq.s32 s5, $0x0;
	s5 =	sld [smem:$0x3F9F]  }
0x2b: {  	s6 =	sld [smem:$0x3FA0]  }
0x2c: {  	s7 =	sld [smem:$0x3FA1]  }
0x2d: {  	s3 =	simm.s32 $0x108;
	s8 =	sld [smem:$0x3FA2]  }
0x2e: {  	s3 =	simm.s32 @!p0 $0x1082;
	s9 =	sld [smem:$0x3FA3]  }
0x2f: {  	lr =	sadd.s32 s0, s3;
	s0 =	sld [smem:$0x3F9A]  }
0x30: {  	s3 =	sld [smem:$0x3F9D]  }
0x31: {  	[smem:$0x3FA6] =	sst s10  }
0x32: {  	s10 =	sld [smem:$0x3FA4];
	_ =	sdelay $0x3  }
0x33: {  	p0 =	seq.s32 s10, $0x1;
	s10 =	sld [smem:$0x3FA6];
	_ =	sdelay $0x3  }
0x34: {  	[smem:$0x3FA6] =	sst s10  }
0x35: {  	s10 =	sld [smem:$0x3FA5];
	_ =	sdelay $0x3  }
0x36: {  	p1 =	seq.s32 s10, $0x1;
	s10 =	sld [smem:$0x3FA6];
	_ =	sdelay $0x3  }
0x37: {  	[smem:$0x3FA6] =	sst s10  }
0x38: {  	s10 =	sld [smem:$0x3FA7]  }
0x39: {  	_ = 	snop;
	(pc) =	sbr.ind lr, $3  }
0x3a: {  	_ = 	snop  }
0x3b: {  	_ = 	snop  }
0x3c: {  	p2 =	seq.s32 s10, $0x1;
	s10 =	sld [smem:$0x3FA6]  }
0x3d: {  	_ =	shalt  }
0x3e: {  	_ =	shalt  }
0x3f: {  	_ =	shalt  }
0x40: {  	_ =	shalt  }
0x41: {  	_ =	shalt  }
0x42: {  	_ =	shalt  }
0x43: {  	_ =	shalt  }
0x44: {  	_ =	shalt  }
0x45: {  	_ =	shalt  }
0x46: {  	_ =	shalt  }
0x47: {  	_ =	shalt  }
0x48: {  	_ =	shalt  }
0x49: {  	_ =	shalt  }
0x4a: {  	_ =	shalt  }
0x4b: {  	_ =	shalt  }
0x4c: {  	_ =	shalt  }
0x4d: {  	_ =	shalt  }
0x4e: {  	_ =	shalt  }
0x4f: {  	_ =	shalt  }
0x50: {  	_ =	shalt  }
0x51: {  	_ =	shalt  }
0x52: {  	_ =	shalt  }
0x53: {  	_ =	shalt  }
0x54: {  	_ =	shalt  }
0x55: {  	_ =	shalt  }
0x56: {  	_ =	shalt  }
0x57: {  	_ =	shalt  }
0x58: {  	_ =	shalt  }
0x59: {  	_ =	shalt  }
0x5a: {  	_ =	shalt  }
0x5b: {  	_ =	shalt  }
0x5c: {  	_ =	shalt  }
0x5d: {  	_ =	shalt  }
0x5e: {  	_ =	shalt  }
0x5f: {  	_ =	shalt  }
0x60: {  	_ =	shalt  }
0x61: {  	_ =	shalt  }
0x62: {  	_ =	shalt  }
0x63: {  	_ =	shalt  }
0x64: {  	_ =	shalt  }
0x65: {  	_ =	shalt  }
0x66: {  	_ =	shalt  }
0x67: {  	_ =	shalt  }
0x68: {  	_ =	shalt  }
0x69: {  	_ =	shalt  }
0x6a: {  	_ =	shalt  }
0x6b: {  	_ =	shalt  }
0x6c: {  	_ =	shalt  }
0x6d: {  	_ =	shalt  }
0x6e: {  	_ =	shalt  }
0x6f: {  	_ =	shalt  }
0x70: {  	_ =	shalt  }
0x71: {  	_ =	shalt  }
0x72: {  	_ =	shalt  }
0x73: {  	_ =	shalt  }
0x74: {  	_ =	shalt  }
0x75: {  	_ =	shalt  }
0x76: {  	_ =	shalt  }
0x77: {  	_ =	shalt  }
0x78: {  	_ =	shalt  }
0x79: {  	_ =	shalt  }
0x7a: {  	_ =	shalt  }
0x7b: {  	_ =	shalt  }
0x7c: {  	_ =	shalt  }
0x7d: {  	_ =	shalt  }
0x7e: {  	_ =	shalt  }
0x7f: {  	_ =	shalt  }
0x80: {  	_ =	shalt  }
0x81: {  	_ =	shalt  }
0x82: {  	_ =	shalt  }
0x83: {  	_ =	shalt  }
0x84: {  	_ =	shalt  }
0x85: {  	_ =	shalt  }
0x86: {  	_ =	shalt  }
0x87: {  	_ =	shalt  }
.Lfunc_end0:
.L_simem_size_0:
called_computation_lowered:
.L_overlay_start_0:
0x88: {  	s2 =	sld [smem:$0x3FD9]  }
0x89: {  	s3 =	sld [smem:$0x3FFE];
	_ =	sdelay $0x1  }
0x8a: {  	s1 =	srdreg.scid  }
0x8b: {  	s0 =	sand.u32 $0x1, s1  }
0x8c: {  	s17 =	sshll.u32 s0, $0xA;
	s2 =	sadd.s32 s3, s2  }
0x8d: {  	s2 =	sadd.s32 s2, s17  }
0x8e: {  	[smem:$0x3FB2] =	sst s2  }
0x8f: {  	_ = 	snop  }
0x90: {  	s2 =	sld [smem:$0x3FD0];
	(tm) =	ssettm $0x1  }
0x91: {  	s18 =	sld [smem:$0x3FFB];
	_ =	sdelay $0x3  }
0x92: {  	_ =	strace s18  }
0x93: {  	s3 =	sld [smem:$0x3FFC];
	_ =	sdelay $0x3  }
0x94: {  	_ =	strace s3  }
0x95: {  	s3 =	sld [smem:$0x3FFD];
	_ =	sdelay $0x3  }
0x96: {  	_ =	strace s3  }
0x97: {  	_ =	strace $0x8FFFFFFF  }
0x98: {  	s19 =	sld [smem:$0x3FDB];
	_ =	sdelay $0x1  }
0x99: {  	s4 =	simm.s32 $_scs_section_size  }
0x9a: {  	s5 =	simm.s32 $_size__tile_overlayer_lowered;
	s6 =	simm.s32 $_tile_overlayer_lowered  }
0x9b: {  	s22 =	simm.s32 $0x1BFF;
	s21 =	sshll.u32 s6, $0x1;
	s3 =	sadd.s32 s4, s19  }
0x9c: {  	s7 =	simm.s32 $0x0;
	s20 =	sshll.u32 s5, $0x1;
	s5 =	sadd.s32 s21, s3  }
0x9d: {  	[timem:s7], [sflag:s22] =	dma.local [hbm:s5], s20  }
0x9e: {  	_ =	swait.ge [sflag:s22], s20  }
0x9f: {  	s4 =	ssub.s32 $0x0, s20;
	[sflag:s22] =	ssyncset.done $0x0  }
0xa0: {  	[sflag:s22] =	ssyncadd.s32 s4;
	_ =	sdelay $0x1  }
0xa1: {  	s23 =	simm.s32 $0x1B8B  }
0xa2: {  	_ =	swait.ge [sflag:s23], $0x1  }
0xa3: {  	[sflag:s23] =	ssyncset.done $0x0  }
0xa4: {  	s25 =	simm.s32 $0x1B8E;
	s24 =	sld [smem:$0x3FFE];
	[sflag:s23] =	ssyncadd.s32 $0xFFFFFFFF  }
0xa5: {  	s26 =	simm.s32 $execute0_lowered;
	[smem:$0x3FD2] =	sst s25  }
0xa6: {  	s5 =	sshll.u32 s26, $0x1;
	_ =	strace $0x80000046;
	[dreg:$0x1] =	wrdreg $0xFFFFFFFF  }
0xa7: {  	s28 =	simm.s32 $_size_execute0_lowered;
	s3 =	sadd.s32 s3, s5;
	[dreg:$0x0] =	wrdreg $0x0  }
0xa8: {  	s5 =	sshll.u32 s28, $0x1;
	[dreg:$0x2] =	wrdreg s3  }
0xa9: {  	[dreg:$0x3] =	wrdreg s5  }
0xaa: {  	[dreg:$0x4] =	wrdreg $0xC0  }
0xab: {  	_ =	task [dreg:s7], $0x5FFFF  }
0xac: {  	[dreg:$0x1] =	wrdreg $0xFFFFFFFF  }
0xad: {  	[dreg:$0x0] =	wrdreg $0x60  }
0xae: {  	[dreg:$0x2] =	wrdreg s2  }
0xaf: {  	[dreg:$0x3] =	wrdreg s24  }
0xb0: {  	[dreg:$0x4] =	wrdreg $0x77000  }
0xb1: {  	[dreg:$0x5] =	wrdreg $0x117000  }
0xb2: {  	[dreg:$0x6] =	wrdreg $0x9  }
0xb3: {  	_ =	task.clear_ibuf [dreg:s7], $0x7FFFF;
	_ =	strace $0x90000046  }
0xb4: {  	s29 =	simm.s32 $0x9;
	_ =	strace $0x80000048  }
0xb5: {  	_ =	swait.ge [sflag:s29], $0x1  }
0xb6: {  	[sflag:s29] =	ssyncadd.s32 $0xFFFFFFFF  }
0xb7: {  	_ =	strace $0x90000048  }
0xb8: {  	_ =	sfence  }
0xb9: {  	s30 =	sld [smem:$0x0];
	_ =	sdelay $0x2  }
0xba: {  	s31 =	sshll.u32 s1, $0xD;
	s1 =	sshrl.u32 s1, $0x2  }
0xbb: {  	s3 =	sand.u32 $0x4000, s31;
	s1 =	sadd.s32 s1, s30  }
0xbc: {  	s0 =	sor.u32 s3, s0;
	s1 =	sshll.u32 s1, $0x11  }
0xbd: {  	s0 =	sor.u32 s1, s0  }
0xbe: {  	s0 =	sadd.s32 $0x8F2B, s0  }
0xbf: {  	[sflag:s0] =	ssyncadd.remote.s32 $0x1  }
0xc0: {  	_ =	sfence.sel $0xFFFF  }
0xc1: {  	[dreg:$0x0] =	wrdreg $0xFFFFFFFF;
	(pc) =	sbr.abs _section_cstart, $3  }
0xc2: {  	[dreg:$0x1] =	wrdreg $0xFFFFFFFF  }
0xc3: {  	_ =	task.clear_ibuf [dreg:s7], $0x2FFFF;
	_ =	strace $0x9FFFFFFF  }
0xc4: {  	(tm) =	ssettm $0x7FFFFFFF  }
0xc5: {  	_ =	shalt  }
tec
execute0_lowered:
.L_overlay_start_1:
0x0: {  	(tag) =	ssettag $0x1  }
0x1: {  	s1 =	rddreg [dreg:$0x0]  }
0x2: {  	s0 =	srdreg.scid;
	s2 =	rddreg [dreg:$0x1]  }
0x3: {  	s13 =	stileid.u32;
	s3 =	rddreg [dreg:$0x2]  }
0x4: {  	s28 =	simm.s32 $0x6F00;
	s29 =	simm.s32 $0x80;
	s11 =	smul.u32 $0xA000, s13  }
0x5: {  	s30 =	simm.s32 $0x1;
	s0 =	sand.u32 $0x1, s0;
	s16 =	smul.u32 $0x2800, s13  }
0x6: {  	s31 =	simm.s32 $0x0;
	s22 =	sadd.s32 $0x17A00, s2;
	s7 =	smul.u32 $0xA0000, s0  }
0x7: {  	s8 =	sadd.s32 $0x17800, s2;
	s4 =	sshll.u32 s0, $0x4;
	s12 =	smul.u32 $0x28000, s0  }
0x8: {  	s0 =	ssub.s32 $0x2, s0;
	s5 =	sor.u32 s13, s4;
	s13 =	smul.u32 $0x280, s13  }
0x9: {  	s4 =	rddreg [dreg:$0x3];
	s24 =	sshrl.u32 s0, $0x1;
	s6 =	smul.u32 $0x4F0, s5  }
0xa: {  	s5 =	simm.s32 $0x0;
	s9 =	sadd.s32 s11, s7;
	s7 =	sadd.s32 $0x17600, s2  }
0xb: {  	s12 =	sadd.s32 s16, s12;
	s0 =	ssub.s32 s0, s24;
	s11 =	sadd.s32 s11, s3  }
0xc: {  	s16 =	sadd.s32 s16, s4;
	s24 =	simm.s32 $0x2;
	[smem:$0x7FF] =	sst s5  }
0xd: {  	s9 =	sshrl.u32 s9, $0x3;
	s23 =	sshrl.u32 s12, $0x3;
	s17 =	sadd.s32 $0x80, s13  }
0xe: {  	s18 =	sadd.s32 $0x100, s13;
	s19 =	sadd.s32 $0x180, s13;
	s20 =	sadd.s32 $0x200, s13  }
0xf: {  	_ =	strace $0x80000047;
	s10 =	sadd.s32 s6, s2;
	[dreg:$0x5] =	wrdreg s22  }
0x10: {  	s21 =	sadd.s32 s9, s2;
	s2 =	sadd.s32 s23, s2;
	s25 =	sshll.u32 s17, $0x6  }
0x11: {  	s14 =	sshll.u32 s18, $0x6;
	s26 =	sshll.u32 s19, $0x6;
	s15 =	sshll.u32 s20, $0x6  }
0x12: {  	s17 =	sshll.u32 s17, $0x4;
	s18 =	sshll.u32 s18, $0x4;
	s19 =	sshll.u32 s19, $0x4  }
0x13: {  	s20 =	sshll.u32 s20, $0x4;
	s23 =	smax.u32 s0, $0x1;
	s9 =	sadd.s32 $0xD800, s10  }
0x14: {  	s10 =	sadd.s32 $0x3A00, s10;
	s12 =	sadd.s32 s25, s3;
	s13 =	sadd.s32 s14, s3  }
0x15: {  	s14 =	sadd.s32 s26, s3;
	s15 =	sadd.s32 s15, s3;
	s17 =	sadd.s32 s17, s4  }
0x16: {  	s18 =	sadd.s32 s18, s4;
	s19 =	sadd.s32 s19, s4;
	s20 =	sadd.s32 s20, s4  }
0x17: {  	s21 =	sadd.s32 $0x17E00, s21;
	s22 =	sadd.s32 $0x3FE00, s2;
	s26 =	simm.s32 $0x4F00  }
.LBB2_1:
0x18: {  	[tilespmem:s5], [sflag:$0x2] =	stream.linear.gather [hbm4b:s9+s5], $0x2780, $0x38;
	[tilespmem:$0x13F00] =	vst v63  }
0x19: {  	_ =	swait.ge [sflag:s24], $0x2780  }
0x1a: {  	[sflag:s24] =	ssyncset.done $0x0  }
0x1b: {  	s0 =	simm.s32 $0x2780;
	[sflag:s24] =	ssyncadd.s32 $0xFFFFD880  }
0x1c: {  	[tilespmem:s0], [sflag:$0x2] =	stream.linear.gather [hbm4b:s10+s5], $0x2780, $0x38;
	[tilespmem:$0x13F00] =	vst v63  }
0x1d: {  	_ =	swait.ge [sflag:s24], $0x2780  }
0x1e: {  	[sflag:s24] =	ssyncset.done $0x0  }
0x1f: {  	s2 =	rddreg [dreg:$0x5];
	[sflag:s24] =	ssyncadd.s32 $0xFFFFD880  }
0x20: {  	[tilespmem:s26], [sflag:$0x2] =	stream.linear.gather [hbm4b:s2+s5], $0x2000, $0x38;
	[tilespmem:$0x13F00] =	vst v63  }
0x21: {  	_ =	swait.ge [sflag:s24], $0x2000  }
0x22: {  	[sflag:s24] =	ssyncset.done $0x0  }
0x23: {  	[sflag:s24] =	ssyncadd.s32 $0xFFFFE000  }
0x24: {  	[spmem:s11] =	stream.linear.scatter [tilespmem:s26], [sflag:$0x2], $0x2000, $0x38;
	[tilespmem:$0x13F00] =	vst v63  }
0x25: {  	_ =	swait.ge [sflag:s24], $0x2000  }
0x26: {  	[sflag:s24] =	ssyncset.done $0x0  }
0x27: {  	[sflag:s24] =	ssyncadd.s32 $0xFFFFE000  }
0x28: {  	[spmem:s12] =	stream.linear.scatter [tilespmem:s26], [sflag:$0x2], $0x2000, $0x38;
	[tilespmem:$0x13F00] =	vst v63  }
0x29: {  	_ =	swait.ge [sflag:s24], $0x2000  }
0x2a: {  	[sflag:s24] =	ssyncset.done $0x0  }
0x2b: {  	[sflag:s24] =	ssyncadd.s32 $0xFFFFE000  }
0x2c: {  	[spmem:s13] =	stream.linear.scatter [tilespmem:s26], [sflag:$0x2], $0x2000, $0x38;
	[tilespmem:$0x13F00] =	vst v63  }
0x2d: {  	_ =	swait.ge [sflag:s24], $0x2000  }
0x2e: {  	[sflag:s24] =	ssyncset.done $0x0  }
0x2f: {  	[sflag:s24] =	ssyncadd.s32 $0xFFFFE000  }
0x30: {  	[spmem:s14] =	stream.linear.scatter [tilespmem:s26], [sflag:$0x2], $0x2000, $0x38;
	[tilespmem:$0x13F00] =	vst v63  }
0x31: {  	_ =	swait.ge [sflag:s24], $0x2000  }
0x32: {  	[sflag:s24] =	ssyncset.done $0x0  }
0x33: {  	[sflag:s24] =	ssyncadd.s32 $0xFFFFE000  }
0x34: {  	[spmem:s15] =	stream.linear.scatter [tilespmem:s26], [sflag:$0x2], $0x2000, $0x38;
	[tilespmem:$0x13F00] =	vst v63  }
0x35: {  	_ =	swait.ge [sflag:s24], $0x2000  }
0x36: {  	[sflag:s24] =	ssyncset.done $0x0  }
0x37: {  	[sflag:s24] =	ssyncadd.s32 $0xFFFFE000  }
0x38: {  	[tilespmem:s28], [sflag:$0x2] =	stream.linear.gather [hbm4b:s8+s5], $0x800, $0x38;
	[tilespmem:$0x13F00] =	vst v63  }
0x39: {  	_ =	swait.ge [sflag:s24], $0x800  }
0x3a: {  	[sflag:s24] =	ssyncset.done $0x0  }
0x3b: {  	[sflag:s24] =	ssyncadd.s32 $0xFFFFF800  }
0x3c: {  	[spmem:s16] =	stream.linear.scatter [tilespmem:s28], [sflag:$0x2], $0x800, $0x38;
	[tilespmem:$0x13F00] =	vst v63  }
0x3d: {  	_ =	swait.ge [sflag:s24], $0x800  }
0x3e: {  	[sflag:s24] =	ssyncset.done $0x0  }
0x3f: {  	[sflag:s24] =	ssyncadd.s32 $0xFFFFF800  }
0x40: {  	[spmem:s17] =	stream.linear.scatter [tilespmem:s28], [sflag:$0x2], $0x800, $0x38;
	[tilespmem:$0x13F00] =	vst v63  }
0x41: {  	_ =	swait.ge [sflag:s24], $0x800  }
0x42: {  	[sflag:s24] =	ssyncset.done $0x0  }
0x43: {  	[sflag:s24] =	ssyncadd.s32 $0xFFFFF800  }
0x44: {  	[spmem:s18] =	stream.linear.scatter [tilespmem:s28], [sflag:$0x2], $0x800, $0x38;
	[tilespmem:$0x13F00] =	vst v63  }
0x45: {  	_ =	swait.ge [sflag:s24], $0x800  }
0x46: {  	[sflag:s24] =	ssyncset.done $0x0  }
0x47: {  	[sflag:s24] =	ssyncadd.s32 $0xFFFFF800  }
0x48: {  	[spmem:s19] =	stream.linear.scatter [tilespmem:s28], [sflag:$0x2], $0x800, $0x38;
	[tilespmem:$0x13F00] =	vst v63  }
0x49: {  	_ =	swait.ge [sflag:s24], $0x800  }
0x4a: {  	[sflag:s24] =	ssyncset.done $0x0  }
0x4b: {  	[sflag:s24] =	ssyncadd.s32 $0xFFFFF800  }
0x4c: {  	[spmem:s20] =	stream.linear.scatter [tilespmem:s28], [sflag:$0x2], $0x800, $0x38;
	[tilespmem:$0x13F00] =	vst v63  }
0x4d: {  	_ =	swait.ge [sflag:s24], $0x800  }
0x4e: {  	[sflag:s24] =	ssyncset.done $0x0  }
0x4f: {  	[sflag:s24] =	ssyncadd.s32 $0xFFFFF800  }
0x50: {  	[tilespmem:s28], [sflag:$0x2] =	stream.linear.gather [hbm4b:s7+s5], $0x800, $0x38;
	[tilespmem:$0x13F00] =	vst v63  }
0x51: {  	_ =	swait.ge [sflag:s24], $0x800  }
0x52: {  	[sflag:s24] =	ssyncset.done $0x0  }
0x53: {  	[sflag:s24] =	ssyncadd.s32 $0xFFFFF800  }
0x54: {  	s6 =	simm.s32 $0x0;
	[bflag:$0x0] =	sbarrier.arrive $0xFFFF  }
0x55: {  	[tilespmem:s26], [sflag:$0x1] =	stream.indirect.gather [hbm4b:s1+s29], $0x40, s6, s29, $0xb8;
	[tilespmem:$0x13F00] =	vst v63  }
0x56: {  	_ =	swait.ge [sflag:s30], $0x2000  }
0x57: {  	[sflag:s30] =	ssyncset.done $0x0  }
0x58: {  	s25 =	simm.s32 $0x2780;
	[sflag:s30] =	ssyncadd.s32 $0xFFFFE000  }
0x59: {  	[spmem:s3] =	stream.indirect.scatter.add.f32 [tilespmem:s26], [sflag:$0x2], $0x40, s25, s29, $0xb8;
	[tilespmem:$0x13F00] =	vst v63  }
0x5a: {  	_ =	swait.ge [sflag:s24], $0x2000  }
0x5b: {  	[sflag:s24] =	ssyncset.done $0x0  }
0x5c: {  	[sflag:s24] =	ssyncadd.s32 $0xFFFFE000  }
0x5d: {  	[spmem:s4] =	stream.indirect.scatter.add.f32 [tilespmem:s28], [sflag:$0x2], $0x10, s25, s29, $0xb8;
	[tilespmem:$0x13F00] =	vst v63  }
0x5e: {  	_ =	swait.ge [sflag:s24], $0x800  }
0x5f: {  	s0 =	simm.s32 $0x400;
	s2 =	simm.s32 $0x200;
	[sflag:s24] =	ssyncset.done $0x0  }
.LBB2_2:
0x60: {  	s25 =	sshra.s32 s2, $0x2  }
0x61: {  	[sflag:s24] =	ssyncadd.s32 $0xFFFFF800;
	s2 =	smov.u32 s0;
	s6 =	sadd.s32 $0x200, s0  }
0x62: {  	[tilespmem:s26], [sflag:$0x1] =	stream.indirect.gather [hbm4b:s1+s29], $0x40, s25, s29, $0xb8;
	[tilespmem:$0x13F00] =	vst v63  }
0x63: {  	p0 =	sne.s32 s0, $0x9C00;
	_ =	swait.ge [sflag:s30], $0x2000  }
0x64: {  	[sflag:s30] =	ssyncset.done $0x0  }
0x65: {  	s0 =	sadd.s32 $0x2780, s25;
	[sflag:s30] =	ssyncadd.s32 $0xFFFFE000  }
0x66: {  	[spmem:s3] =	stream.indirect.scatter.add.f32 [tilespmem:s26], [sflag:$0x2], $0x40, s0, s29, $0xb8;
	[tilespmem:$0x13F00] =	vst v63  }
0x67: {  	_ =	swait.ge [sflag:s24], $0x2000  }
.Ltmp0:
0x68: {  	[sflag:s24] =	ssyncset.done $0x0;
	(pc) =	sbr.rel @p0 .LBB2_2-.Ltmp0, $4  }
0x69: {  	[sflag:s24] =	ssyncadd.s32 $0xFFFFE000  }
0x6a: {  	[spmem:s4] =	stream.indirect.scatter.add.f32 [tilespmem:s28], [sflag:$0x2], $0x10, s0, s29, $0xb8;
	[tilespmem:$0x13F00] =	vst v63  }
0x6b: {  	_ =	swait.ge [sflag:s24], $0x800  }
0x6c: {  	s0 =	smov.u32 s6;
	[sflag:s24] =	ssyncset.done $0x0  }
0x6d: {  	s0 =	sshra.s32 s2, $0x2;
	[sflag:s24] =	ssyncadd.s32 $0xFFFFF800  }
0x6e: {  	[tilespmem:s26], [sflag:$0x1] =	stream.indirect.gather [hbm4b:s1+s29], $0x40, s0, s29, $0xb8;
	[tilespmem:$0x13F00] =	vst v63  }
0x6f: {  	_ =	swait.ge [sflag:s30], $0x2000  }
0x70: {  	[sflag:s30] =	ssyncset.done $0x0  }
0x71: {  	s0 =	sadd.s32 $0x2780, s0;
	[sflag:s30] =	ssyncadd.s32 $0xFFFFE000  }
0x72: {  	[spmem:s3] =	stream.indirect.scatter.add.f32 [tilespmem:s26], [sflag:$0x2], $0x40, s0, s29, $0xb8;
	[tilespmem:$0x13F00] =	vst v63  }
0x73: {  	_ =	swait.ge [sflag:s24], $0x2000  }
0x74: {  	[sflag:s24] =	ssyncset.done $0x0  }
0x75: {  	[sflag:s24] =	ssyncadd.s32 $0xFFFFE000  }
0x76: {  	[spmem:s4] =	stream.indirect.scatter.add.f32 [tilespmem:s28], [sflag:$0x2], $0x10, s0, s29, $0xb8;
	[tilespmem:$0x13F00] =	vst v63  }
0x77: {  	_ =	swait.ge [sflag:s24], $0x800  }
0x78: {  	s2 =	stileid.u32;
	[sflag:s24] =	ssyncset.done $0x0  }
0x79: {  	s0 =	sshll.u32 s2, $0x6;
	[sflag:s24] =	ssyncadd.s32 $0xFFFFF800  }
0x7a: {  	s6 =	sshrl.u32 s11, $0x3;
	s0 =	sor.u32 $0x1C02, s0;
	[bflag:$0x0] =	sbarrier.arrive $0xFFFF  }
0x7b: {  	[hbm:s21], [sflag:s0] =	dma.local [spmem:s6], $0x1400  }
0x7c: {  	s31 =	sadd.s32 $0x1, s31;
	_ =	swait.ge [sflag:s24], $0x1400  }
0x7d: {  	p0 =	sne.s32 s31, s23;
	[sflag:s24] =	ssyncset.done $0x0  }
.Ltmp1:
0x7e: {  	s25 =	sshrl.u32 s16, $0x3;
	[sflag:s24] =	ssyncadd.s32 $0xFFFFEC00;
	(pc) =	sbr.rel @p0 .LBB2_1-.Ltmp1, $4  }
0x7f: {  	[hbm:s22], [sflag:s0] =	dma.local [spmem:s25], $0x500  }
0x80: {  	_ =	swait.ge [sflag:s24], $0x500  }
0x81: {  	[sflag:s24] =	ssyncset.done $0x0  }
0x82: {  	[sflag:s24] =	ssyncadd.s32 $0xFFFFFB00  }
0x83: {  	_ =	sfence.sel $0x180000  }
0x84: {  	[bflag:$0x0] =	sbarrier.arrive $0xFFFF  }
0x85: {  	_ =	strace $0x90000047  }
0x86: {  	s0 =	stileid.u32;
	[bflag:$0x2] =	sbarrier.arrive $0xFFFF  }
0x87: {  	p0 =	sne.s32 s0, $0x0;
	s0 =	rddreg [dreg:$0x4]  }
0x88: {  	s0 =	sadd.s32 @!p0 $0x100000, s0  }
0x89: {  	[sflag:s0] =	ssyncadd.tile.s32 @!p0 $0x1;
	_ =	shalt  }
.Lfunc_end2:
_tile_overlayer_lowered:
.L_overlay_start_2:
0x8a: {  	(tag) =	ssettag $0x2  }
0x8b: {  	s0 =	rddreg [dreg:$0x0];
	s2 =	stileid.u32  }
0x8c: {  	s1 =	rddreg [dreg:$0x1];
	p0 =	sne.s32 s2, $0x0  }
0x8d: {  	s3 =	rddreg [dreg:$0x2];
	[bflag:$0x3] =	sbarrier.arrive $0xFFFF;
	s2 =	simm.s32 @!p0 $0x1C02  }
0x8e: {  	[timem:s3], [sflag:s2] =	dma.local @!p0 [hbm:s0], s1  }
0x8f: {  	s0 =	simm.s32 @!p0 $0x2  }
0x90: {  	_ =	swait.ge @!p0 [sflag:s0], s1  }
0x91: {  	s1 =	ssub.s32 @!p0 $0x0, s1;
	[sflag:s0] =	ssyncset.done @!p0 $0x0  }
0x92: {  	[sflag:s0] =	ssyncadd.s32 @!p0 s1  }
0x93: {  	[bflag:$0x3] =	sbarrier.arrive $0xFFFF  }
0x94: {  	_ =	shalt  }

// kernel: kernel.14.cloned.1.call-start
scs
__scs_entry_jumppad:
0x0: {  	(pc) =	sbr.rel $0x88, $3  }
0x1: {  	(tag) =	ssettag $0x0;
	lr =	simm.s32 $0x1  }
0x2: {  	[smem:$0x3F8B] =	sst lr;
	_ =	strace $0xD0000000  }
0x3: {  	_ = 	snop  }
0x4: {  	_ = 	snop  }
0x5: {  	_ = 	snop  }
0x6: {  	_ = 	snop  }
0x7: {  	_ = 	snop  }
__scs_overlays_trampoline_lowered:
0x8: {  	[smem:$0x3F9A] =	sst s0  }
0x9: {  	[smem:$0x3F9B] =	sst s1  }
0xa: {  	[smem:$0x3F9C] =	sst s2  }
0xb: {  	[smem:$0x3F9D] =	sst s3  }
0xc: {  	[smem:$0x3F9E] =	sst s4  }
0xd: {  	[smem:$0x3F9F] =	sst s5  }
0xe: {  	[smem:$0x3FA0] =	sst s6  }
0xf: {  	[smem:$0x3FA1] =	sst s7  }
0x10: {  	[smem:$0x3FA2] =	sst s8  }
0x11: {  	[smem:$0x3FA3] =	sst s9;
	s0 =	simm.s32 @!p0 $0x0  }
0x12: {  	s1 =	sld [smem:$0x3F89];
	s0 =	simm.s32 @p0 $0x1  }
0x13: {  	[smem:$0x3FA4] =	sst s0;
	s0 =	simm.s32 @!p1 $0x0  }
0x14: {  	s2 =	sld [smem:$0x3F88];
	s0 =	simm.s32 @p1 $0x1  }
0x15: {  	[smem:$0x3FA5] =	sst s0;
	s0 =	simm.s32 @!p2 $0x0  }
0x16: {  	s3 =	sld [smem:$0x3FDB];
	s0 =	simm.s32 @p2 $0x1  }
0x17: {  	s4 =	simm.s32 $0x1BF5;
	[smem:$0x3FA7] =	sst s0  }
0x18: {  	s0 =	sld [smem:$0x3F8A];
	_ =	swait.ge [sflag:s4], $0x0  }
0x19: {  	s7 =	sld [smem:$0x3F8B]  }
0x1a: {  	s8 =	sadd.s32 $0xFFFFE003, lr  }
0x1b: {  	s9 =	sadd.s32 $0xFFFFFEF7, lr;
	s5 =	simm.s32 $0xFFFFFFFF;
	p2 =	slt.u32 s8, $0xFFFFF086  }
0x1c: {  	p1 =	slt.u32 s9, $0xF7A;
	s5 =	simm.s32 @!p2 $0x0  }
0x1d: {  	s5 =	simm.s32 @p1 $0x1;
	p0 =	seq.s32 s7, s2  }
0x1e: {  	s7 =	smul.u32 @!p0 $0xF7A, s2;
	p2 =	seq.s32 @!p0 s5, $0x0  }
0x1f: {  	s9 =	smul.u32 $0xF7A, s1;
	s8 =	simm.s32 @!p0 $0x1BF5;
	p2 =	por !p2, p0  }
0x20: {  	[sflag:s8] =	ssyncset.s32 @!p0 $0xFFFFF086;
	s6 =	sadd.s32 @!p0 s3, s7;
	s7 =	simm.s32 @!p0 $0x108  }
0x21: {  	s3 =	sadd.s32 s3, s9;
	s6 =	sadd.s32 @!p0 $0x88, s6;
	s7 =	simm.s32 @p2 $0x1082  }
0x22: {  	[simem:s7], [sflag:s8] =	dma.local @!p0 [hbm:s6], $0xF7A  }
0x23: {  	s9 =	sor.u32 $0xD0000000, s2;
	s6 =	simm.s32 $0x108;
	_ =	swait.ge @!p0 [sflag:s8], $0x0  }
0x24: {  	s3 =	sadd.s32 $0x88, s3;
	s6 =	simm.s32 @!p1 $0x1082;
	[sflag:s4] =	ssyncset.s32 $0xFFFFF086  }
0x25: {  	[simem:s6], [sflag:s4] =	dma.local [hbm:s3], $0xF7A  }
0x26: {  	[smem:$0x3F8B] =	sst s1;
	(tag) =	ssettag s2;
	_ =	strace s9  }
0x27: {  	s1 =	sld [smem:$0x3F9B]  }
0x28: {  	s2 =	sld [smem:$0x3F9C]  }
0x29: {  	s4 =	sld [smem:$0x3F9E]  }
0x2a: {  	p0 =	seq.s32 s5, $0x0;
	s5 =	sld [smem:$0x3F9F]  }
0x2b: {  	s6 =	sld [smem:$0x3FA0]  }
0x2c: {  	s7 =	sld [smem:$0x3FA1]  }
0x2d: {  	s3 =	simm.s32 $0x108;
	s8 =	sld [smem:$0x3FA2]  }
0x2e: {  	s3 =	simm.s32 @!p0 $0x1082;
	s9 =	sld [smem:$0x3FA3]  }
0x2f: {  	lr =	sadd.s32 s0, s3;
	s0 =	sld [smem:$0x3F9A]  }
0x30: {  	s3 =	sld [smem:$0x3F9D]  }
0x31: {  	[smem:$0x3FA6] =	sst s10  }
0x32: {  	s10 =	sld [smem:$0x3FA4];
	_ =	sdelay $0x3  }
0x33: {  	p0 =	seq.s32 s10, $0x1;
	s10 =	sld [smem:$0x3FA6];
	_ =	sdelay $0x3  }
0x34: {  	[smem:$0x3FA6] =	sst s10  }
0x35: {  	s10 =	sld [smem:$0x3FA5];
	_ =	sdelay $0x3  }
0x36: {  	p1 =	seq.s32 s10, $0x1;
	s10 =	sld [smem:$0x3FA6];
	_ =	sdelay $0x3  }
0x37: {  	[smem:$0x3FA6] =	sst s10  }
0x38: {  	s10 =	sld [smem:$0x3FA7]  }
0x39: {  	_ = 	snop;
	(pc) =	sbr.ind lr, $3  }
0x3a: {  	_ = 	snop  }
0x3b: {  	_ = 	snop  }
0x3c: {  	p2 =	seq.s32 s10, $0x1;
	s10 =	sld [smem:$0x3FA6]  }
0x3d: {  	_ =	shalt  }
0x3e: {  	_ =	shalt  }
0x3f: {  	_ =	shalt  }
0x40: {  	_ =	shalt  }
0x41: {  	_ =	shalt  }
0x42: {  	_ =	shalt  }
0x43: {  	_ =	shalt  }
0x44: {  	_ =	shalt  }
0x45: {  	_ =	shalt  }
0x46: {  	_ =	shalt  }
0x47: {  	_ =	shalt  }
0x48: {  	_ =	shalt  }
0x49: {  	_ =	shalt  }
0x4a: {  	_ =	shalt  }
0x4b: {  	_ =	shalt  }
0x4c: {  	_ =	shalt  }
0x4d: {  	_ =	shalt  }
0x4e: {  	_ =	shalt  }
0x4f: {  	_ =	shalt  }
0x50: {  	_ =	shalt  }
0x51: {  	_ =	shalt  }
0x52: {  	_ =	shalt  }
0x53: {  	_ =	shalt  }
0x54: {  	_ =	shalt  }
0x55: {  	_ =	shalt  }
0x56: {  	_ =	shalt  }
0x57: {  	_ =	shalt  }
0x58: {  	_ =	shalt  }
0x59: {  	_ =	shalt  }
0x5a: {  	_ =	shalt  }
0x5b: {  	_ =	shalt  }
0x5c: {  	_ =	shalt  }
0x5d: {  	_ =	shalt  }
0x5e: {  	_ =	shalt  }
0x5f: {  	_ =	shalt  }
0x60: {  	_ =	shalt  }
0x61: {  	_ =	shalt  }
0x62: {  	_ =	shalt  }
0x63: {  	_ =	shalt  }
0x64: {  	_ =	shalt  }
0x65: {  	_ =	shalt  }
0x66: {  	_ =	shalt  }
0x67: {  	_ =	shalt  }
0x68: {  	_ =	shalt  }
0x69: {  	_ =	shalt  }
0x6a: {  	_ =	shalt  }
0x6b: {  	_ =	shalt  }
0x6c: {  	_ =	shalt  }
0x6d: {  	_ =	shalt  }
0x6e: {  	_ =	shalt  }
0x6f: {  	_ =	shalt  }
0x70: {  	_ =	shalt  }
0x71: {  	_ =	shalt  }
0x72: {  	_ =	shalt  }
0x73: {  	_ =	shalt  }
0x74: {  	_ =	shalt  }
0x75: {  	_ =	shalt  }
0x76: {  	_ =	shalt  }
0x77: {  	_ =	shalt  }
0x78: {  	_ =	shalt  }
0x79: {  	_ =	shalt  }
0x7a: {  	_ =	shalt  }
0x7b: {  	_ =	shalt  }
0x7c: {  	_ =	shalt  }
0x7d: {  	_ =	shalt  }
0x7e: {  	_ =	shalt  }
0x7f: {  	_ =	shalt  }
0x80: {  	_ =	shalt  }
0x81: {  	_ =	shalt  }
0x82: {  	_ =	shalt  }
0x83: {  	_ =	shalt  }
0x84: {  	_ =	shalt  }
0x85: {  	_ =	shalt  }
0x86: {  	_ =	shalt  }
0x87: {  	_ =	shalt  }
.Lfunc_end0:
.L_simem_size_0:
called_computation.1_lowered:
.L_overlay_start_0:
0x88: {  	s2 =	sld [smem:$0x3FD9]  }
0x89: {  	s3 =	sld [smem:$0x3FFE];
	_ =	sdelay $0x1  }
0x8a: {  	s1 =	srdreg.scid  }
0x8b: {  	s0 =	sand.u32 $0x1, s1  }
0x8c: {  	s17 =	sshll.u32 s0, $0xA;
	s2 =	sadd.s32 s3, s2  }
0x8d: {  	s2 =	sadd.s32 s2, s17  }
0x8e: {  	[smem:$0x3FB2] =	sst s2  }
0x8f: {  	_ = 	snop  }
0x90: {  	s2 =	sld [smem:$0x3FD0];
	(tm) =	ssettm $0x1  }
0x91: {  	s18 =	sld [smem:$0x3FFB];
	_ =	sdelay $0x3  }
0x92: {  	_ =	strace s18  }
0x93: {  	s3 =	sld [smem:$0x3FFC];
	_ =	sdelay $0x3  }
0x94: {  	_ =	strace s3  }
0x95: {  	s3 =	sld [smem:$0x3FFD];
	_ =	sdelay $0x3  }
0x96: {  	_ =	strace s3  }
0x97: {  	_ =	strace $0x8FFFFFFF  }
0x98: {  	s19 =	sld [smem:$0x3FDB];
	_ =	sdelay $0x1  }
0x99: {  	s4 =	simm.s32 $_scs_section_size  }
0x9a: {  	s5 =	simm.s32 $_size__tile_overlayer_lowered;
	s6 =	simm.s32 $_tile_overlayer_lowered  }
0x9b: {  	s22 =	simm.s32 $0x1BFF;
	s21 =	sshll.u32 s6, $0x1;
	s3 =	sadd.s32 s4, s19  }
0x9c: {  	s7 =	simm.s32 $0x0;
	s20 =	sshll.u32 s5, $0x1;
	s5 =	sadd.s32 s21, s3  }
0x9d: {  	[timem:s7], [sflag:s22] =	dma.local [hbm:s5], s20  }
0x9e: {  	_ =	swait.ge [sflag:s22], s20  }
0x9f: {  	s4 =	ssub.s32 $0x0, s20;
	[sflag:s22] =	ssyncset.done $0x0  }
0xa0: {  	[sflag:s22] =	ssyncadd.s32 s4;
	_ =	sdelay $0x1  }
0xa1: {  	s23 =	simm.s32 $0x1B8B  }
0xa2: {  	_ =	swait.ge [sflag:s23], $0x1  }
0xa3: {  	[sflag:s23] =	ssyncset.done $0x0  }
0xa4: {  	s25 =	simm.s32 $0x1B8E;
	s24 =	sld [smem:$0x3FFE];
	[sflag:s23] =	ssyncadd.s32 $0xFFFFFFFF  }
0xa5: {  	s26 =	simm.s32 $execute0_lowered;
	[smem:$0x3FD2] =	sst s25  }
0xa6: {  	s5 =	sshll.u32 s26, $0x1;
	_ =	strace $0x80000049;
	[dreg:$0x1] =	wrdreg $0xFFFFFFFF  }
0xa7: {  	s28 =	simm.s32 $_size_execute0_lowered;
	s3 =	sadd.s32 s3, s5;
	[dreg:$0x0] =	wrdreg $0x0  }
0xa8: {  	s5 =	sshll.u32 s28, $0x1;
	[dreg:$0x2] =	wrdreg s3  }
0xa9: {  	[dreg:$0x3] =	wrdreg s5  }
0xaa: {  	[dreg:$0x4] =	wrdreg $0xC0  }
0xab: {  	_ =	task [dreg:s7], $0x5FFFF  }
0xac: {  	[dreg:$0x1] =	wrdreg $0xFFFFFFFF  }
0xad: {  	[dreg:$0x0] =	wrdreg $0x60  }
0xae: {  	[dreg:$0x2] =	wrdreg s2  }
0xaf: {  	[dreg:$0x3] =	wrdreg s24  }
0xb0: {  	[dreg:$0x4] =	wrdreg $0x6F000  }
0xb1: {  	[dreg:$0x5] =	wrdreg $0x9  }
0xb2: {  	_ =	task.clear_ibuf [dreg:s7], $0x6FFFF;
	_ =	strace $0x90000049  }
0xb3: {  	s29 =	simm.s32 $0x9;
	_ =	strace $0x8000004B  }
0xb4: {  	_ =	swait.ge [sflag:s29], $0x1  }
0xb5: {  	[sflag:s29] =	ssyncadd.s32 $0xFFFFFFFF  }
0xb6: {  	_ =	strace $0x9000004B  }
0xb7: {  	_ =	sfence  }
0xb8: {  	s30 =	sld [smem:$0x0];
	_ =	sdelay $0x2  }
0xb9: {  	s31 =	sshll.u32 s1, $0xD;
	s1 =	sshrl.u32 s1, $0x2  }
0xba: {  	s3 =	sand.u32 $0x4000, s31;
	s1 =	sadd.s32 s1, s30  }
0xbb: {  	s0 =	sor.u32 s3, s0;
	s1 =	sshll.u32 s1, $0x11  }
0xbc: {  	s0 =	sor.u32 s1, s0  }
0xbd: {  	s0 =	sadd.s32 $0x8F2B, s0  }
0xbe: {  	[sflag:s0] =	ssyncadd.remote.s32 $0x1  }
0xbf: {  	_ =	sfence.sel $0xFFFF  }
0xc0: {  	[dreg:$0x0] =	wrdreg $0xFFFFFFFF;
	(pc) =	sbr.abs _section_cstart, $3  }
0xc1: {  	[dreg:$0x1] =	wrdreg $0xFFFFFFFF  }
0xc2: {  	_ =	task.clear_ibuf [dreg:s7], $0x2FFFF;
	_ =	strace $0x9FFFFFFF  }
0xc3: {  	(tm) =	ssettm $0x7FFFFFFF  }
tec
execute0_lowered:
.L_overlay_start_1:
0x0: {  	(tag) =	ssettag $0x1  }
0x1: {  	s2 =	rddreg [dreg:$0x0]  }
0x2: {  	s6 =	rddreg [dreg:$0x1]  }
0x3: {  	s0 =	srdreg.scid;
	s3 =	rddreg [dreg:$0x2];
	s4 =	simm.s32 $0x0  }
0x4: {  	s15 =	simm.s32 $0x2;
	s16 =	simm.s32 $0x2780;
	s17 =	simm.s32 $0x4F00  }
0x5: {  	s18 =	simm.s32 $0x80;
	s5 =	sand.u32 $0x1, s0;
	s0 =	stileid.u32  }
0x6: {  	s19 =	simm.s32 $0x1;
	s22 =	simm.s32 $0x0;
	s8 =	smul.u32 $0xA000, s0  }
0x7: {  	[smem:$0x7FF] =	sst s4;
	s1 =	sshll.u32 s5, $0x4;
	s9 =	smul.u32 $0xA0000, s5  }
0x8: {  	s10 =	ssub.s32 $0x2, s5;
	s11 =	smul.u32 $0x28000, s0;
	s5 =	sadd.s32 $0x17A00, s6  }
0x9: {  	s20 =	sshll.u32 s0, $0x6;
	s1 =	sor.u32 s0, s1;
	s30 =	sshrl.u32 s10, $0x1  }
0xa: {  	s20 =	sor.u32 $0x1C02, s20;
	s7 =	smul.u32 $0x4F0, s1;
	s1 =	rddreg [dreg:$0x3]  }
0xb: {  	_ =	strace $0x8000004A;
	s9 =	sadd.s32 s8, s9;
	s14 =	ssub.s32 s10, s30  }
0xc: {  	s31 =	sshrl.u32 s11, $0x2;
	s8 =	sadd.s32 s8, s3;
	s9 =	sshrl.u32 s9, $0x3  }
0xd: {  	s12 =	sadd.s32 s31, s3;
	s14 =	smax.u32 s14, $0x1;
	s21 =	sshrl.u32 s8, $0x3  }
0xe: {  	s7 =	sadd.s32 s7, s6;
	s13 =	sadd.s32 s9, s6;
	s9 =	sadd.s32 $0x2000, s12  }
0xf: {  	s10 =	sadd.s32 $0x4000, s12;
	s11 =	sadd.s32 $0x6000, s12;
	s12 =	sadd.s32 $0x8000, s12  }
0x10: {  	s6 =	sadd.s32 $0xD800, s7;
	s7 =	sadd.s32 $0x3A00, s7;
	s13 =	sadd.s32 $0x17E00, s13  }
.LBB2_1:
0x11: {  	[tilespmem:s4], [sflag:$0x2] =	stream.linear.gather [hbm4b:s6+s4], $0x2780, $0x38;
	[tilespmem:$0x10F00] =	vst v63  }
0x12: {  	_ =	swait.ge [sflag:s15], $0x2780  }
0x13: {  	[sflag:s15] =	ssyncset.done $0x0  }
0x14: {  	[sflag:s15] =	ssyncadd.s32 $0xFFFFD880  }
0x15: {  	[tilespmem:s16], [sflag:$0x2] =	stream.linear.gather [hbm4b:s7+s4], $0x2780, $0x38;
	[tilespmem:$0x10F00] =	vst v63  }
0x16: {  	_ =	swait.ge [sflag:s15], $0x2780  }
0x17: {  	[sflag:s15] =	ssyncset.done $0x0  }
0x18: {  	[sflag:s15] =	ssyncadd.s32 $0xFFFFD880  }
0x19: {  	[tilespmem:s17], [sflag:$0x2] =	stream.linear.gather [hbm4b:s5+s4], $0x2000, $0x38;
	[tilespmem:$0x10F00] =	vst v63  }
0x1a: {  	_ =	swait.ge [sflag:s15], $0x2000  }
0x1b: {  	[sflag:s15] =	ssyncset.done $0x0  }
0x1c: {  	[sflag:s15] =	ssyncadd.s32 $0xFFFFE000  }
0x1d: {  	[spmem:s8] =	stream.linear.scatter [tilespmem:s17], [sflag:$0x2], $0x2000, $0x38;
	[tilespmem:$0x10F00] =	vst v63  }
0x1e: {  	_ =	swait.ge [sflag:s15], $0x2000  }
0x1f: {  	[sflag:s15] =	ssyncset.done $0x0  }
0x20: {  	[sflag:s15] =	ssyncadd.s32 $0xFFFFE000  }
0x21: {  	[spmem:s9] =	stream.linear.scatter [tilespmem:s17], [sflag:$0x2], $0x2000, $0x38;
	[tilespmem:$0x10F00] =	vst v63  }
0x22: {  	_ =	swait.ge [sflag:s15], $0x2000  }
0x23: {  	[sflag:s15] =	ssyncset.done $0x0  }
0x24: {  	[sflag:s15] =	ssyncadd.s32 $0xFFFFE000  }
0x25: {  	[spmem:s10] =	stream.linear.scatter [tilespmem:s17], [sflag:$0x2], $0x2000, $0x38;
	[tilespmem:$0x10F00] =	vst v63  }
0x26: {  	_ =	swait.ge [sflag:s15], $0x2000  }
0x27: {  	[sflag:s15] =	ssyncset.done $0x0  }
0x28: {  	[sflag:s15] =	ssyncadd.s32 $0xFFFFE000  }
0x29: {  	[spmem:s11] =	stream.linear.scatter [tilespmem:s17], [sflag:$0x2], $0x2000, $0x38;
	[tilespmem:$0x10F00] =	vst v63  }
0x2a: {  	_ =	swait.ge [sflag:s15], $0x2000  }
0x2b: {  	[sflag:s15] =	ssyncset.done $0x0  }
0x2c: {  	[sflag:s15] =	ssyncadd.s32 $0xFFFFE000  }
0x2d: {  	[spmem:s12] =	stream.linear.scatter [tilespmem:s17], [sflag:$0x2], $0x2000, $0x38;
	[tilespmem:$0x10F00] =	vst v63  }
0x2e: {  	_ =	swait.ge [sflag:s15], $0x2000  }
0x2f: {  	[sflag:s15] =	ssyncset.done $0x0  }
0x30: {  	[sflag:s15] =	ssyncadd.s32 $0xFFFFE000  }
0x31: {  	s23 =	simm.s32 $0x0;
	[bflag:$0x0] =	sbarrier.arrive $0xFFFF  }
0x32: {  	[tilespmem:s17], [sflag:$0x1] =	stream.indirect.gather [hbm4b:s2+s18], $0x40, s23, s18, $0xb8;
	[tilespmem:$0x10F00] =	vst v63  }
0x33: {  	_ =	swait.ge [sflag:s19], $0x2000  }
0x34: {  	[sflag:s19] =	ssyncset.done $0x0  }
0x35: {  	s31 =	simm.s32 $0x2780;
	[sflag:s19] =	ssyncadd.s32 $0xFFFFE000  }
0x36: {  	[spmem:s3] =	stream.indirect.scatter.add.f32 [tilespmem:s17], [sflag:$0x2], $0x40, s31, s18, $0xb8;
	[tilespmem:$0x10F00] =	vst v63  }
0x37: {  	_ =	swait.ge [sflag:s15], $0x2000  }
0x38: {  	s24 =	simm.s32 $0x400;
	s23 =	simm.s32 $0x200;
	[sflag:s15] =	ssyncset.done $0x0  }
.LBB2_2:
0x39: {  	s25 =	sshra.s32 s23, $0x2  }
0x3a: {  	[sflag:s15] =	ssyncadd.s32 $0xFFFFE000;
	s23 =	smov.u32 s24;
	s26 =	sadd.s32 $0x200, s24  }
0x3b: {  	[tilespmem:s17], [sflag:$0x1] =	stream.indirect.gather [hbm4b:s2+s18], $0x40, s25, s18, $0xb8;
	[tilespmem:$0x10F00] =	vst v63  }
0x3c: {  	p0 =	sne.s32 s24, $0x9C00;
	_ =	swait.ge [sflag:s19], $0x2000  }
.Ltmp0:
0x3d: {  	[sflag:s19] =	ssyncset.done $0x0;
	(pc) =	sbr.rel @p0 .LBB2_2-.Ltmp0, $4  }
0x3e: {  	s24 =	sadd.s32 $0x2780, s25;
	[sflag:s19] =	ssyncadd.s32 $0xFFFFE000  }
0x3f: {  	[spmem:s3] =	stream.indirect.scatter.add.f32 [tilespmem:s17], [sflag:$0x2], $0x40, s24, s18, $0xb8;
	[tilespmem:$0x10F00] =	vst v63  }
0x40: {  	_ =	swait.ge [sflag:s15], $0x2000  }
0x41: {  	s24 =	smov.u32 s26;
	[sflag:s15] =	ssyncset.done $0x0  }
0x42: {  	s23 =	sshra.s32 s23, $0x2;
	[sflag:s15] =	ssyncadd.s32 $0xFFFFE000  }
0x43: {  	[tilespmem:s17], [sflag:$0x1] =	stream.indirect.gather [hbm4b:s2+s18], $0x40, s23, s18, $0xb8;
	[tilespmem:$0x10F00] =	vst v63  }
0x44: {  	_ =	swait.ge [sflag:s19], $0x2000  }
0x45: {  	[sflag:s19] =	ssyncset.done $0x0  }
0x46: {  	s23 =	sadd.s32 $0x2780, s23;
	[sflag:s19] =	ssyncadd.s32 $0xFFFFE000  }
0x47: {  	[spmem:s3] =	stream.indirect.scatter.add.f32 [tilespmem:s17], [sflag:$0x2], $0x40, s23, s18, $0xb8;
	[tilespmem:$0x10F00] =	vst v63  }
0x48: {  	_ =	swait.ge [sflag:s15], $0x2000  }
0x49: {  	s22 =	sadd.s32 $0x1, s22;
	[sflag:s15] =	ssyncset.done $0x0  }
0x4a: {  	p0 =	sne.s32 s22, s14;
	[sflag:s15] =	ssyncadd.s32 $0xFFFFE000  }
.Ltmp1:
0x4b: {  	[bflag:$0x0] =	sbarrier.arrive $0xFFFF;
	(pc) =	sbr.rel @p0 .LBB2_1-.Ltmp1, $4  }
0x4c: {  	[hbm:s13], [sflag:s20] =	dma.local [spmem:s21], $0x1400  }
0x4d: {  	_ =	swait.ge [sflag:s15], $0x1400  }
0x4e: {  	[sflag:s15] =	ssyncset.done $0x0  }
0x4f: {  	[sflag:s15] =	ssyncadd.s32 $0xFFFFEC00  }
0x50: {  	_ =	sfence.sel $0x180000  }
0x51: {  	[bflag:$0x0] =	sbarrier.arrive $0xFFFF  }
0x52: {  	p0 =	sne.s32 s0, $0x0;
	_ =	strace $0x9000004A  }
0x53: {  	s0 =	sadd.s32 @!p0 $0x100000, s1;
	[bflag:$0x2] =	sbarrier.arrive $0xFFFF  }
0x54: {  	[sflag:s0] =	ssyncadd.tile.s32 @!p0 $0x1;
	_ =	shalt  }
.Lfunc_end2:
_tile_overlayer_lowered:
.L_overlay_start_2:
0x55: {  	(tag) =	ssettag $0x2  }
0x56: {  	s0 =	rddreg [dreg:$0x0];
	s2 =	stileid.u32  }
0x57: {  	s1 =	rddreg [dreg:$0x1];
	p0 =	sne.s32 s2, $0x0  }
0x58: {  	s3 =	rddreg [dreg:$0x2];
	[bflag:$0x3] =	sbarrier.arrive $0xFFFF;
	s2 =	simm.s32 @!p0 $0x1C02  }
0x59: {  	[timem:s3], [sflag:s2] =	dma.local @!p0 [hbm:s0], s1  }
0x5a: {  	s0 =	simm.s32 @!p0 $0x2  }
0x5b: {  	_ =	swait.ge @!p0 [sflag:s0], s1  }
0x5c: {  	s1 =	ssub.s32 @!p0 $0x0, s1;
	[sflag:s0] =	ssyncset.done @!p0 $0x0  }
0x5d: {  	[sflag:s0] =	ssyncadd.s32 @!p0 s1  }
0x5e: {  	[bflag:$0x3] =	sbarrier.arrive $0xFFFF  }
0x5f: {  	_ =	shalt  }

// kernel: kernel.17.cloned.1.call-start
scs
__scs_entry_jumppad:
0x0: {  	(pc) =	sbr.rel $0x88, $3  }
0x1: {  	(tag) =	ssettag $0x0;
	lr =	simm.s32 $0x1  }
0x2: {  	[smem:$0x3F8B] =	sst lr;
	_ =	strace $0xD0000000  }
0x3: {  	_ = 	snop  }
0x4: {  	_ = 	snop  }
0x5: {  	_ = 	snop  }
0x6: {  	_ = 	snop  }
0x7: {  	_ = 	snop  }
__scs_overlays_trampoline_lowered:
0x8: {  	[smem:$0x3F9A] =	sst s0  }
0x9: {  	[smem:$0x3F9B] =	sst s1  }
0xa: {  	[smem:$0x3F9C] =	sst s2  }
0xb: {  	[smem:$0x3F9D] =	sst s3  }
0xc: {  	[smem:$0x3F9E] =	sst s4  }
0xd: {  	[smem:$0x3F9F] =	sst s5  }
0xe: {  	[smem:$0x3FA0] =	sst s6  }
0xf: {  	[smem:$0x3FA1] =	sst s7  }
0x10: {  	[smem:$0x3FA2] =	sst s8  }
0x11: {  	[smem:$0x3FA3] =	sst s9;
	s0 =	simm.s32 @!p0 $0x0  }
0x12: {  	s1 =	sld [smem:$0x3F89];
	s0 =	simm.s32 @p0 $0x1  }
0x13: {  	[smem:$0x3FA4] =	sst s0;
	s0 =	simm.s32 @!p1 $0x0  }
0x14: {  	s2 =	sld [smem:$0x3F88];
	s0 =	simm.s32 @p1 $0x1  }
0x15: {  	[smem:$0x3FA5] =	sst s0;
	s0 =	simm.s32 @!p2 $0x0  }
0x16: {  	s3 =	sld [smem:$0x3FDB];
	s0 =	simm.s32 @p2 $0x1  }
0x17: {  	s4 =	simm.s32 $0x1BF5;
	[smem:$0x3FA7] =	sst s0  }
0x18: {  	s0 =	sld [smem:$0x3F8A];
	_ =	swait.ge [sflag:s4], $0x0  }
0x19: {  	s7 =	sld [smem:$0x3F8B]  }
0x1a: {  	s8 =	sadd.s32 $0xFFFFE003, lr  }
0x1b: {  	s9 =	sadd.s32 $0xFFFFFEF7, lr;
	s5 =	simm.s32 $0xFFFFFFFF;
	p2 =	slt.u32 s8, $0xFFFFF086  }
0x1c: {  	p1 =	slt.u32 s9, $0xF7A;
	s5 =	simm.s32 @!p2 $0x0  }
0x1d: {  	s5 =	simm.s32 @p1 $0x1;
	p0 =	seq.s32 s7, s2  }
0x1e: {  	s7 =	smul.u32 @!p0 $0xF7A, s2;
	p2 =	seq.s32 @!p0 s5, $0x0  }
0x1f: {  	s9 =	smul.u32 $0xF7A, s1;
	s8 =	simm.s32 @!p0 $0x1BF5;
	p2 =	por !p2, p0  }
0x20: {  	[sflag:s8] =	ssyncset.s32 @!p0 $0xFFFFF086;
	s6 =	sadd.s32 @!p0 s3, s7;
	s7 =	simm.s32 @!p0 $0x108  }
0x21: {  	s3 =	sadd.s32 s3, s9;
	s6 =	sadd.s32 @!p0 $0x88, s6;
	s7 =	simm.s32 @p2 $0x1082  }
0x22: {  	[simem:s7], [sflag:s8] =	dma.local @!p0 [hbm:s6], $0xF7A  }
0x23: {  	s9 =	sor.u32 $0xD0000000, s2;
	s6 =	simm.s32 $0x108;
	_ =	swait.ge @!p0 [sflag:s8], $0x0  }
0x24: {  	s3 =	sadd.s32 $0x88, s3;
	s6 =	simm.s32 @!p1 $0x1082;
	[sflag:s4] =	ssyncset.s32 $0xFFFFF086  }
0x25: {  	[simem:s6], [sflag:s4] =	dma.local [hbm:s3], $0xF7A  }
0x26: {  	[smem:$0x3F8B] =	sst s1;
	(tag) =	ssettag s2;
	_ =	strace s9  }
0x27: {  	s1 =	sld [smem:$0x3F9B]  }
0x28: {  	s2 =	sld [smem:$0x3F9C]  }
0x29: {  	s4 =	sld [smem:$0x3F9E]  }
0x2a: {  	p0 =	seq.s32 s5, $0x0;
	s5 =	sld [smem:$0x3F9F]  }
0x2b: {  	s6 =	sld [smem:$0x3FA0]  }
0x2c: {  	s7 =	sld [smem:$0x3FA1]  }
0x2d: {  	s3 =	simm.s32 $0x108;
	s8 =	sld [smem:$0x3FA2]  }
0x2e: {  	s3 =	simm.s32 @!p0 $0x1082;
	s9 =	sld [smem:$0x3FA3]  }
0x2f: {  	lr =	sadd.s32 s0, s3;
	s0 =	sld [smem:$0x3F9A]  }
0x30: {  	s3 =	sld [smem:$0x3F9D]  }
0x31: {  	[smem:$0x3FA6] =	sst s10  }
0x32: {  	s10 =	sld [smem:$0x3FA4];
	_ =	sdelay $0x3  }
0x33: {  	p0 =	seq.s32 s10, $0x1;
	s10 =	sld [smem:$0x3FA6];
	_ =	sdelay $0x3  }
0x34: {  	[smem:$0x3FA6] =	sst s10  }
0x35: {  	s10 =	sld [smem:$0x3FA5];
	_ =	sdelay $0x3  }
0x36: {  	p1 =	seq.s32 s10, $0x1;
	s10 =	sld [smem:$0x3FA6];
	_ =	sdelay $0x3  }
0x37: {  	[smem:$0x3FA6] =	sst s10  }
0x38: {  	s10 =	sld [smem:$0x3FA7]  }
0x39: {  	_ = 	snop;
	(pc) =	sbr.ind lr, $3  }
0x3a: {  	_ = 	snop  }
0x3b: {  	_ = 	snop  }
0x3c: {  	p2 =	seq.s32 s10, $0x1;
	s10 =	sld [smem:$0x3FA6]  }
0x3d: {  	_ =	shalt  }
0x3e: {  	_ =	shalt  }
0x3f: {  	_ =	shalt  }
0x40: {  	_ =	shalt  }
0x41: {  	_ =	shalt  }
0x42: {  	_ =	shalt  }
0x43: {  	_ =	shalt  }
0x44: {  	_ =	shalt  }
0x45: {  	_ =	shalt  }
0x46: {  	_ =	shalt  }
0x47: {  	_ =	shalt  }
0x48: {  	_ =	shalt  }
0x49: {  	_ =	shalt  }
0x4a: {  	_ =	shalt  }
0x4b: {  	_ =	shalt  }
0x4c: {  	_ =	shalt  }
0x4d: {  	_ =	shalt  }
0x4e: {  	_ =	shalt  }
0x4f: {  	_ =	shalt  }
0x50: {  	_ =	shalt  }
0x51: {  	_ =	shalt  }
0x52: {  	_ =	shalt  }
0x53: {  	_ =	shalt  }
0x54: {  	_ =	shalt  }
0x55: {  	_ =	shalt  }
0x56: {  	_ =	shalt  }
0x57: {  	_ =	shalt  }
0x58: {  	_ =	shalt  }
0x59: {  	_ =	shalt  }
0x5a: {  	_ =	shalt  }
0x5b: {  	_ =	shalt  }
0x5c: {  	_ =	shalt  }
0x5d: {  	_ =	shalt  }
0x5e: {  	_ =	shalt  }
0x5f: {  	_ =	shalt  }
0x60: {  	_ =	shalt  }
0x61: {  	_ =	shalt  }
0x62: {  	_ =	shalt  }
0x63: {  	_ =	shalt  }
0x64: {  	_ =	shalt  }
0x65: {  	_ =	shalt  }
0x66: {  	_ =	shalt  }
0x67: {  	_ =	shalt  }
0x68: {  	_ =	shalt  }
0x69: {  	_ =	shalt  }
0x6a: {  	_ =	shalt  }
0x6b: {  	_ =	shalt  }
0x6c: {  	_ =	shalt  }
0x6d: {  	_ =	shalt  }
0x6e: {  	_ =	shalt  }
0x6f: {  	_ =	shalt  }
0x70: {  	_ =	shalt  }
0x71: {  	_ =	shalt  }
0x72: {  	_ =	shalt  }
0x73: {  	_ =	shalt  }
0x74: {  	_ =	shalt  }
0x75: {  	_ =	shalt  }
0x76: {  	_ =	shalt  }
0x77: {  	_ =	shalt  }
0x78: {  	_ =	shalt  }
0x79: {  	_ =	shalt  }
0x7a: {  	_ =	shalt  }
0x7b: {  	_ =	shalt  }
0x7c: {  	_ =	shalt  }
0x7d: {  	_ =	shalt  }
0x7e: {  	_ =	shalt  }
0x7f: {  	_ =	shalt  }
0x80: {  	_ =	shalt  }
0x81: {  	_ =	shalt  }
0x82: {  	_ =	shalt  }
0x83: {  	_ =	shalt  }
0x84: {  	_ =	shalt  }
0x85: {  	_ =	shalt  }
0x86: {  	_ =	shalt  }
0x87: {  	_ =	shalt  }
.Lfunc_end0:
.L_simem_size_0:
called_computation.2_lowered:
.L_overlay_start_0:
0x88: {  	s2 =	sld [smem:$0x3FD9]  }
0x89: {  	s3 =	sld [smem:$0x3FFE];
	_ =	sdelay $0x1  }
0x8a: {  	s1 =	srdreg.scid  }
0x8b: {  	s0 =	sand.u32 $0x1, s1  }
0x8c: {  	s17 =	sshll.u32 s0, $0xA;
	s2 =	sadd.s32 s3, s2  }
0x8d: {  	s2 =	sadd.s32 s2, s17  }
0x8e: {  	[smem:$0x3FB2] =	sst s2  }
0x8f: {  	_ = 	snop  }
0x90: {  	s2 =	sld [smem:$0x3FD0];
	(tm) =	ssettm $0x1  }
0x91: {  	s18 =	sld [smem:$0x3FFB];
	_ =	sdelay $0x3  }
0x92: {  	_ =	strace s18  }
0x93: {  	s3 =	sld [smem:$0x3FFC];
	_ =	sdelay $0x3  }
0x94: {  	_ =	strace s3  }
0x95: {  	s3 =	sld [smem:$0x3FFD];
	_ =	sdelay $0x3  }
0x96: {  	_ =	strace s3  }
0x97: {  	_ =	strace $0x8FFFFFFF  }
0x98: {  	s19 =	sld [smem:$0x3FDB];
	_ =	sdelay $0x1  }
0x99: {  	s4 =	simm.s32 $_scs_section_size  }
0x9a: {  	s5 =	simm.s32 $_size__tile_overlayer_lowered;
	s6 =	simm.s32 $_tile_overlayer_lowered  }
0x9b: {  	s22 =	simm.s32 $0x1BFF;
	s21 =	sshll.u32 s6, $0x1;
	s3 =	sadd.s32 s4, s19  }
0x9c: {  	s7 =	simm.s32 $0x0;
	s20 =	sshll.u32 s5, $0x1;
	s5 =	sadd.s32 s21, s3  }
0x9d: {  	[timem:s7], [sflag:s22] =	dma.local [hbm:s5], s20  }
0x9e: {  	_ =	swait.ge [sflag:s22], s20  }
0x9f: {  	s4 =	ssub.s32 $0x0, s20;
	[sflag:s22] =	ssyncset.done $0x0  }
0xa0: {  	[sflag:s22] =	ssyncadd.s32 s4;
	_ =	sdelay $0x1  }
0xa1: {  	s23 =	simm.s32 $0x1B8B  }
0xa2: {  	_ =	swait.ge [sflag:s23], $0x1  }
0xa3: {  	[sflag:s23] =	ssyncset.done $0x0  }
0xa4: {  	s25 =	simm.s32 $0x1B8E;
	s24 =	sld [smem:$0x3FFE];
	[sflag:s23] =	ssyncadd.s32 $0xFFFFFFFF  }
0xa5: {  	s26 =	simm.s32 $execute0_lowered;
	[smem:$0x3FD2] =	sst s25  }
0xa6: {  	s5 =	sshll.u32 s26, $0x1;
	_ =	strace $0x8000004C;
	[dreg:$0x1] =	wrdreg $0xFFFFFFFF  }
0xa7: {  	s28 =	simm.s32 $_size_execute0_lowered;
	s3 =	sadd.s32 s3, s5;
	[dreg:$0x0] =	wrdreg $0x0  }
0xa8: {  	s5 =	sshll.u32 s28, $0x1;
	[dreg:$0x2] =	wrdreg s3  }
0xa9: {  	[dreg:$0x3] =	wrdreg s5  }
0xaa: {  	[dreg:$0x4] =	wrdreg $0xC0  }
0xab: {  	_ =	task [dreg:s7], $0x5FFFF  }
0xac: {  	[dreg:$0x1] =	wrdreg $0xFFFFFFFF  }
0xad: {  	[dreg:$0x0] =	wrdreg $0x60  }
0xae: {  	[dreg:$0x2] =	wrdreg s2  }
0xaf: {  	[dreg:$0x3] =	wrdreg s24  }
0xb0: {  	[dreg:$0x4] =	wrdreg $0x6F000  }
0xb1: {  	[dreg:$0x5] =	wrdreg $0x9  }
0xb2: {  	_ =	task.clear_ibuf [dreg:s7], $0x6FFFF;
	_ =	strace $0x9000004C  }
0xb3: {  	s29 =	simm.s32 $0x9;
	_ =	strace $0x8000004E  }
0xb4: {  	_ =	swait.ge [sflag:s29], $0x1  }
0xb5: {  	[sflag:s29] =	ssyncadd.s32 $0xFFFFFFFF  }
0xb6: {  	_ =	strace $0x9000004E  }
0xb7: {  	_ =	sfence  }
0xb8: {  	s30 =	sld [smem:$0x0];
	_ =	sdelay $0x2  }
0xb9: {  	s31 =	sshll.u32 s1, $0xD;
	s1 =	sshrl.u32 s1, $0x2  }
0xba: {  	s3 =	sand.u32 $0x4000, s31;
	s1 =	sadd.s32 s1, s30  }
0xbb: {  	s0 =	sor.u32 s3, s0;
	s1 =	sshll.u32 s1, $0x11  }
0xbc: {  	s0 =	sor.u32 s1, s0  }
0xbd: {  	s0 =	sadd.s32 $0x8F2B, s0  }
0xbe: {  	[sflag:s0] =	ssyncadd.remote.s32 $0x1  }
0xbf: {  	_ =	sfence.sel $0xFFFF  }
0xc0: {  	[dreg:$0x0] =	wrdreg $0xFFFFFFFF;
	(pc) =	sbr.abs _section_cstart, $3  }
0xc1: {  	[dreg:$0x1] =	wrdreg $0xFFFFFFFF  }
0xc2: {  	_ =	task.clear_ibuf [dreg:s7], $0x2FFFF;
	_ =	strace $0x9FFFFFFF  }
0xc3: {  	(tm) =	ssettm $0x7FFFFFFF  }
tec
execute0_lowered:
.L_overlay_start_1:
0x0: {  	(tag) =	ssettag $0x1  }
0x1: {  	s2 =	rddreg [dreg:$0x0]  }
0x2: {  	s6 =	rddreg [dreg:$0x1]  }
0x3: {  	s0 =	srdreg.scid;
	s3 =	rddreg [dreg:$0x2];
	s4 =	simm.s32 $0x0  }
0x4: {  	s15 =	simm.s32 $0x2;
	s16 =	simm.s32 $0x2780;
	s17 =	simm.s32 $0x4F00  }
0x5: {  	s18 =	simm.s32 $0x80;
	s5 =	sand.u32 $0x1, s0;
	s0 =	stileid.u32  }
0x6: {  	s19 =	simm.s32 $0x1;
	s22 =	simm.s32 $0x0;
	s8 =	smul.u32 $0xA000, s0  }
0x7: {  	[smem:$0x7FF] =	sst s4;
	s1 =	sshll.u32 s5, $0x4;
	s9 =	smul.u32 $0xA0000, s5  }
0x8: {  	s10 =	ssub.s32 $0x2, s5;
	s11 =	smul.u32 $0x28000, s0;
	s5 =	sadd.s32 $0x17A00, s6  }
0x9: {  	s20 =	sshll.u32 s0, $0x6;
	s1 =	sor.u32 s0, s1;
	s30 =	sshrl.u32 s10, $0x1  }
0xa: {  	s20 =	sor.u32 $0x1C02, s20;
	s7 =	smul.u32 $0x4F0, s1;
	s1 =	rddreg [dreg:$0x3]  }
0xb: {  	_ =	strace $0x8000004D;
	s9 =	sadd.s32 s8, s9;
	s14 =	ssub.s32 s10, s30  }
0xc: {  	s31 =	sshrl.u32 s11, $0x2;
	s8 =	sadd.s32 s8, s3;
	s9 =	sshrl.u32 s9, $0x3  }
0xd: {  	s12 =	sadd.s32 s31, s3;
	s14 =	smax.u32 s14, $0x1;
	s21 =	sshrl.u32 s8, $0x3  }
0xe: {  	s7 =	sadd.s32 s7, s6;
	s13 =	sadd.s32 s9, s6;
	s9 =	sadd.s32 $0x2000, s12  }
0xf: {  	s10 =	sadd.s32 $0x4000, s12;
	s11 =	sadd.s32 $0x6000, s12;
	s12 =	sadd.s32 $0x8000, s12  }
0x10: {  	s6 =	sadd.s32 $0xD800, s7;
	s7 =	sadd.s32 $0x3A00, s7;
	s13 =	sadd.s32 $0x17E00, s13  }
.LBB2_1:
0x11: {  	[tilespmem:s4], [sflag:$0x2] =	stream.linear.gather [hbm4b:s6+s4], $0x2780, $0x38;
	[tilespmem:$0x10F00] =	vst v63  }
0x12: {  	_ =	swait.ge [sflag:s15], $0x2780  }
0x13: {  	[sflag:s15] =	ssyncset.done $0x0  }
0x14: {  	[sflag:s15] =	ssyncadd.s32 $0xFFFFD880  }
0x15: {  	[tilespmem:s16], [sflag:$0x2] =	stream.linear.gather [hbm4b:s7+s4], $0x2780, $0x38;
	[tilespmem:$0x10F00] =	vst v63  }
0x16: {  	_ =	swait.ge [sflag:s15], $0x2780  }
0x17: {  	[sflag:s15] =	ssyncset.done $0x0  }
0x18: {  	[sflag:s15] =	ssyncadd.s32 $0xFFFFD880  }
0x19: {  	[tilespmem:s17], [sflag:$0x2] =	stream.linear.gather [hbm4b:s5+s4], $0x2000, $0x38;
	[tilespmem:$0x10F00] =	vst v63  }
0x1a: {  	_ =	swait.ge [sflag:s15], $0x2000  }
0x1b: {  	[sflag:s15] =	ssyncset.done $0x0  }
0x1c: {  	[sflag:s15] =	ssyncadd.s32 $0xFFFFE000  }
0x1d: {  	[spmem:s8] =	stream.linear.scatter [tilespmem:s17], [sflag:$0x2], $0x2000, $0x38;
	[tilespmem:$0x10F00] =	vst v63  }
0x1e: {  	_ =	swait.ge [sflag:s15], $0x2000  }
0x1f: {  	[sflag:s15] =	ssyncset.done $0x0  }
0x20: {  	[sflag:s15] =	ssyncadd.s32 $0xFFFFE000  }
0x21: {  	[spmem:s9] =	stream.linear.scatter [tilespmem:s17], [sflag:$0x2], $0x2000, $0x38;
	[tilespmem:$0x10F00] =	vst v63  }
0x22: {  	_ =	swait.ge [sflag:s15], $0x2000  }
0x23: {  	[sflag:s15] =	ssyncset.done $0x0  }
0x24: {  	[sflag:s15] =	ssyncadd.s32 $0xFFFFE000  }
0x25: {  	[spmem:s10] =	stream.linear.scatter [tilespmem:s17], [sflag:$0x2], $0x2000, $0x38;
	[tilespmem:$0x10F00] =	vst v63  }
0x26: {  	_ =	swait.ge [sflag:s15], $0x2000  }
0x27: {  	[sflag:s15] =	ssyncset.done $0x0  }
0x28: {  	[sflag:s15] =	ssyncadd.s32 $0xFFFFE000  }
0x29: {  	[spmem:s11] =	stream.linear.scatter [tilespmem:s17], [sflag:$0x2], $0x2000, $0x38;
	[tilespmem:$0x10F00] =	vst v63  }
0x2a: {  	_ =	swait.ge [sflag:s15], $0x2000  }
0x2b: {  	[sflag:s15] =	ssyncset.done $0x0  }
0x2c: {  	[sflag:s15] =	ssyncadd.s32 $0xFFFFE000  }
0x2d: {  	[spmem:s12] =	stream.linear.scatter [tilespmem:s17], [sflag:$0x2], $0x2000, $0x38;
	[tilespmem:$0x10F00] =	vst v63  }
0x2e: {  	_ =	swait.ge [sflag:s15], $0x2000  }
0x2f: {  	[sflag:s15] =	ssyncset.done $0x0  }
0x30: {  	[sflag:s15] =	ssyncadd.s32 $0xFFFFE000  }
0x31: {  	s23 =	simm.s32 $0x0;
	[bflag:$0x0] =	sbarrier.arrive $0xFFFF  }
0x32: {  	[tilespmem:s17], [sflag:$0x1] =	stream.indirect.gather [hbm4b:s2+s18], $0x40, s23, s18, $0xb8;
	[tilespmem:$0x10F00] =	vst v63  }
0x33: {  	_ =	swait.ge [sflag:s19], $0x2000  }
0x34: {  	[sflag:s19] =	ssyncset.done $0x0  }
0x35: {  	s31 =	simm.s32 $0x2780;
	[sflag:s19] =	ssyncadd.s32 $0xFFFFE000  }
0x36: {  	[spmem:s3] =	stream.indirect.scatter.add.f32 [tilespmem:s17], [sflag:$0x2], $0x40, s31, s18, $0xb8;
	[tilespmem:$0x10F00] =	vst v63  }
0x37: {  	_ =	swait.ge [sflag:s15], $0x2000  }
0x38: {  	s24 =	simm.s32 $0x400;
	s23 =	simm.s32 $0x200;
	[sflag:s15] =	ssyncset.done $0x0  }
.LBB2_2:
0x39: {  	s25 =	sshra.s32 s23, $0x2  }
0x3a: {  	[sflag:s15] =	ssyncadd.s32 $0xFFFFE000;
	s23 =	smov.u32 s24;
	s26 =	sadd.s32 $0x200, s24  }
0x3b: {  	[tilespmem:s17], [sflag:$0x1] =	stream.indirect.gather [hbm4b:s2+s18], $0x40, s25, s18, $0xb8;
	[tilespmem:$0x10F00] =	vst v63  }
0x3c: {  	p0 =	sne.s32 s24, $0x9C00;
	_ =	swait.ge [sflag:s19], $0x2000  }
.Ltmp0:
0x3d: {  	[sflag:s19] =	ssyncset.done $0x0;
	(pc) =	sbr.rel @p0 .LBB2_2-.Ltmp0, $4  }
0x3e: {  	s24 =	sadd.s32 $0x2780, s25;
	[sflag:s19] =	ssyncadd.s32 $0xFFFFE000  }
0x3f: {  	[spmem:s3] =	stream.indirect.scatter.add.f32 [tilespmem:s17], [sflag:$0x2], $0x40, s24, s18, $0xb8;
	[tilespmem:$0x10F00] =	vst v63  }
0x40: {  	_ =	swait.ge [sflag:s15], $0x2000  }
0x41: {  	s24 =	smov.u32 s26;
	[sflag:s15] =	ssyncset.done $0x0  }
0x42: {  	s23 =	sshra.s32 s23, $0x2;
	[sflag:s15] =	ssyncadd.s32 $0xFFFFE000  }
0x43: {  	[tilespmem:s17], [sflag:$0x1] =	stream.indirect.gather [hbm4b:s2+s18], $0x40, s23, s18, $0xb8;
	[tilespmem:$0x10F00] =	vst v63  }
0x44: {  	_ =	swait.ge [sflag:s19], $0x2000  }
0x45: {  	[sflag:s19] =	ssyncset.done $0x0  }
0x46: {  	s23 =	sadd.s32 $0x2780, s23;
	[sflag:s19] =	ssyncadd.s32 $0xFFFFE000  }
0x47: {  	[spmem:s3] =	stream.indirect.scatter.add.f32 [tilespmem:s17], [sflag:$0x2], $0x40, s23, s18, $0xb8;
	[tilespmem:$0x10F00] =	vst v63  }
0x48: {  	_ =	swait.ge [sflag:s15], $0x2000  }
0x49: {  	s22 =	sadd.s32 $0x1, s22;
	[sflag:s15] =	ssyncset.done $0x0  }
0x4a: {  	p0 =	sne.s32 s22, s14;
	[sflag:s15] =	ssyncadd.s32 $0xFFFFE000  }
.Ltmp1:
0x4b: {  	[bflag:$0x0] =	sbarrier.arrive $0xFFFF;
	(pc) =	sbr.rel @p0 .LBB2_1-.Ltmp1, $4  }
0x4c: {  	[hbm:s13], [sflag:s20] =	dma.local [spmem:s21], $0x1400  }
0x4d: {  	_ =	swait.ge [sflag:s15], $0x1400  }
0x4e: {  	[sflag:s15] =	ssyncset.done $0x0  }
0x4f: {  	[sflag:s15] =	ssyncadd.s32 $0xFFFFEC00  }
0x50: {  	_ =	sfence.sel $0x180000  }
0x51: {  	[bflag:$0x0] =	sbarrier.arrive $0xFFFF  }
0x52: {  	p0 =	sne.s32 s0, $0x0;
	_ =	strace $0x9000004D  }
0x53: {  	s0 =	sadd.s32 @!p0 $0x100000, s1;
	[bflag:$0x2] =	sbarrier.arrive $0xFFFF  }
0x54: {  	[sflag:s0] =	ssyncadd.tile.s32 @!p0 $0x1;
	_ =	shalt  }
.Lfunc_end2:
_tile_overlayer_lowered:
.L_overlay_start_2:
0x55: {  	(tag) =	ssettag $0x2  }
0x56: {  	s0 =	rddreg [dreg:$0x0];
	s2 =	stileid.u32  }
0x57: {  	s1 =	rddreg [dreg:$0x1];
	p0 =	sne.s32 s2, $0x0  }
0x58: {  	s3 =	rddreg [dreg:$0x2];
	[bflag:$0x3] =	sbarrier.arrive $0xFFFF;
	s2 =	simm.s32 @!p0 $0x1C02  }
0x59: {  	[timem:s3], [sflag:s2] =	dma.local @!p0 [hbm:s0], s1  }
0x5a: {  	s0 =	simm.s32 @!p0 $0x2  }
0x5b: {  	_ =	swait.ge @!p0 [sflag:s0], s1  }
0x5c: {  	s1 =	ssub.s32 @!p0 $0x0, s1;
	[sflag:s0] =	ssyncset.done @!p0 $0x0  }
0x5d: {  	[sflag:s0] =	ssyncadd.s32 @!p0 s1  }
0x5e: {  	[bflag:$0x3] =	sbarrier.arrive $0xFFFF  }
0x5f: {  	_ =	shalt  }

// kernel: kernel.20.cloned.1.call-start
scs
__scs_entry_jumppad:
0x0: {  	(pc) =	sbr.rel $0x88, $3  }
0x1: {  	(tag) =	ssettag $0x0;
	lr =	simm.s32 $0x1  }
0x2: {  	[smem:$0x3F8B] =	sst lr;
	_ =	strace $0xD0000000  }
0x3: {  	_ = 	snop  }
0x4: {  	_ = 	snop  }
0x5: {  	_ = 	snop  }
0x6: {  	_ = 	snop  }
0x7: {  	_ = 	snop  }
__scs_overlays_trampoline_lowered:
0x8: {  	[smem:$0x3F9A] =	sst s0  }
0x9: {  	[smem:$0x3F9B] =	sst s1  }
0xa: {  	[smem:$0x3F9C] =	sst s2  }
0xb: {  	[smem:$0x3F9D] =	sst s3  }
0xc: {  	[smem:$0x3F9E] =	sst s4  }
0xd: {  	[smem:$0x3F9F] =	sst s5  }
0xe: {  	[smem:$0x3FA0] =	sst s6  }
0xf: {  	[smem:$0x3FA1] =	sst s7  }
0x10: {  	[smem:$0x3FA2] =	sst s8  }
0x11: {  	[smem:$0x3FA3] =	sst s9;
	s0 =	simm.s32 @!p0 $0x0  }
0x12: {  	s1 =	sld [smem:$0x3F89];
	s0 =	simm.s32 @p0 $0x1  }
0x13: {  	[smem:$0x3FA4] =	sst s0;
	s0 =	simm.s32 @!p1 $0x0  }
0x14: {  	s2 =	sld [smem:$0x3F88];
	s0 =	simm.s32 @p1 $0x1  }
0x15: {  	[smem:$0x3FA5] =	sst s0;
	s0 =	simm.s32 @!p2 $0x0  }
0x16: {  	s3 =	sld [smem:$0x3FDB];
	s0 =	simm.s32 @p2 $0x1  }
0x17: {  	s4 =	simm.s32 $0x1BF5;
	[smem:$0x3FA7] =	sst s0  }
0x18: {  	s0 =	sld [smem:$0x3F8A];
	_ =	swait.ge [sflag:s4], $0x0  }
0x19: {  	s7 =	sld [smem:$0x3F8B]  }
0x1a: {  	s8 =	sadd.s32 $0xFFFFE003, lr  }
0x1b: {  	s9 =	sadd.s32 $0xFFFFFEF7, lr;
	s5 =	simm.s32 $0xFFFFFFFF;
	p2 =	slt.u32 s8, $0xFFFFF086  }
0x1c: {  	p1 =	slt.u32 s9, $0xF7A;
	s5 =	simm.s32 @!p2 $0x0  }
0x1d: {  	s5 =	simm.s32 @p1 $0x1;
	p0 =	seq.s32 s7, s2  }
0x1e: {  	s7 =	smul.u32 @!p0 $0xF7A, s2;
	p2 =	seq.s32 @!p0 s5, $0x0  }
0x1f: {  	s9 =	smul.u32 $0xF7A, s1;
	s8 =	simm.s32 @!p0 $0x1BF5;
	p2 =	por !p2, p0  }
0x20: {  	[sflag:s8] =	ssyncset.s32 @!p0 $0xFFFFF086;
	s6 =	sadd.s32 @!p0 s3, s7;
	s7 =	simm.s32 @!p0 $0x108  }
0x21: {  	s3 =	sadd.s32 s3, s9;
	s6 =	sadd.s32 @!p0 $0x88, s6;
	s7 =	simm.s32 @p2 $0x1082  }
0x22: {  	[simem:s7], [sflag:s8] =	dma.local @!p0 [hbm:s6], $0xF7A  }
0x23: {  	s9 =	sor.u32 $0xD0000000, s2;
	s6 =	simm.s32 $0x108;
	_ =	swait.ge @!p0 [sflag:s8], $0x0  }
0x24: {  	s3 =	sadd.s32 $0x88, s3;
	s6 =	simm.s32 @!p1 $0x1082;
	[sflag:s4] =	ssyncset.s32 $0xFFFFF086  }
0x25: {  	[simem:s6], [sflag:s4] =	dma.local [hbm:s3], $0xF7A  }
0x26: {  	[smem:$0x3F8B] =	sst s1;
	(tag) =	ssettag s2;
	_ =	strace s9  }
0x27: {  	s1 =	sld [smem:$0x3F9B]  }
0x28: {  	s2 =	sld [smem:$0x3F9C]  }
0x29: {  	s4 =	sld [smem:$0x3F9E]  }
0x2a: {  	p0 =	seq.s32 s5, $0x0;
	s5 =	sld [smem:$0x3F9F]  }
0x2b: {  	s6 =	sld [smem:$0x3FA0]  }
0x2c: {  	s7 =	sld [smem:$0x3FA1]  }
0x2d: {  	s3 =	simm.s32 $0x108;
	s8 =	sld [smem:$0x3FA2]  }
0x2e: {  	s3 =	simm.s32 @!p0 $0x1082;
	s9 =	sld [smem:$0x3FA3]  }
0x2f: {  	lr =	sadd.s32 s0, s3;
	s0 =	sld [smem:$0x3F9A]  }
0x30: {  	s3 =	sld [smem:$0x3F9D]  }
0x31: {  	[smem:$0x3FA6] =	sst s10  }
0x32: {  	s10 =	sld [smem:$0x3FA4];
	_ =	sdelay $0x3  }
0x33: {  	p0 =	seq.s32 s10, $0x1;
	s10 =	sld [smem:$0x3FA6];
	_ =	sdelay $0x3  }
0x34: {  	[smem:$0x3FA6] =	sst s10  }
0x35: {  	s10 =	sld [smem:$0x3FA5];
	_ =	sdelay $0x3  }
0x36: {  	p1 =	seq.s32 s10, $0x1;
	s10 =	sld [smem:$0x3FA6];
	_ =	sdelay $0x3  }
0x37: {  	[smem:$0x3FA6] =	sst s10  }
0x38: {  	s10 =	sld [smem:$0x3FA7]  }
0x39: {  	_ = 	snop;
	(pc) =	sbr.ind lr, $3  }
0x3a: {  	_ = 	snop  }
0x3b: {  	_ = 	snop  }
0x3c: {  	p2 =	seq.s32 s10, $0x1;
	s10 =	sld [smem:$0x3FA6]  }
0x3d: {  	_ =	shalt  }
0x3e: {  	_ =	shalt  }
0x3f: {  	_ =	shalt  }
0x40: {  	_ =	shalt  }
0x41: {  	_ =	shalt  }
0x42: {  	_ =	shalt  }
0x43: {  	_ =	shalt  }
0x44: {  	_ =	shalt  }
0x45: {  	_ =	shalt  }
0x46: {  	_ =	shalt  }
0x47: {  	_ =	shalt  }
0x48: {  	_ =	shalt  }
0x49: {  	_ =	shalt  }
0x4a: {  	_ =	shalt  }
0x4b: {  	_ =	shalt  }
0x4c: {  	_ =	shalt  }
0x4d: {  	_ =	shalt  }
0x4e: {  	_ =	shalt  }
0x4f: {  	_ =	shalt  }
0x50: {  	_ =	shalt  }
0x51: {  	_ =	shalt  }
0x52: {  	_ =	shalt  }
0x53: {  	_ =	shalt  }
0x54: {  	_ =	shalt  }
0x55: {  	_ =	shalt  }
0x56: {  	_ =	shalt  }
0x57: {  	_ =	shalt  }
0x58: {  	_ =	shalt  }
0x59: {  	_ =	shalt  }
0x5a: {  	_ =	shalt  }
0x5b: {  	_ =	shalt  }
0x5c: {  	_ =	shalt  }
0x5d: {  	_ =	shalt  }
0x5e: {  	_ =	shalt  }
0x5f: {  	_ =	shalt  }
0x60: {  	_ =	shalt  }
0x61: {  	_ =	shalt  }
0x62: {  	_ =	shalt  }
0x63: {  	_ =	shalt  }
0x64: {  	_ =	shalt  }
0x65: {  	_ =	shalt  }
0x66: {  	_ =	shalt  }
0x67: {  	_ =	shalt  }
0x68: {  	_ =	shalt  }
0x69: {  	_ =	shalt  }
0x6a: {  	_ =	shalt  }
0x6b: {  	_ =	shalt  }
0x6c: {  	_ =	shalt  }
0x6d: {  	_ =	shalt  }
0x6e: {  	_ =	shalt  }
0x6f: {  	_ =	shalt  }
0x70: {  	_ =	shalt  }
0x71: {  	_ =	shalt  }
0x72: {  	_ =	shalt  }
0x73: {  	_ =	shalt  }
0x74: {  	_ =	shalt  }
0x75: {  	_ =	shalt  }
0x76: {  	_ =	shalt  }
0x77: {  	_ =	shalt  }
0x78: {  	_ =	shalt  }
0x79: {  	_ =	shalt  }
0x7a: {  	_ =	shalt  }
0x7b: {  	_ =	shalt  }
0x7c: {  	_ =	shalt  }
0x7d: {  	_ =	shalt  }
0x7e: {  	_ =	shalt  }
0x7f: {  	_ =	shalt  }
0x80: {  	_ =	shalt  }
0x81: {  	_ =	shalt  }
0x82: {  	_ =	shalt  }
0x83: {  	_ =	shalt  }
0x84: {  	_ =	shalt  }
0x85: {  	_ =	shalt  }
0x86: {  	_ =	shalt  }
0x87: {  	_ =	shalt  }
.Lfunc_end0:
.L_simem_size_0:
called_computation.3_lowered:
.L_overlay_start_0:
0x88: {  	s2 =	sld [smem:$0x3FD9]  }
0x89: {  	s3 =	sld [smem:$0x3FFE];
	_ =	sdelay $0x1  }
0x8a: {  	s1 =	srdreg.scid  }
0x8b: {  	s0 =	sand.u32 $0x1, s1  }
0x8c: {  	s17 =	sshll.u32 s0, $0xA;
	s2 =	sadd.s32 s3, s2  }
0x8d: {  	s2 =	sadd.s32 s2, s17  }
0x8e: {  	[smem:$0x3FB2] =	sst s2  }
0x8f: {  	_ = 	snop  }
0x90: {  	s2 =	sld [smem:$0x3FD0];
	(tm) =	ssettm $0x1  }
0x91: {  	s18 =	sld [smem:$0x3FFB];
	_ =	sdelay $0x3  }
0x92: {  	_ =	strace s18  }
0x93: {  	s3 =	sld [smem:$0x3FFC];
	_ =	sdelay $0x3  }
0x94: {  	_ =	strace s3  }
0x95: {  	s3 =	sld [smem:$0x3FFD];
	_ =	sdelay $0x3  }
0x96: {  	_ =	strace s3  }
0x97: {  	_ =	strace $0x8FFFFFFF  }
0x98: {  	s19 =	sld [smem:$0x3FDB];
	_ =	sdelay $0x1  }
0x99: {  	s4 =	simm.s32 $_scs_section_size  }
0x9a: {  	s5 =	simm.s32 $_size__tile_overlayer_lowered;
	s6 =	simm.s32 $_tile_overlayer_lowered  }
0x9b: {  	s22 =	simm.s32 $0x1BFF;
	s21 =	sshll.u32 s6, $0x1;
	s3 =	sadd.s32 s4, s19  }
0x9c: {  	s7 =	simm.s32 $0x0;
	s20 =	sshll.u32 s5, $0x1;
	s5 =	sadd.s32 s21, s3  }
0x9d: {  	[timem:s7], [sflag:s22] =	dma.local [hbm:s5], s20  }
0x9e: {  	_ =	swait.ge [sflag:s22], s20  }
0x9f: {  	s4 =	ssub.s32 $0x0, s20;
	[sflag:s22] =	ssyncset.done $0x0  }
0xa0: {  	[sflag:s22] =	ssyncadd.s32 s4;
	_ =	sdelay $0x1  }
0xa1: {  	s23 =	simm.s32 $0x1B8B  }
0xa2: {  	_ =	swait.ge [sflag:s23], $0x1  }
0xa3: {  	[sflag:s23] =	ssyncset.done $0x0  }
0xa4: {  	s25 =	simm.s32 $0x1B8E;
	s24 =	sld [smem:$0x3FFE];
	[sflag:s23] =	ssyncadd.s32 $0xFFFFFFFF  }
0xa5: {  	s26 =	simm.s32 $execute0_lowered;
	[smem:$0x3FD2] =	sst s25  }
0xa6: {  	s5 =	sshll.u32 s26, $0x1;
	_ =	strace $0x8000004F;
	[dreg:$0x1] =	wrdreg $0xFFFFFFFF  }
0xa7: {  	s28 =	simm.s32 $_size_execute0_lowered;
	s3 =	sadd.s32 s3, s5;
	[dreg:$0x0] =	wrdreg $0x0  }
0xa8: {  	s5 =	sshll.u32 s28, $0x1;
	[dreg:$0x2] =	wrdreg s3  }
0xa9: {  	[dreg:$0x3] =	wrdreg s5  }
0xaa: {  	[dreg:$0x4] =	wrdreg $0xC0  }
0xab: {  	_ =	task [dreg:s7], $0x5FFFF  }
0xac: {  	[dreg:$0x1] =	wrdreg $0xFFFFFFFF  }
0xad: {  	[dreg:$0x0] =	wrdreg $0x60  }
0xae: {  	[dreg:$0x2] =	wrdreg s2  }
0xaf: {  	[dreg:$0x3] =	wrdreg s24  }
0xb0: {  	[dreg:$0x4] =	wrdreg $0x6F000  }
0xb1: {  	[dreg:$0x5] =	wrdreg $0x9  }
0xb2: {  	_ =	task.clear_ibuf [dreg:s7], $0x6FFFF;
	_ =	strace $0x9000004F  }
0xb3: {  	s29 =	simm.s32 $0x9;
	_ =	strace $0x80000051  }
0xb4: {  	_ =	swait.ge [sflag:s29], $0x1  }
0xb5: {  	[sflag:s29] =	ssyncadd.s32 $0xFFFFFFFF  }
0xb6: {  	_ =	strace $0x90000051  }
0xb7: {  	_ =	sfence  }
0xb8: {  	s30 =	sld [smem:$0x0];
	_ =	sdelay $0x2  }
0xb9: {  	s31 =	sshll.u32 s1, $0xD;
	s1 =	sshrl.u32 s1, $0x2  }
0xba: {  	s3 =	sand.u32 $0x4000, s31;
	s1 =	sadd.s32 s1, s30  }
0xbb: {  	s0 =	sor.u32 s3, s0;
	s1 =	sshll.u32 s1, $0x11  }
0xbc: {  	s0 =	sor.u32 s1, s0  }
0xbd: {  	s0 =	sadd.s32 $0x8F2B, s0  }
0xbe: {  	[sflag:s0] =	ssyncadd.remote.s32 $0x1  }
0xbf: {  	_ =	sfence.sel $0xFFFF  }
0xc0: {  	[dreg:$0x0] =	wrdreg $0xFFFFFFFF;
	(pc) =	sbr.abs _section_cstart, $3  }
0xc1: {  	[dreg:$0x1] =	wrdreg $0xFFFFFFFF  }
0xc2: {  	_ =	task.clear_ibuf [dreg:s7], $0x2FFFF;
	_ =	strace $0x9FFFFFFF  }
0xc3: {  	(tm) =	ssettm $0x7FFFFFFF  }
tec
execute0_lowered:
.L_overlay_start_1:
0x0: {  	(tag) =	ssettag $0x1  }
0x1: {  	s2 =	rddreg [dreg:$0x0]  }
0x2: {  	s6 =	rddreg [dreg:$0x1]  }
0x3: {  	s0 =	srdreg.scid;
	s3 =	rddreg [dreg:$0x2];
	s4 =	simm.s32 $0x0  }
0x4: {  	s15 =	simm.s32 $0x2;
	s16 =	simm.s32 $0x2780;
	s17 =	simm.s32 $0x4F00  }
0x5: {  	s18 =	simm.s32 $0x80;
	s5 =	sand.u32 $0x1, s0;
	s0 =	stileid.u32  }
0x6: {  	s19 =	simm.s32 $0x1;
	s22 =	simm.s32 $0x0;
	s8 =	smul.u32 $0xA000, s0  }
0x7: {  	[smem:$0x7FF] =	sst s4;
	s1 =	sshll.u32 s5, $0x4;
	s9 =	smul.u32 $0xA0000, s5  }
0x8: {  	s10 =	ssub.s32 $0x2, s5;
	s11 =	smul.u32 $0x28000, s0;
	s5 =	sadd.s32 $0x17A00, s6  }
0x9: {  	s20 =	sshll.u32 s0, $0x6;
	s1 =	sor.u32 s0, s1;
	s30 =	sshrl.u32 s10, $0x1  }
0xa: {  	s20 =	sor.u32 $0x1C02, s20;
	s7 =	smul.u32 $0x4F0, s1;
	s1 =	rddreg [dreg:$0x3]  }
0xb: {  	_ =	strace $0x80000050;
	s9 =	sadd.s32 s8, s9;
	s14 =	ssub.s32 s10, s30  }
0xc: {  	s31 =	sshrl.u32 s11, $0x2;
	s8 =	sadd.s32 s8, s3;
	s9 =	sshrl.u32 s9, $0x3  }
0xd: {  	s12 =	sadd.s32 s31, s3;
	s14 =	smax.u32 s14, $0x1;
	s21 =	sshrl.u32 s8, $0x3  }
0xe: {  	s7 =	sadd.s32 s7, s6;
	s13 =	sadd.s32 s9, s6;
	s9 =	sadd.s32 $0x2000, s12  }
0xf: {  	s10 =	sadd.s32 $0x4000, s12;
	s11 =	sadd.s32 $0x6000, s12;
	s12 =	sadd.s32 $0x8000, s12  }
0x10: {  	s6 =	sadd.s32 $0xD800, s7;
	s7 =	sadd.s32 $0x3A00, s7;
	s13 =	sadd.s32 $0x17E00, s13  }
.LBB2_1:
0x11: {  	[tilespmem:s4], [sflag:$0x2] =	stream.linear.gather [hbm4b:s6+s4], $0x2780, $0x38;
	[tilespmem:$0x10F00] =	vst v63  }
0x12: {  	_ =	swait.ge [sflag:s15], $0x2780  }
0x13: {  	[sflag:s15] =	ssyncset.done $0x0  }
0x14: {  	[sflag:s15] =	ssyncadd.s32 $0xFFFFD880  }
0x15: {  	[tilespmem:s16], [sflag:$0x2] =	stream.linear.gather [hbm4b:s7+s4], $0x2780, $0x38;
	[tilespmem:$0x10F00] =	vst v63  }
0x16: {  	_ =	swait.ge [sflag:s15], $0x2780  }
0x17: {  	[sflag:s15] =	ssyncset.done $0x0  }
0x18: {  	[sflag:s15] =	ssyncadd.s32 $0xFFFFD880  }
0x19: {  	[tilespmem:s17], [sflag:$0x2] =	stream.linear.gather [hbm4b:s5+s4], $0x2000, $0x38;
	[tilespmem:$0x10F00] =	vst v63  }
0x1a: {  	_ =	swait.ge [sflag:s15], $0x2000  }
0x1b: {  	[sflag:s15] =	ssyncset.done $0x0  }
0x1c: {  	[sflag:s15] =	ssyncadd.s32 $0xFFFFE000  }
0x1d: {  	[spmem:s8] =	stream.linear.scatter [tilespmem:s17], [sflag:$0x2], $0x2000, $0x38;
	[tilespmem:$0x10F00] =	vst v63  }
0x1e: {  	_ =	swait.ge [sflag:s15], $0x2000  }
0x1f: {  	[sflag:s15] =	ssyncset.done $0x0  }
0x20: {  	[sflag:s15] =	ssyncadd.s32 $0xFFFFE000  }
0x21: {  	[spmem:s9] =	stream.linear.scatter [tilespmem:s17], [sflag:$0x2], $0x2000, $0x38;
	[tilespmem:$0x10F00] =	vst v63  }
0x22: {  	_ =	swait.ge [sflag:s15], $0x2000  }
0x23: {  	[sflag:s15] =	ssyncset.done $0x0  }
0x24: {  	[sflag:s15] =	ssyncadd.s32 $0xFFFFE000  }
0x25: {  	[spmem:s10] =	stream.linear.scatter [tilespmem:s17], [sflag:$0x2], $0x2000, $0x38;
	[tilespmem:$0x10F00] =	vst v63  }
0x26: {  	_ =	swait.ge [sflag:s15], $0x2000  }
0x27: {  	[sflag:s15] =	ssyncset.done $0x0  }
0x28: {  	[sflag:s15] =	ssyncadd.s32 $0xFFFFE000  }
0x29: {  	[spmem:s11] =	stream.linear.scatter [tilespmem:s17], [sflag:$0x2], $0x2000, $0x38;
	[tilespmem:$0x10F00] =	vst v63  }
0x2a: {  	_ =	swait.ge [sflag:s15], $0x2000  }
0x2b: {  	[sflag:s15] =	ssyncset.done $0x0  }
0x2c: {  	[sflag:s15] =	ssyncadd.s32 $0xFFFFE000  }
0x2d: {  	[spmem:s12] =	stream.linear.scatter [tilespmem:s17], [sflag:$0x2], $0x2000, $0x38;
	[tilespmem:$0x10F00] =	vst v63  }
0x2e: {  	_ =	swait.ge [sflag:s15], $0x2000  }
0x2f: {  	[sflag:s15] =	ssyncset.done $0x0  }
0x30: {  	[sflag:s15] =	ssyncadd.s32 $0xFFFFE000  }
0x31: {  	s23 =	simm.s32 $0x0;
	[bflag:$0x0] =	sbarrier.arrive $0xFFFF  }
0x32: {  	[tilespmem:s17], [sflag:$0x1] =	stream.indirect.gather [hbm4b:s2+s18], $0x40, s23, s18, $0xb8;
	[tilespmem:$0x10F00] =	vst v63  }
0x33: {  	_ =	swait.ge [sflag:s19], $0x2000  }
0x34: {  	[sflag:s19] =	ssyncset.done $0x0  }
0x35: {  	s31 =	simm.s32 $0x2780;
	[sflag:s19] =	ssyncadd.s32 $0xFFFFE000  }
0x36: {  	[spmem:s3] =	stream.indirect.scatter.add.f32 [tilespmem:s17], [sflag:$0x2], $0x40, s31, s18, $0xb8;
	[tilespmem:$0x10F00] =	vst v63  }
0x37: {  	_ =	swait.ge [sflag:s15], $0x2000  }
0x38: {  	s24 =	simm.s32 $0x400;
	s23 =	simm.s32 $0x200;
	[sflag:s15] =	ssyncset.done $0x0  }
.LBB2_2:
0x39: {  	s25 =	sshra.s32 s23, $0x2  }
0x3a: {  	[sflag:s15] =	ssyncadd.s32 $0xFFFFE000;
	s23 =	smov.u32 s24;
	s26 =	sadd.s32 $0x200, s24  }
0x3b: {  	[tilespmem:s17], [sflag:$0x1] =	stream.indirect.gather [hbm4b:s2+s18], $0x40, s25, s18, $0xb8;
	[tilespmem:$0x10F00] =	vst v63  }
0x3c: {  	p0 =	sne.s32 s24, $0x9C00;
	_ =	swait.ge [sflag:s19], $0x2000  }
.Ltmp0:
0x3d: {  	[sflag:s19] =	ssyncset.done $0x0;
	(pc) =	sbr.rel @p0 .LBB2_2-.Ltmp0, $4  }
0x3e: {  	s24 =	sadd.s32 $0x2780, s25;
	[sflag:s19] =	ssyncadd.s32 $0xFFFFE000  }
0x3f: {  	[spmem:s3] =	stream.indirect.scatter.add.f32 [tilespmem:s17], [sflag:$0x2], $0x40, s24, s18, $0xb8;
	[tilespmem:$0x10F00] =	vst v63  }
0x40: {  	_ =	swait.ge [sflag:s15], $0x2000  }
0x41: {  	s24 =	smov.u32 s26;
	[sflag:s15] =	ssyncset.done $0x0  }
0x42: {  	s23 =	sshra.s32 s23, $0x2;
	[sflag:s15] =	ssyncadd.s32 $0xFFFFE000  }
0x43: {  	[tilespmem:s17], [sflag:$0x1] =	stream.indirect.gather [hbm4b:s2+s18], $0x40, s23, s18, $0xb8;
	[tilespmem:$0x10F00] =	vst v63  }
0x44: {  	_ =	swait.ge [sflag:s19], $0x2000  }
0x45: {  	[sflag:s19] =	ssyncset.done $0x0  }
0x46: {  	s23 =	sadd.s32 $0x2780, s23;
	[sflag:s19] =	ssyncadd.s32 $0xFFFFE000  }
0x47: {  	[spmem:s3] =	stream.indirect.scatter.add.f32 [tilespmem:s17], [sflag:$0x2], $0x40, s23, s18, $0xb8;
	[tilespmem:$0x10F00] =	vst v63  }
0x48: {  	_ =	swait.ge [sflag:s15], $0x2000  }
0x49: {  	s22 =	sadd.s32 $0x1, s22;
	[sflag:s15] =	ssyncset.done $0x0  }
0x4a: {  	p0 =	sne.s32 s22, s14;
	[sflag:s15] =	ssyncadd.s32 $0xFFFFE000  }
.Ltmp1:
0x4b: {  	[bflag:$0x0] =	sbarrier.arrive $0xFFFF;
	(pc) =	sbr.rel @p0 .LBB2_1-.Ltmp1, $4  }
0x4c: {  	[hbm:s13], [sflag:s20] =	dma.local [spmem:s21], $0x1400  }
0x4d: {  	_ =	swait.ge [sflag:s15], $0x1400  }
0x4e: {  	[sflag:s15] =	ssyncset.done $0x0  }
0x4f: {  	[sflag:s15] =	ssyncadd.s32 $0xFFFFEC00  }
0x50: {  	_ =	sfence.sel $0x180000  }
0x51: {  	[bflag:$0x0] =	sbarrier.arrive $0xFFFF  }
0x52: {  	p0 =	sne.s32 s0, $0x0;
	_ =	strace $0x90000050  }
0x53: {  	s0 =	sadd.s32 @!p0 $0x100000, s1;
	[bflag:$0x2] =	sbarrier.arrive $0xFFFF  }
0x54: {  	[sflag:s0] =	ssyncadd.tile.s32 @!p0 $0x1;
	_ =	shalt  }
.Lfunc_end2:
_tile_overlayer_lowered:
.L_overlay_start_2:
0x55: {  	(tag) =	ssettag $0x2  }
0x56: {  	s0 =	rddreg [dreg:$0x0];
	s2 =	stileid.u32  }
0x57: {  	s1 =	rddreg [dreg:$0x1];
	p0 =	sne.s32 s2, $0x0  }
0x58: {  	s3 =	rddreg [dreg:$0x2];
	[bflag:$0x3] =	sbarrier.arrive $0xFFFF;
	s2 =	simm.s32 @!p0 $0x1C02  }
0x59: {  	[timem:s3], [sflag:s2] =	dma.local @!p0 [hbm:s0], s1  }
0x5a: {  	s0 =	simm.s32 @!p0 $0x2  }
0x5b: {  	_ =	swait.ge @!p0 [sflag:s0], s1  }
0x5c: {  	s1 =	ssub.s32 @!p0 $0x0, s1;
	[sflag:s0] =	ssyncset.done @!p0 $0x0  }
0x5d: {  	[sflag:s0] =	ssyncadd.s32 @!p0 s1  }
0x5e: {  	[bflag:$0x3] =	sbarrier.arrive $0xFFFF  }
0x5f: {  	_ =	shalt  }

</sc_bundles>
